<compile_context>
chip_gen: v7x
topology: tpu7x:2x2x1
jax: 0.10.2.dev20260603
libtpu: 0.0.44.dev20260713+nightly
codegen_flags: <defaults>
</compile_context>

<pallas_src>
import functools

import jax
import jax.numpy as jnp
from jax.experimental import pallas as pl
from jax.experimental.pallas import tpu as pltpu
from jax.experimental.pallas import tpu_sc as plsc

_GRID = 10
_NSEG = _GRID * _GRID
_INTERVAL = 0.2
_EPS = 1e-5
_B = 8
_N = 16384
_TOT = _B * _N
_NEG = -1e30

_PCH = 1024
_NPCH = _N // _PCH
_SB = 128
_NSB = _PCH // _SB
_CH = 128
_NCHUNK = _N // _CH
_MCH = 2048
_NM = _N // _MCH
_WPM = _MCH // _CH

_NW = 32
_RPW = _TOT // _NW
_IDXROWS_PW = _RPW // 128
_PW = 16


def _bins(xc):
    f32 = jnp.float32
    y = xc[:, 0:1]
    z = xc[:, 1:2]
    xx = xc[:, 2:3]
    swapped = jnp.concatenate([z, y, xx], axis=1)
    ybin = jnp.floor(jnp.clip(y + 1.0, 0.0, 1.99) / _INTERVAL)
    xbin = jnp.floor(jnp.clip(xx + 1.0, 0.0, 1.99) / _INTERVAL)
    pidf = ybin * float(_GRID) + xbin
    pidi = pidf.astype(jnp.int32)
    n = xc.shape[0]
    iota = jax.lax.broadcasted_iota(jnp.int32, (n, _NSEG), 1)
    onehot = (iota == pidi).astype(f32)
    return swapped, pidf, pidi, onehot


_HI = jax.lax.Precision.HIGHEST


def _prep1_body(x_ref, packed_ref, cen_ref, cnt_ref, seg_ref, bnd_ref,
                base_ref, sums_ref):
    f32 = jnp.float32
    c = pl.program_id(1)

    swapped, pidf, _, onehot = _bins(x_ref[0])
    packed_ref[...] = jnp.concatenate(
        [swapped, pidf, jnp.zeros((_PCH, _PW - 4), f32)], axis=1)
    chunk_cnt_row = jnp.sum(onehot, axis=0, keepdims=True)
    chunk_sums = jax.lax.dot_general(
        onehot, swapped, (((0,), (0,)), ((), ())), preferred_element_type=f32)

    @pl.when(c == 0)
    def _():
        base_ref[...] = jnp.zeros((1, _NSEG), f32)
        sums_ref[...] = jnp.zeros((_NSEG, 3), f32)

    base_ref[...] += chunk_cnt_row
    sums_ref[...] += chunk_sums

    @pl.when(c == _NPCH - 1)
    def _():
        ri100 = jax.lax.broadcasted_iota(jnp.int32, (_NSEG, _NSEG), 0)
        ci100 = jax.lax.broadcasted_iota(jnp.int32, (_NSEG, _NSEG), 1)
        lt100 = (ci100 < ri100).astype(f32)
        eye100 = (ri100 == ci100).astype(f32)
        base = jnp.round(jax.lax.dot_general(
            eye100, base_ref[...], (((1,), (1,)), ((), ())),
            precision=_HI, preferred_element_type=f32))
        cnt_ref[0] = base
        cen_ref[0] = sums_ref[...] / jnp.maximum(base, 1.0)
        seg_start = jnp.round(jnp.dot(lt100, base, precision=_HI,
                                      preferred_element_type=f32))
        seg_ref[0] = jax.lax.dot_general(
            seg_start, eye100, (((0,), (0,)), ((), ())),
            precision=_HI, preferred_element_type=f32)
        ends_i = (seg_start + base).astype(jnp.int32)
        pvec = jax.lax.broadcasted_iota(jnp.int32, (1, _NCHUNK), 1) * _CH
        los = jnp.sum((ends_i <= pvec).astype(jnp.int32), axis=0,
                      keepdims=True)
        his = jnp.sum((ends_i <= pvec + (_CH - 1)).astype(jnp.int32), axis=0,
                      keepdims=True)
        bnd_ref[0, 0:1, :] = los
        bnd_ref[0, 1:2, :] = his


def _prep2_body(p_ref, seg_ref, dest_ref, base_ref):
    f32 = jnp.float32
    b = pl.program_id(0)
    c = pl.program_id(1)
    pidi = p_ref[:, 3:4].astype(jnp.int32)
    iota = jax.lax.broadcasted_iota(jnp.int32, (_PCH, _NSEG), 1)
    onehot = (iota == pidi).astype(f32)

    @pl.when(c == 0)
    def _():
        base_ref[...] = jnp.zeros((1, _NSEG), f32)

    ri = jax.lax.broadcasted_iota(jnp.int32, (_SB, _SB), 0)
    ci = jax.lax.broadcasted_iota(jnp.int32, (_SB, _SB), 1)
    lt = (ci < ri).astype(f32)
    eye = (ri == ci).astype(f32)
    run = base_ref[...] + seg_ref[0]
    parts = []
    for k in range(_NSB):
        oh = onehot[k * _SB:(k + 1) * _SB]
        prefix = jnp.dot(lt, oh, precision=_HI, preferred_element_type=f32)
        parts.append(jnp.round(
            jnp.sum((prefix + run) * oh, axis=1, keepdims=True)))
        run = run + jnp.sum(oh, axis=0, keepdims=True)
    dmat = jnp.concatenate(parts, axis=1)
    dest = jax.lax.dot_general(
        dmat, eye, (((0,), (0,)), ((), ())),
        precision=_HI, preferred_element_type=f32)
    dest_ref[...] = dest.astype(jnp.int32) + b * _N
    base_ref[...] = run - seg_ref[0]


def _sc_permute_body(src_hbm, idx_hbm, out_hbm, rows_v, idx_v):
    wid = jax.lax.axis_index("s") * 2 + jax.lax.axis_index("c")
    base = wid * _RPW
    pltpu.sync_copy(src_hbm.at[pl.ds(base, _RPW)], rows_v)

    @pl.loop(0, 4)
    def _(blk):
        pltpu.sync_copy(
            idx_hbm.at[pl.ds(wid * _IDXROWS_PW + blk * 8, 8)], idx_v)
        for j in range(8):
            r0 = pl.multiple_of(blk * 1024 + j * 128, 128)
            pltpu.sync_copy(rows_v.at[pl.ds(r0, 128)], out_hbm.at[idx_v.at[j]])


@functools.cache
def _sc_permute_kernel():
    return pl.kernel(
        _sc_permute_body,
        mesh=plsc.VectorSubcoreMesh(core_axis_name="c", subcore_axis_name="s"),
        out_type=jax.ShapeDtypeStruct((_TOT, _PW), jnp.float32),
        scratch_types=[
            pltpu.VMEM((_RPW, _PW), jnp.float32),
            pltpu.VMEM((8, 128), jnp.int32),
        ],
        compiler_params=pltpu.CompilerParams(use_tc_tiling_on_sc=False),
    )


def _permute_rows(src, idx):
    return _sc_permute_kernel()(src, idx)


def _main_body(xs_ref, cen_ref, cnt_ref, bnd_ref, w1_ref, w2_ref, w3_ref,
               w4a_ref, w4b_ref, enc_ref, acc_ref, hg_ref):
    f32 = jnp.float32
    b = pl.program_id(0)
    acc_ref[...] = jnp.full((_NSEG, 128 + 768), _NEG, f32)

    for mc in range(_NM):
        xc4 = xs_ref[pl.ds(mc * _MCH, _MCH), :]
        sw = xc4[:, 0:3]
        pidi = xc4[:, 3:4].astype(jnp.int32)
        iota = jax.lax.broadcasted_iota(jnp.int32, (_MCH, _NSEG), 1)
        onehot = (iota == pidi).astype(f32)
        cen_pts = jnp.dot(onehot, cen_ref[0], preferred_element_type=f32)
        aug = jnp.concatenate([sw, sw - cen_pts], axis=1)
        h = jax.nn.relu(jnp.dot(aug, w1_ref[...], preferred_element_type=f32))
        h = jax.nn.relu(jnp.dot(h, w2_ref[...], preferred_element_type=f32))
        h = jax.nn.relu(jnp.dot(h, w3_ref[...], preferred_element_type=f32))
        g = jnp.dot(h.astype(jnp.bfloat16), w4a_ref[...].astype(jnp.bfloat16),
                    preferred_element_type=f32)
        hg_ref[...] = jnp.concatenate([h, g], axis=1)

        def win_step(w, _):
            pw = xs_ref[pl.ds(mc * _MCH + w * _CH, _CH), 3:4].astype(jnp.int32)
            lo = bnd_ref[b, 0, mc * _WPM + w]
            hi = bnd_ref[b, 1, mc * _WPM + w]

            def seg_step(s, _):
                m = pw == s
                hgw = hg_ref[pl.ds(w * _CH, _CH), :]
                cand = jnp.max(jnp.where(m, hgw, _NEG), axis=0, keepdims=True)
                acc_ref[pl.ds(s, 1), :] = jnp.maximum(
                    acc_ref[pl.ds(s, 1), :], cand)
                return 0

            jax.lax.fori_loop(lo, hi + 1, seg_step, 0)
            return 0

        jax.lax.fori_loop(0, _WPM, win_step, 0)

    overall = jnp.maximum(acc_ref[:, :128], 0.0)
    m_part = acc_ref[:, 128:]
    cvec = jnp.dot(overall, w4b_ref[...], preferred_element_type=f32)
    enc = jax.nn.relu(m_part + cvec)
    occ = cnt_ref[0] > 0.0
    enc_ref[0] = jnp.where(occ, enc, 0.0)


def _bn_body(enc_ref, w_ref, b_ref, out_ref):
    f32 = jnp.float32
    bsz = enc_ref.shape[0]
    nelem = float(bsz * enc_ref.shape[2])
    s1 = jnp.zeros((_NSEG, 1), f32)
    s2 = jnp.zeros((_NSEG, 1), f32)
    for b in range(bsz):
        e = enc_ref[b]
        s1 = s1 + jnp.sum(e, axis=1, keepdims=True)
        s2 = s2 + jnp.sum(e * e, axis=1, keepdims=True)
    mu = s1 / nelem
    var = s2 / nelem - mu * mu
    scale = w_ref[...] * jax.lax.rsqrt(var + _EPS)
    shift = b_ref[...] - mu * scale
    for b in range(bsz):
        out_ref[b] = enc_ref[b] * scale + shift


@jax.jit
def kernel(x, W1, W2, W3, W4, bn_weight, bn_bias):
    w4a = W4[:128]
    w4b = W4[128:]

    packed, cen, cnt, seg, bnd = pl.pallas_call(
        _prep1_body,
        grid=(_B, _NPCH),
        in_specs=[pl.BlockSpec((1, _PCH, 3), lambda b, c: (b, c, 0))],
        out_specs=[
            pl.BlockSpec((_PCH, _PW), lambda b, c: (b * _NPCH + c, 0)),
            pl.BlockSpec((1, _NSEG, 3), lambda b, c: (b, 0, 0)),
            pl.BlockSpec((1, _NSEG, 1), lambda b, c: (b, 0, 0)),
            pl.BlockSpec((1, 1, _NSEG), lambda b, c: (b, 0, 0)),
            pl.BlockSpec((1, 2, _NCHUNK), lambda b, c: (b, 0, 0)),
        ],
        out_shape=[
            jax.ShapeDtypeStruct((_TOT, _PW), jnp.float32),
            jax.ShapeDtypeStruct((_B, _NSEG, 3), jnp.float32),
            jax.ShapeDtypeStruct((_B, _NSEG, 1), jnp.float32),
            jax.ShapeDtypeStruct((_B, 1, _NSEG), jnp.float32),
            jax.ShapeDtypeStruct((_B, 2, _NCHUNK), jnp.int32),
        ],
        scratch_shapes=[
            pltpu.VMEM((1, _NSEG), jnp.float32),
            pltpu.VMEM((_NSEG, 3), jnp.float32),
        ],
    )(x)

    dest = pl.pallas_call(
        _prep2_body,
        grid=(_B, _NPCH),
        in_specs=[
            pl.BlockSpec((_PCH, _PW), lambda b, c: (b * _NPCH + c, 0)),
            pl.BlockSpec((1, 1, _NSEG), lambda b, c: (b, 0, 0)),
        ],
        out_specs=pl.BlockSpec((_NSB, 128), lambda b, c: (b * _NPCH + c, 0)),
        out_shape=jax.ShapeDtypeStruct((_TOT // 128, 128), jnp.int32),
        scratch_shapes=[pltpu.VMEM((1, _NSEG), jnp.float32)],
    )(packed, seg)

    sorted_rows = _permute_rows(packed, dest)

    enc = pl.pallas_call(
        _main_body,
        grid=(_B,),
        in_specs=[
            pl.BlockSpec((_N, _PW), lambda b: (b, 0)),
            pl.BlockSpec((1, _NSEG, 3), lambda b: (b, 0, 0)),
            pl.BlockSpec((1, _NSEG, 1), lambda b: (b, 0, 0)),
            pl.BlockSpec(memory_space=pltpu.SMEM),
            pl.BlockSpec((6, 32), lambda b: (0, 0)),
            pl.BlockSpec((32, 64), lambda b: (0, 0)),
            pl.BlockSpec((64, 128), lambda b: (0, 0)),
            pl.BlockSpec((128, 768), lambda b: (0, 0)),
            pl.BlockSpec((128, 768), lambda b: (0, 0)),
        ],
        out_specs=pl.BlockSpec((1, _NSEG, 768), lambda b: (b, 0, 0)),
        out_shape=jax.ShapeDtypeStruct((_B, _NSEG, 768), jnp.float32),
        scratch_shapes=[
            pltpu.VMEM((_NSEG, 128 + 768), jnp.float32),
            pltpu.VMEM((_MCH, 128 + 768), jnp.float32),
        ],
    )(sorted_rows, cen, cnt, bnd, W1, W2, W3, w4a, w4b)

    out = pl.pallas_call(
        _bn_body,
        out_shape=jax.ShapeDtypeStruct((_B, _NSEG, 768), jnp.float32),
    )(enc, bn_weight.reshape(_NSEG, 1), bn_bias.reshape(_NSEG, 1))
    return out

# --- scband reference (transcript-rebuilt; emitter-appended) ---
"""Pipeline reference for scband-pillar-encoder-87376814670471 (READ-ONLY COPY).

The authoritative reference and input builder live on the scoring server;
editing this copy changes nothing except your own understanding.
"""

import jax, jax.numpy as jnp
import numpy as np

B, N = 8, 16384
GRID = 10
NSEG = GRID * GRID
INTERVAL = 0.2
EPS = 1e-5


def _linear_init(key, fan_in, fan_out):
    lim = 1.0 / np.sqrt(fan_in)
    return jax.random.uniform(key, (fan_in, fan_out), minval=-lim, maxval=lim, dtype=jnp.float32)


def setup_inputs(seed: int = 0) -> dict:
    key = jax.random.key(seed)
    ks = jax.random.split(key, 6)
    x = jax.random.normal(ks[0], (B, N, 3), dtype=jnp.float32)
    W1 = _linear_init(ks[1], 6, 32)
    W2 = _linear_init(ks[2], 32, 64)
    W3 = _linear_init(ks[3], 64, 128)
    W4 = _linear_init(ks[4], 256, 768)
    bn_weight = jnp.ones((NSEG,), dtype=jnp.float32)
    bn_bias = jnp.zeros((NSEG,), dtype=jnp.float32)
    return {"x": x, "W1": W1, "W2": W2, "W3": W3, "W4": W4,
            "bn_weight": bn_weight, "bn_bias": bn_bias}


def reference(x, W1, W2, W3, W4, bn_weight, bn_bias):
    def per_sample(pts):
        # original swaps columns: new order = (Z, Y, X) from input (Y, Z, X)
        Y = pts[:, 0]
        Z = pts[:, 1]
        X = pts[:, 2]
        swapped = jnp.stack([Z, Y, X], axis=1)  # [N, 3]
        # pillar indices from (Y, X) -> trunc((c + 1).clamp(0, 1.99) / interval)
        ybin = jnp.floor(jnp.clip(Y + 1.0, 0.0, 1.99) / INTERVAL).astype(jnp.int32)
        xbin = jnp.floor(jnp.clip(X + 1.0, 0.0, 1.99) / INTERVAL).astype(jnp.int32)
        pid = ybin * GRID + xbin  # flattened pillar id == y*10 + x (matches flatten(2))
        ones = jnp.ones((pts.shape[0],), dtype=jnp.float32)
        counts = jax.ops.segment_sum(ones, pid, num_segments=NSEG)
        sums = jax.ops.segment_sum(swapped, pid, num_segments=NSEG)
        centroid = sums / jnp.maximum(counts, 1.0)[:, None]
        # augmented_feature: [points, points - centroid] -> 6 feats
        aug = jnp.concatenate([swapped, swapped - centroid[pid]], axis=1)
        h = jax.nn.relu(aug @ W1)
        h = jax.nn.relu(h @ W2)
        h = jax.nn.relu(h @ W3)  # [N, 128]
        overall = jax.ops.segment_max(h, pid, num_segments=NSEG)  # [100, 128]
        h2 = jnp.concatenate([h, overall[pid]], axis=1)  # [N, 256]
        h2 = jax.nn.relu(h2 @ W4)  # [N, 768]
        enc = jax.ops.segment_max(h2, pid, num_segments=NSEG)  # [100, 768]
        occupied = counts > 0
        enc = jnp.where(occupied[:, None], enc, 0.0)  # empty pillars stay zero
        return enc  # rows indexed by y*10+x == sparse_matrix.flatten(2), transposed

    seq = jax.vmap(per_sample)(x)  # [B, 100, 768] == bn input after permute(0,2,1)
    # BatchNorm1d(100) in train mode: per-channel (dim 1) stats over (B, L)
    mean = jnp.mean(seq, axis=(0, 2), keepdims=True)
    var = jnp.mean((seq - mean) ** 2, axis=(0, 2), keepdims=True)
    out = (seq - mean) / jnp.sqrt(var + EPS) * bn_weight[None, :, None] + bn_bias[None, :, None]
    return out

if __name__ == "__main__":
    import jax
    _d = setup_inputs()
    print(jax.jit(kernel)(*tuple(_d.values())))

</pallas_src>

<mosaic_0001>
#map = affine_map<(d0, d1) -> (0, 0)>
module attributes {stable_mosaic.version = 14 : i64} {
  func.func @_sc_permute_body(%arg0: i32, %arg1: i32, %arg2: memref<131072x16xf32, #tpu.memory_space<hbm>>, %arg3: memref<1024x128xi32, #tpu.memory_space<hbm>>, %arg4: memref<131072x16xf32, #tpu.memory_space<hbm>>, %arg5: memref<4096x16xf32, #tpu.memory_space<vmem>>, %arg6: memref<8x128xi32, #tpu.memory_space<vmem>>) attributes {dimension_semantics = [#tpu.dimension_semantics<core_parallel>, #tpu.dimension_semantics<subcore_parallel>], iteration_bounds = array<i64: 2, 16>, scalar_prefetch = 0 : i64, scratch_operands = 2 : i64, tpu.core_type = #tpu.core_type<sc_vector_subcore>, window_params = [{transform_indices = #map}, {transform_indices = #map}, {transform_indices = #map}]} {
    %mul3A = arith.constant 2 : i32
    %mul3A_0 = arith.muli %arg1, %mul3A : i32
    %add3A = arith.addi %mul3A_0, %arg0 : i32
    %mul3A_1 = arith.constant 4096 : i32
    %mul3A_2 = arith.muli %add3A, %mul3A_1 : i32
    "tpu.region"() ({
      %run_scoped3A = tpu.sem_alloc : memref<!tpu.dma_semaphore, #tpu.memory_space<semaphore_mem>>
      %dma_start3A = arith.constant 0 : i32
      %dma_start3A_7 = tpu.memref_slice %arg2[%mul3A_2, %dma_start3A] : memref<131072x16xf32, #tpu.memory_space<hbm>> -> memref<4096x16xf32, #tpu.memory_space<hbm>>
      %dma_start3A_8 = arith.constant 0 : i32
      %dma_start3A_9 = tpu.memref_slice %arg2[%mul3A_2, %dma_start3A_8] : memref<131072x16xf32, #tpu.memory_space<hbm>> -> memref<4096x16xf32, #tpu.memory_space<hbm>>
      tpu.enqueue_dma source(%dma_start3A_9 : memref<4096x16xf32, #tpu.memory_space<hbm>>) target(%arg5 : memref<4096x16xf32, #tpu.memory_space<vmem>>) target_semaphore(%run_scoped3A : memref<!tpu.dma_semaphore, #tpu.memory_space<semaphore_mem>>)
      %dma_wait3A = arith.constant 0 : i32
      %dma_wait3A_10 = tpu.memref_slice %arg2[%mul3A_2, %dma_wait3A] : memref<131072x16xf32, #tpu.memory_space<hbm>> -> memref<4096x16xf32, #tpu.memory_space<hbm>>
      %dma_wait3A_11 = arith.constant 0 : i32
      %dma_wait3A_12 = tpu.memref_slice %arg2[%mul3A_2, %dma_wait3A_11] : memref<131072x16xf32, #tpu.memory_space<hbm>> -> memref<4096x16xf32, #tpu.memory_space<hbm>>
      tpu.wait_dma2 semaphore(%run_scoped3A : memref<!tpu.dma_semaphore, #tpu.memory_space<semaphore_mem>>) src(%dma_wait3A_12 : memref<4096x16xf32, #tpu.memory_space<hbm>>) dst(%arg5 : memref<4096x16xf32, #tpu.memory_space<vmem>>)
      tpu.yield
    }) : () -> ()
    %scan3A = arith.constant 0 : i32
    %scan3A_3 = arith.constant 4 : i32
    %scan3A_4 = arith.addi %scan3A, %scan3A_3 : i32
    %scan3A_5 = arith.constant 1 : i32
    scf.for %scan3A_7 = %scan3A to %scan3A_4 step %scan3A_5  : i32 {
      %mul3A_8 = arith.constant 1 : i32
      %mul3A_9 = arith.muli %scan3A_7, %mul3A_8 : i32
      %add3A_10 = arith.constant 0 : i32
      %add3A_11 = arith.addi %add3A_10, %mul3A_9 : i32
      %mul3A_12 = arith.constant 32 : i32
      %mul3A_13 = arith.muli %add3A, %mul3A_12 : i32
      %mul3A_14 = arith.constant 8 : i32
      %mul3A_15 = arith.muli %add3A_11, %mul3A_14 : i32
      %add3A_16 = arith.addi %mul3A_13, %mul3A_15 : i32
      "tpu.region"() ({
        %run_scoped3A_63 = tpu.sem_alloc : memref<!tpu.dma_semaphore, #tpu.memory_space<semaphore_mem>>
        %dma_start3A = arith.constant 0 : i32
        %dma_start3A_64 = tpu.memref_slice %arg3[%add3A_16, %dma_start3A] : memref<1024x128xi32, #tpu.memory_space<hbm>> -> memref<8x128xi32, #tpu.memory_space<hbm>>
        %dma_start3A_65 = arith.constant 0 : i32
        %dma_start3A_66 = tpu.memref_slice %arg3[%add3A_16, %dma_start3A_65] : memref<1024x128xi32, #tpu.memory_space<hbm>> -> memref<8x128xi32, #tpu.memory_space<hbm>>
        tpu.enqueue_dma source(%dma_start3A_66 : memref<8x128xi32, #tpu.memory_space<hbm>>) target(%arg6 : memref<8x128xi32, #tpu.memory_space<vmem>>) target_semaphore(%run_scoped3A_63 : memref<!tpu.dma_semaphore, #tpu.memory_space<semaphore_mem>>)
        %dma_wait3A = arith.constant 0 : i32
        %dma_wait3A_67 = tpu.memref_slice %arg3[%add3A_16, %dma_wait3A] : memref<1024x128xi32, #tpu.memory_space<hbm>> -> memref<8x128xi32, #tpu.memory_space<hbm>>
        %dma_wait3A_68 = arith.constant 0 : i32
        %dma_wait3A_69 = tpu.memref_slice %arg3[%add3A_16, %dma_wait3A_68] : memref<1024x128xi32, #tpu.memory_space<hbm>> -> memref<8x128xi32, #tpu.memory_space<hbm>>
        tpu.wait_dma2 semaphore(%run_scoped3A_63 : memref<!tpu.dma_semaphore, #tpu.memory_space<semaphore_mem>>) src(%dma_wait3A_69 : memref<8x128xi32, #tpu.memory_space<hbm>>) dst(%arg6 : memref<8x128xi32, #tpu.memory_space<vmem>>)
        tpu.yield
      }) : () -> ()
      %mul3A_17 = arith.constant 1024 : i32
      %mul3A_18 = arith.muli %add3A_11, %mul3A_17 : i32
      %add3A_19 = arith.constant 0 : i32
      %add3A_20 = arith.addi %mul3A_18, %add3A_19 : i32
      %multiple_of3A = tpu.assume_multiple %add3A_20, 128 : i32
      %run_scoped3A = arith.constant 0 : i32
      "tpu.region"() ({
        %run_scoped3A_63 = tpu.sem_alloc : memref<!tpu.dma_semaphore, #tpu.memory_space<semaphore_mem>>
        %dma_start3A = arith.constant 0 : i32
        %dma_start3A_64 = tpu.memref_slice %arg5[%multiple_of3A, %dma_start3A] : memref<4096x16xf32, #tpu.memory_space<vmem>> -> memref<128x16xf32, #tpu.memory_space<vmem>>
        %dma_start3A_65 = arith.constant 0 : i32
        %dma_start3A_66 = tpu.memref_slice %arg6[%run_scoped3A, %dma_start3A_65] : memref<8x128xi32, #tpu.memory_space<vmem>> -> memref<1x128xi32, #tpu.memory_space<vmem>>
        %dma_start3A_67 = tpu.memref_squeeze %dma_start3A_66 : memref<1x128xi32, #tpu.memory_space<vmem>> -> memref<128xi32, #tpu.memory_space<vmem>>
        %dma_start3A_68 = arith.constant 0 : i32
        %dma_start3A_69 = arith.constant 0 : i32
        %dma_start3A_70 = tpu.memref_slice %arg4[%dma_start3A_68, %dma_start3A_69] : memref<131072x16xf32, #tpu.memory_space<hbm>> -> memref<131072x16xf32, #tpu.memory_space<hbm>>
        tpu.enqueue_indirect_dma source(%dma_start3A_64 : memref<128x16xf32, #tpu.memory_space<vmem>>) target(%dma_start3A_70 : memref<131072x16xf32, #tpu.memory_space<hbm>>) offsets(%dma_start3A_67 : memref<128xi32, #tpu.memory_space<vmem>>) semaphore(%run_scoped3A_63 : memref<!tpu.dma_semaphore, #tpu.memory_space<semaphore_mem>>)
        %dma_wait3A = arith.constant 0 : i32
        %dma_wait3A_71 = tpu.memref_slice %arg5[%multiple_of3A, %dma_wait3A] : memref<4096x16xf32, #tpu.memory_space<vmem>> -> memref<128x16xf32, #tpu.memory_space<vmem>>
        %dma_wait3A_72 = arith.constant 0 : i32
        %dma_wait3A_73 = tpu.memref_slice %arg6[%run_scoped3A, %dma_wait3A_72] : memref<8x128xi32, #tpu.memory_space<vmem>> -> memref<1x128xi32, #tpu.memory_space<vmem>>
        %dma_wait3A_74 = tpu.memref_squeeze %dma_wait3A_73 : memref<1x128xi32, #tpu.memory_space<vmem>> -> memref<128xi32, #tpu.memory_space<vmem>>
        %dma_wait3A_75 = arith.constant 0 : i32
        %dma_wait3A_76 = arith.constant 0 : i32
        %dma_wait3A_77 = tpu.memref_slice %arg4[%dma_wait3A_75, %dma_wait3A_76] : memref<131072x16xf32, #tpu.memory_space<hbm>> -> memref<131072x16xf32, #tpu.memory_space<hbm>>
        tpu.wait_indirect_dma semaphore(%run_scoped3A_63 : memref<!tpu.dma_semaphore, #tpu.memory_space<semaphore_mem>>) src(%dma_wait3A_71 : memref<128x16xf32, #tpu.memory_space<vmem>>) dst(%dma_wait3A_77 : memref<131072x16xf32, #tpu.memory_space<hbm>>)
        tpu.yield
      }) : () -> ()
      %mul3A_21 = arith.constant 1024 : i32
      %mul3A_22 = arith.muli %add3A_11, %mul3A_21 : i32
      %add3A_23 = arith.constant 128 : i32
      %add3A_24 = arith.addi %mul3A_22, %add3A_23 : i32
      %multiple_of3A_25 = tpu.assume_multiple %add3A_24, 128 : i32
      %run_scoped3A_26 = arith.constant 1 : i32
      "tpu.region"() ({
        %run_scoped3A_63 = tpu.sem_alloc : memref<!tpu.dma_semaphore, #tpu.memory_space<semaphore_mem>>
        %dma_start3A = arith.constant 0 : i32
        %dma_start3A_64 = tpu.memref_slice %arg5[%multiple_of3A_25, %dma_start3A] : memref<4096x16xf32, #tpu.memory_space<vmem>> -> memref<128x16xf32, #tpu.memory_space<vmem>>
        %dma_start3A_65 = arith.constant 0 : i32
        %dma_start3A_66 = tpu.memref_slice %arg6[%run_scoped3A_26, %dma_start3A_65] : memref<8x128xi32, #tpu.memory_space<vmem>> -> memref<1x128xi32, #tpu.memory_space<vmem>>
        %dma_start3A_67 = tpu.memref_squeeze %dma_start3A_66 : memref<1x128xi32, #tpu.memory_space<vmem>> -> memref<128xi32, #tpu.memory_space<vmem>>
        %dma_start3A_68 = arith.constant 0 : i32
        %dma_start3A_69 = arith.constant 0 : i32
        %dma_start3A_70 = tpu.memref_slice %arg4[%dma_start3A_68, %dma_start3A_69] : memref<131072x16xf32, #tpu.memory_space<hbm>> -> memref<131072x16xf32, #tpu.memory_space<hbm>>
        tpu.enqueue_indirect_dma source(%dma_start3A_64 : memref<128x16xf32, #tpu.memory_space<vmem>>) target(%dma_start3A_70 : memref<131072x16xf32, #tpu.memory_space<hbm>>) offsets(%dma_start3A_67 : memref<128xi32, #tpu.memory_space<vmem>>) semaphore(%run_scoped3A_63 : memref<!tpu.dma_semaphore, #tpu.memory_space<semaphore_mem>>)
        %dma_wait3A = arith.constant 0 : i32
        %dma_wait3A_71 = tpu.memref_slice %arg5[%multiple_of3A_25, %dma_wait3A] : memref<4096x16xf32, #tpu.memory_space<vmem>> -> memref<128x16xf32, #tpu.memory_space<vmem>>
        %dma_wait3A_72 = arith.constant 0 : i32
        %dma_wait3A_73 = tpu.memref_slice %arg6[%run_scoped3A_26, %dma_wait3A_72] : memref<8x128xi32, #tpu.memory_space<vmem>> -> memref<1x128xi32, #tpu.memory_space<vmem>>
        %dma_wait3A_74 = tpu.memref_squeeze %dma_wait3A_73 : memref<1x128xi32, #tpu.memory_space<vmem>> -> memref<128xi32, #tpu.memory_space<vmem>>
        %dma_wait3A_75 = arith.constant 0 : i32
        %dma_wait3A_76 = arith.constant 0 : i32
        %dma_wait3A_77 = tpu.memref_slice %arg4[%dma_wait3A_75, %dma_wait3A_76] : memref<131072x16xf32, #tpu.memory_space<hbm>> -> memref<131072x16xf32, #tpu.memory_space<hbm>>
        tpu.wait_indirect_dma semaphore(%run_scoped3A_63 : memref<!tpu.dma_semaphore, #tpu.memory_space<semaphore_mem>>) src(%dma_wait3A_71 : memref<128x16xf32, #tpu.memory_space<vmem>>) dst(%dma_wait3A_77 : memref<131072x16xf32, #tpu.memory_space<hbm>>)
        tpu.yield
      }) : () -> ()
      %mul3A_27 = arith.constant 1024 : i32
      %mul3A_28 = arith.muli %add3A_11, %mul3A_27 : i32
      %add3A_29 = arith.constant 256 : i32
      %add3A_30 = arith.addi %mul3A_28, %add3A_29 : i32
      %multiple_of3A_31 = tpu.assume_multiple %add3A_30, 128 : i32
      %run_scoped3A_32 = arith.constant 2 : i32
      "tpu.region"() ({
        %run_scoped3A_63 = tpu.sem_alloc : memref<!tpu.dma_semaphore, #tpu.memory_space<semaphore_mem>>
        %dma_start3A = arith.constant 0 : i32
        %dma_start3A_64 = tpu.memref_slice %arg5[%multiple_of3A_31, %dma_start3A] : memref<4096x16xf32, #tpu.memory_space<vmem>> -> memref<128x16xf32, #tpu.memory_space<vmem>>
        %dma_start3A_65 = arith.constant 0 : i32
        %dma_start3A_66 = tpu.memref_slice %arg6[%run_scoped3A_32, %dma_start3A_65] : memref<8x128xi32, #tpu.memory_space<vmem>> -> memref<1x128xi32, #tpu.memory_space<vmem>>
        %dma_start3A_67 = tpu.memref_squeeze %dma_start3A_66 : memref<1x128xi32, #tpu.memory_space<vmem>> -> memref<128xi32, #tpu.memory_space<vmem>>
        %dma_start3A_68 = arith.constant 0 : i32
        %dma_start3A_69 = arith.constant 0 : i32
        %dma_start3A_70 = tpu.memref_slice %arg4[%dma_start3A_68, %dma_start3A_69] : memref<131072x16xf32, #tpu.memory_space<hbm>> -> memref<131072x16xf32, #tpu.memory_space<hbm>>
        tpu.enqueue_indirect_dma source(%dma_start3A_64 : memref<128x16xf32, #tpu.memory_space<vmem>>) target(%dma_start3A_70 : memref<131072x16xf32, #tpu.memory_space<hbm>>) offsets(%dma_start3A_67 : memref<128xi32, #tpu.memory_space<vmem>>) semaphore(%run_scoped3A_63 : memref<!tpu.dma_semaphore, #tpu.memory_space<semaphore_mem>>)
        %dma_wait3A = arith.constant 0 : i32
        %dma_wait3A_71 = tpu.memref_slice %arg5[%multiple_of3A_31, %dma_wait3A] : memref<4096x16xf32, #tpu.memory_space<vmem>> -> memref<128x16xf32, #tpu.memory_space<vmem>>
        %dma_wait3A_72 = arith.constant 0 : i32
        %dma_wait3A_73 = tpu.memref_slice %arg6[%run_scoped3A_32, %dma_wait3A_72] : memref<8x128xi32, #tpu.memory_space<vmem>> -> memref<1x128xi32, #tpu.memory_space<vmem>>
        %dma_wait3A_74 = tpu.memref_squeeze %dma_wait3A_73 : memref<1x128xi32, #tpu.memory_space<vmem>> -> memref<128xi32, #tpu.memory_space<vmem>>
        %dma_wait3A_75 = arith.constant 0 : i32
        %dma_wait3A_76 = arith.constant 0 : i32
        %dma_wait3A_77 = tpu.memref_slice %arg4[%dma_wait3A_75, %dma_wait3A_76] : memref<131072x16xf32, #tpu.memory_space<hbm>> -> memref<131072x16xf32, #tpu.memory_space<hbm>>
        tpu.wait_indirect_dma semaphore(%run_scoped3A_63 : memref<!tpu.dma_semaphore, #tpu.memory_space<semaphore_mem>>) src(%dma_wait3A_71 : memref<128x16xf32, #tpu.memory_space<vmem>>) dst(%dma_wait3A_77 : memref<131072x16xf32, #tpu.memory_space<hbm>>)
        tpu.yield
      }) : () -> ()
      %mul3A_33 = arith.constant 1024 : i32
      %mul3A_34 = arith.muli %add3A_11, %mul3A_33 : i32
      %add3A_35 = arith.constant 384 : i32
      %add3A_36 = arith.addi %mul3A_34, %add3A_35 : i32
      %multiple_of3A_37 = tpu.assume_multiple %add3A_36, 128 : i32
      %run_scoped3A_38 = arith.constant 3 : i32
      "tpu.region"() ({
        %run_scoped3A_63 = tpu.sem_alloc : memref<!tpu.dma_semaphore, #tpu.memory_space<semaphore_mem>>
        %dma_start3A = arith.constant 0 : i32
        %dma_start3A_64 = tpu.memref_slice %arg5[%multiple_of3A_37, %dma_start3A] : memref<4096x16xf32, #tpu.memory_space<vmem>> -> memref<128x16xf32, #tpu.memory_space<vmem>>
        %dma_start3A_65 = arith.constant 0 : i32
        %dma_start3A_66 = tpu.memref_slice %arg6[%run_scoped3A_38, %dma_start3A_65] : memref<8x128xi32, #tpu.memory_space<vmem>> -> memref<1x128xi32, #tpu.memory_space<vmem>>
        %dma_start3A_67 = tpu.memref_squeeze %dma_start3A_66 : memref<1x128xi32, #tpu.memory_space<vmem>> -> memref<128xi32, #tpu.memory_space<vmem>>
        %dma_start3A_68 = arith.constant 0 : i32
        %dma_start3A_69 = arith.constant 0 : i32
        %dma_start3A_70 = tpu.memref_slice %arg4[%dma_start3A_68, %dma_start3A_69] : memref<131072x16xf32, #tpu.memory_space<hbm>> -> memref<131072x16xf32, #tpu.memory_space<hbm>>
        tpu.enqueue_indirect_dma source(%dma_start3A_64 : memref<128x16xf32, #tpu.memory_space<vmem>>) target(%dma_start3A_70 : memref<131072x16xf32, #tpu.memory_space<hbm>>) offsets(%dma_start3A_67 : memref<128xi32, #tpu.memory_space<vmem>>) semaphore(%run_scoped3A_63 : memref<!tpu.dma_semaphore, #tpu.memory_space<semaphore_mem>>)
        %dma_wait3A = arith.constant 0 : i32
        %dma_wait3A_71 = tpu.memref_slice %arg5[%multiple_of3A_37, %dma_wait3A] : memref<4096x16xf32, #tpu.memory_space<vmem>> -> memref<128x16xf32, #tpu.memory_space<vmem>>
        %dma_wait3A_72 = arith.constant 0 : i32
        %dma_wait3A_73 = tpu.memref_slice %arg6[%run_scoped3A_38, %dma_wait3A_72] : memref<8x128xi32, #tpu.memory_space<vmem>> -> memref<1x128xi32, #tpu.memory_space<vmem>>
        %dma_wait3A_74 = tpu.memref_squeeze %dma_wait3A_73 : memref<1x128xi32, #tpu.memory_space<vmem>> -> memref<128xi32, #tpu.memory_space<vmem>>
        %dma_wait3A_75 = arith.constant 0 : i32
        %dma_wait3A_76 = arith.constant 0 : i32
        %dma_wait3A_77 = tpu.memref_slice %arg4[%dma_wait3A_75, %dma_wait3A_76] : memref<131072x16xf32, #tpu.memory_space<hbm>> -> memref<131072x16xf32, #tpu.memory_space<hbm>>
        tpu.wait_indirect_dma semaphore(%run_scoped3A_63 : memref<!tpu.dma_semaphore, #tpu.memory_space<semaphore_mem>>) src(%dma_wait3A_71 : memref<128x16xf32, #tpu.memory_space<vmem>>) dst(%dma_wait3A_77 : memref<131072x16xf32, #tpu.memory_space<hbm>>)
        tpu.yield
      }) : () -> ()
      %mul3A_39 = arith.constant 1024 : i32
      %mul3A_40 = arith.muli %add3A_11, %mul3A_39 : i32
      %add3A_41 = arith.constant 512 : i32
      %add3A_42 = arith.addi %mul3A_40, %add3A_41 : i32
      %multiple_of3A_43 = tpu.assume_multiple %add3A_42, 128 : i32
      %run_scoped3A_44 = arith.constant 4 : i32
      "tpu.region"() ({
        %run_scoped3A_63 = tpu.sem_alloc : memref<!tpu.dma_semaphore, #tpu.memory_space<semaphore_mem>>
        %dma_start3A = arith.constant 0 : i32
        %dma_start3A_64 = tpu.memref_slice %arg5[%multiple_of3A_43, %dma_start3A] : memref<4096x16xf32, #tpu.memory_space<vmem>> -> memref<128x16xf32, #tpu.memory_space<vmem>>
        %dma_start3A_65 = arith.constant 0 : i32
        %dma_start3A_66 = tpu.memref_slice %arg6[%run_scoped3A_44, %dma_start3A_65] : memref<8x128xi32, #tpu.memory_space<vmem>> -> memref<1x128xi32, #tpu.memory_space<vmem>>
        %dma_start3A_67 = tpu.memref_squeeze %dma_start3A_66 : memref<1x128xi32, #tpu.memory_space<vmem>> -> memref<128xi32, #tpu.memory_space<vmem>>
        %dma_start3A_68 = arith.constant 0 : i32
        %dma_start3A_69 = arith.constant 0 : i32
        %dma_start3A_70 = tpu.memref_slice %arg4[%dma_start3A_68, %dma_start3A_69] : memref<131072x16xf32, #tpu.memory_space<hbm>> -> memref<131072x16xf32, #tpu.memory_space<hbm>>
        tpu.enqueue_indirect_dma source(%dma_start3A_64 : memref<128x16xf32, #tpu.memory_space<vmem>>) target(%dma_start3A_70 : memref<131072x16xf32, #tpu.memory_space<hbm>>) offsets(%dma_start3A_67 : memref<128xi32, #tpu.memory_space<vmem>>) semaphore(%run_scoped3A_63 : memref<!tpu.dma_semaphore, #tpu.memory_space<semaphore_mem>>)
        %dma_wait3A = arith.constant 0 : i32
        %dma_wait3A_71 = tpu.memref_slice %arg5[%multiple_of3A_43, %dma_wait3A] : memref<4096x16xf32, #tpu.memory_space<vmem>> -> memref<128x16xf32, #tpu.memory_space<vmem>>
        %dma_wait3A_72 = arith.constant 0 : i32
        %dma_wait3A_73 = tpu.memref_slice %arg6[%run_scoped3A_44, %dma_wait3A_72] : memref<8x128xi32, #tpu.memory_space<vmem>> -> memref<1x128xi32, #tpu.memory_space<vmem>>
        %dma_wait3A_74 = tpu.memref_squeeze %dma_wait3A_73 : memref<1x128xi32, #tpu.memory_space<vmem>> -> memref<128xi32, #tpu.memory_space<vmem>>
        %dma_wait3A_75 = arith.constant 0 : i32
        %dma_wait3A_76 = arith.constant 0 : i32
        %dma_wait3A_77 = tpu.memref_slice %arg4[%dma_wait3A_75, %dma_wait3A_76] : memref<131072x16xf32, #tpu.memory_space<hbm>> -> memref<131072x16xf32, #tpu.memory_space<hbm>>
        tpu.wait_indirect_dma semaphore(%run_scoped3A_63 : memref<!tpu.dma_semaphore, #tpu.memory_space<semaphore_mem>>) src(%dma_wait3A_71 : memref<128x16xf32, #tpu.memory_space<vmem>>) dst(%dma_wait3A_77 : memref<131072x16xf32, #tpu.memory_space<hbm>>)
        tpu.yield
      }) : () -> ()
      %mul3A_45 = arith.constant 1024 : i32
      %mul3A_46 = arith.muli %add3A_11, %mul3A_45 : i32
      %add3A_47 = arith.constant 640 : i32
      %add3A_48 = arith.addi %mul3A_46, %add3A_47 : i32
      %multiple_of3A_49 = tpu.assume_multiple %add3A_48, 128 : i32
      %run_scoped3A_50 = arith.constant 5 : i32
      "tpu.region"() ({
        %run_scoped3A_63 = tpu.sem_alloc : memref<!tpu.dma_semaphore, #tpu.memory_space<semaphore_mem>>
        %dma_start3A = arith.constant 0 : i32
        %dma_start3A_64 = tpu.memref_slice %arg5[%multiple_of3A_49, %dma_start3A] : memref<4096x16xf32, #tpu.memory_space<vmem>> -> memref<128x16xf32, #tpu.memory_space<vmem>>
        %dma_start3A_65 = arith.constant 0 : i32
        %dma_start3A_66 = tpu.memref_slice %arg6[%run_scoped3A_50, %dma_start3A_65] : memref<8x128xi32, #tpu.memory_space<vmem>> -> memref<1x128xi32, #tpu.memory_space<vmem>>
        %dma_start3A_67 = tpu.memref_squeeze %dma_start3A_66 : memref<1x128xi32, #tpu.memory_space<vmem>> -> memref<128xi32, #tpu.memory_space<vmem>>
        %dma_start3A_68 = arith.constant 0 : i32
        %dma_start3A_69 = arith.constant 0 : i32
        %dma_start3A_70 = tpu.memref_slice %arg4[%dma_start3A_68, %dma_start3A_69] : memref<131072x16xf32, #tpu.memory_space<hbm>> -> memref<131072x16xf32, #tpu.memory_space<hbm>>
        tpu.enqueue_indirect_dma source(%dma_start3A_64 : memref<128x16xf32, #tpu.memory_space<vmem>>) target(%dma_start3A_70 : memref<131072x16xf32, #tpu.memory_space<hbm>>) offsets(%dma_start3A_67 : memref<128xi32, #tpu.memory_space<vmem>>) semaphore(%run_scoped3A_63 : memref<!tpu.dma_semaphore, #tpu.memory_space<semaphore_mem>>)
        %dma_wait3A = arith.constant 0 : i32
        %dma_wait3A_71 = tpu.memref_slice %arg5[%multiple_of3A_49, %dma_wait3A] : memref<4096x16xf32, #tpu.memory_space<vmem>> -> memref<128x16xf32, #tpu.memory_space<vmem>>
        %dma_wait3A_72 = arith.constant 0 : i32
        %dma_wait3A_73 = tpu.memref_slice %arg6[%run_scoped3A_50, %dma_wait3A_72] : memref<8x128xi32, #tpu.memory_space<vmem>> -> memref<1x128xi32, #tpu.memory_space<vmem>>
        %dma_wait3A_74 = tpu.memref_squeeze %dma_wait3A_73 : memref<1x128xi32, #tpu.memory_space<vmem>> -> memref<128xi32, #tpu.memory_space<vmem>>
        %dma_wait3A_75 = arith.constant 0 : i32
        %dma_wait3A_76 = arith.constant 0 : i32
        %dma_wait3A_77 = tpu.memref_slice %arg4[%dma_wait3A_75, %dma_wait3A_76] : memref<131072x16xf32, #tpu.memory_space<hbm>> -> memref<131072x16xf32, #tpu.memory_space<hbm>>
        tpu.wait_indirect_dma semaphore(%run_scoped3A_63 : memref<!tpu.dma_semaphore, #tpu.memory_space<semaphore_mem>>) src(%dma_wait3A_71 : memref<128x16xf32, #tpu.memory_space<vmem>>) dst(%dma_wait3A_77 : memref<131072x16xf32, #tpu.memory_space<hbm>>)
        tpu.yield
      }) : () -> ()
      %mul3A_51 = arith.constant 1024 : i32
      %mul3A_52 = arith.muli %add3A_11, %mul3A_51 : i32
      %add3A_53 = arith.constant 768 : i32
      %add3A_54 = arith.addi %mul3A_52, %add3A_53 : i32
      %multiple_of3A_55 = tpu.assume_multiple %add3A_54, 128 : i32
      %run_scoped3A_56 = arith.constant 6 : i32
      "tpu.region"() ({
        %run_scoped3A_63 = tpu.sem_alloc : memref<!tpu.dma_semaphore, #tpu.memory_space<semaphore_mem>>
        %dma_start3A = arith.constant 0 : i32
        %dma_start3A_64 = tpu.memref_slice %arg5[%multiple_of3A_55, %dma_start3A] : memref<4096x16xf32, #tpu.memory_space<vmem>> -> memref<128x16xf32, #tpu.memory_space<vmem>>
        %dma_start3A_65 = arith.constant 0 : i32
        %dma_start3A_66 = tpu.memref_slice %arg6[%run_scoped3A_56, %dma_start3A_65] : memref<8x128xi32, #tpu.memory_space<vmem>> -> memref<1x128xi32, #tpu.memory_space<vmem>>
        %dma_start3A_67 = tpu.memref_squeeze %dma_start3A_66 : memref<1x128xi32, #tpu.memory_space<vmem>> -> memref<128xi32, #tpu.memory_space<vmem>>
        %dma_start3A_68 = arith.constant 0 : i32
        %dma_start3A_69 = arith.constant 0 : i32
        %dma_start3A_70 = tpu.memref_slice %arg4[%dma_start3A_68, %dma_start3A_69] : memref<131072x16xf32, #tpu.memory_space<hbm>> -> memref<131072x16xf32, #tpu.memory_space<hbm>>
        tpu.enqueue_indirect_dma source(%dma_start3A_64 : memref<128x16xf32, #tpu.memory_space<vmem>>) target(%dma_start3A_70 : memref<131072x16xf32, #tpu.memory_space<hbm>>) offsets(%dma_start3A_67 : memref<128xi32, #tpu.memory_space<vmem>>) semaphore(%run_scoped3A_63 : memref<!tpu.dma_semaphore, #tpu.memory_space<semaphore_mem>>)
        %dma_wait3A = arith.constant 0 : i32
        %dma_wait3A_71 = tpu.memref_slice %arg5[%multiple_of3A_55, %dma_wait3A] : memref<4096x16xf32, #tpu.memory_space<vmem>> -> memref<128x16xf32, #tpu.memory_space<vmem>>
        %dma_wait3A_72 = arith.constant 0 : i32
        %dma_wait3A_73 = tpu.memref_slice %arg6[%run_scoped3A_56, %dma_wait3A_72] : memref<8x128xi32, #tpu.memory_space<vmem>> -> memref<1x128xi32, #tpu.memory_space<vmem>>
        %dma_wait3A_74 = tpu.memref_squeeze %dma_wait3A_73 : memref<1x128xi32, #tpu.memory_space<vmem>> -> memref<128xi32, #tpu.memory_space<vmem>>
        %dma_wait3A_75 = arith.constant 0 : i32
        %dma_wait3A_76 = arith.constant 0 : i32
        %dma_wait3A_77 = tpu.memref_slice %arg4[%dma_wait3A_75, %dma_wait3A_76] : memref<131072x16xf32, #tpu.memory_space<hbm>> -> memref<131072x16xf32, #tpu.memory_space<hbm>>
        tpu.wait_indirect_dma semaphore(%run_scoped3A_63 : memref<!tpu.dma_semaphore, #tpu.memory_space<semaphore_mem>>) src(%dma_wait3A_71 : memref<128x16xf32, #tpu.memory_space<vmem>>) dst(%dma_wait3A_77 : memref<131072x16xf32, #tpu.memory_space<hbm>>)
        tpu.yield
      }) : () -> ()
      %mul3A_57 = arith.constant 1024 : i32
      %mul3A_58 = arith.muli %add3A_11, %mul3A_57 : i32
      %add3A_59 = arith.constant 896 : i32
      %add3A_60 = arith.addi %mul3A_58, %add3A_59 : i32
      %multiple_of3A_61 = tpu.assume_multiple %add3A_60, 128 : i32
      %run_scoped3A_62 = arith.constant 7 : i32
      "tpu.region"() ({
        %run_scoped3A_63 = tpu.sem_alloc : memref<!tpu.dma_semaphore, #tpu.memory_space<semaphore_mem>>
        %dma_start3A = arith.constant 0 : i32
        %dma_start3A_64 = tpu.memref_slice %arg5[%multiple_of3A_61, %dma_start3A] : memref<4096x16xf32, #tpu.memory_space<vmem>> -> memref<128x16xf32, #tpu.memory_space<vmem>>
        %dma_start3A_65 = arith.constant 0 : i32
        %dma_start3A_66 = tpu.memref_slice %arg6[%run_scoped3A_62, %dma_start3A_65] : memref<8x128xi32, #tpu.memory_space<vmem>> -> memref<1x128xi32, #tpu.memory_space<vmem>>
        %dma_start3A_67 = tpu.memref_squeeze %dma_start3A_66 : memref<1x128xi32, #tpu.memory_space<vmem>> -> memref<128xi32, #tpu.memory_space<vmem>>
        %dma_start3A_68 = arith.constant 0 : i32
        %dma_start3A_69 = arith.constant 0 : i32
        %dma_start3A_70 = tpu.memref_slice %arg4[%dma_start3A_68, %dma_start3A_69] : memref<131072x16xf32, #tpu.memory_space<hbm>> -> memref<131072x16xf32, #tpu.memory_space<hbm>>
        tpu.enqueue_indirect_dma source(%dma_start3A_64 : memref<128x16xf32, #tpu.memory_space<vmem>>) target(%dma_start3A_70 : memref<131072x16xf32, #tpu.memory_space<hbm>>) offsets(%dma_start3A_67 : memref<128xi32, #tpu.memory_space<vmem>>) semaphore(%run_scoped3A_63 : memref<!tpu.dma_semaphore, #tpu.memory_space<semaphore_mem>>)
        %dma_wait3A = arith.constant 0 : i32
        %dma_wait3A_71 = tpu.memref_slice %arg5[%multiple_of3A_61, %dma_wait3A] : memref<4096x16xf32, #tpu.memory_space<vmem>> -> memref<128x16xf32, #tpu.memory_space<vmem>>
        %dma_wait3A_72 = arith.constant 0 : i32
        %dma_wait3A_73 = tpu.memref_slice %arg6[%run_scoped3A_62, %dma_wait3A_72] : memref<8x128xi32, #tpu.memory_space<vmem>> -> memref<1x128xi32, #tpu.memory_space<vmem>>
        %dma_wait3A_74 = tpu.memref_squeeze %dma_wait3A_73 : memref<1x128xi32, #tpu.memory_space<vmem>> -> memref<128xi32, #tpu.memory_space<vmem>>
        %dma_wait3A_75 = arith.constant 0 : i32
        %dma_wait3A_76 = arith.constant 0 : i32
        %dma_wait3A_77 = tpu.memref_slice %arg4[%dma_wait3A_75, %dma_wait3A_76] : memref<131072x16xf32, #tpu.memory_space<hbm>> -> memref<131072x16xf32, #tpu.memory_space<hbm>>
        tpu.wait_indirect_dma semaphore(%run_scoped3A_63 : memref<!tpu.dma_semaphore, #tpu.memory_space<semaphore_mem>>) src(%dma_wait3A_71 : memref<128x16xf32, #tpu.memory_space<vmem>>) dst(%dma_wait3A_77 : memref<131072x16xf32, #tpu.memory_space<hbm>>)
        tpu.yield
      }) : () -> ()
    }
    %scan3A_6 = arith.constant 4 : i32
    return
  }
}

module attributes {stable_mosaic.version = 14 : i64} {
  func.func @_prep1_body(%arg0: i32, %arg1: i32, %arg2: memref<1x1024x3xf32, #tpu.memory_space<vmem>>, %arg3: memref<1024x16xf32, #tpu.memory_space<vmem>>, %arg4: memref<1x100x3xf32, #tpu.memory_space<vmem>>, %arg5: memref<1x100x1xf32, #tpu.memory_space<vmem>>, %arg6: memref<1x1x100xf32, #tpu.memory_space<vmem>>, %arg7: memref<1x2x128xi32, #tpu.memory_space<vmem>>, %arg8: memref<1x100xf32, #tpu.memory_space<vmem>>, %arg9: memref<100x3xf32, #tpu.memory_space<vmem>>) attributes {dimension_semantics = [#tpu.dimension_semantics<arbitrary>, #tpu.dimension_semantics<arbitrary>], iteration_bounds = array<i64: 8, 16>, scalar_prefetch = 0 : i64, scratch_operands = 2 : i64, tpu.core_type = #tpu.core_type<tc>, window_params = [{transform_indices = @transform_0, window_bounds = array<i64: 1, 1024, 3>}, {transform_indices = @transform_1, window_bounds = array<i64: 1024, 16>}, {transform_indices = @transform_2, window_bounds = array<i64: 1, 100, 3>}, {transform_indices = @transform_3, window_bounds = array<i64: 1, 100, 1>}, {transform_indices = @transform_4, window_bounds = array<i64: 1, 1, 100>}, {transform_indices = @transform_5, window_bounds = array<i64: 1, 2, 128>}]} {
    %get3A = arith.constant 0 : index
    %get3A_0 = arith.constant 0 : index
    %get3A_1 = arith.constant 0 : index
    %get3A_2 = vector.load %arg2[%get3A, %get3A_0, %get3A_1] : memref<1x1024x3xf32, #tpu.memory_space<vmem>>, vector<1x1024x3xf32>
    %get3A_3 = vector.shape_cast %get3A_2 : vector<1x1024x3xf32> to vector<1024x3xf32>
    %slice3A = vector.extract_strided_slice %get3A_3 {offsets = [0, 0], sizes = [1024, 1], strides = [1, 1]} : vector<1024x3xf32> to vector<1024x1xf32>
    %slice3A_4 = vector.extract_strided_slice %get3A_3 {offsets = [0, 1], sizes = [1024, 1], strides = [1, 1]} : vector<1024x3xf32> to vector<1024x1xf32>
    %slice3A_5 = vector.extract_strided_slice %get3A_3 {offsets = [0, 2], sizes = [1024, 1], strides = [1, 1]} : vector<1024x3xf32> to vector<1024x1xf32>
    %concatenate3A = tpu.concatenate %slice3A_4, %slice3A, %slice3A_5 in 1 : vector<1024x1xf32>, vector<1024x1xf32>, vector<1024x1xf32> -> vector<1024x3xf32>
    %add3A = arith.constant 1.000000e+00 : f32
    %add3A_6 = vector.broadcast %add3A : f32 to vector<1024x1xf32>
    %add3A_7 = arith.addf %slice3A, %add3A_6 : vector<1024x1xf32>
    %jit3A = arith.constant 0.000000e+00 : f32
    %jit3A_8 = arith.constant 1.990000e+00 : f32
    %max3A = vector.broadcast %jit3A : f32 to vector<1024x1xf32>
    %max3A_9 = arith.maximumf %max3A, %add3A_7 : vector<1024x1xf32>
    %min3A = vector.broadcast %jit3A_8 : f32 to vector<1024x1xf32>
    %min3A_10 = arith.minimumf %min3A, %max3A_9 : vector<1024x1xf32>
    %div3A = arith.constant 2.000000e-01 : f32
    %div3A_11 = vector.broadcast %div3A : f32 to vector<1024x1xf32>
    %div3A_12 = arith.divf %min3A_10, %div3A_11 : vector<1024x1xf32>
    %floor3A = math.floor %div3A_12 : vector<1024x1xf32>
    %add3A_13 = arith.constant 1.000000e+00 : f32
    %add3A_14 = vector.broadcast %add3A_13 : f32 to vector<1024x1xf32>
    %add3A_15 = arith.addf %slice3A_5, %add3A_14 : vector<1024x1xf32>
    %jit3A_16 = arith.constant 0.000000e+00 : f32
    %jit3A_17 = arith.constant 1.990000e+00 : f32
    %max3A_18 = vector.broadcast %jit3A_16 : f32 to vector<1024x1xf32>
    %max3A_19 = arith.maximumf %max3A_18, %add3A_15 : vector<1024x1xf32>
    %min3A_20 = vector.broadcast %jit3A_17 : f32 to vector<1024x1xf32>
    %min3A_21 = arith.minimumf %min3A_20, %max3A_19 : vector<1024x1xf32>
    %div3A_22 = arith.constant 2.000000e-01 : f32
    %div3A_23 = vector.broadcast %div3A_22 : f32 to vector<1024x1xf32>
    %div3A_24 = arith.divf %min3A_21, %div3A_23 : vector<1024x1xf32>
    %floor3A_25 = math.floor %div3A_24 : vector<1024x1xf32>
    %mul3A = arith.constant 1.000000e+01 : f32
    %mul3A_26 = vector.broadcast %mul3A : f32 to vector<1024x1xf32>
    %mul3A_27 = arith.mulf %floor3A, %mul3A_26 : vector<1024x1xf32>
    %add3A_28 = arith.addf %mul3A_27, %floor3A_25 : vector<1024x1xf32>
    %convert_element_type3A = arith.fptosi %add3A_28 : vector<1024x1xf32> to vector<1024x1xi32>
    %iota3A = tpu.iota {dimensions = array<i32: 1>} : vector<1024x100xi32>
    %eq3A = vector.broadcast %convert_element_type3A : vector<1024x1xi32> to vector<1024x100xi32>
    %eq3A_29 = arith.cmpi eq, %iota3A, %eq3A : vector<1024x100xi32>
    %convert_element_type3A_30 = arith.extui %eq3A_29 : vector<1024x100xi1> to vector<1024x100xi32>
    %convert_element_type3A_31 = arith.sitofp %convert_element_type3A_30 : vector<1024x100xi32> to vector<1024x100xf32>
    %broadcast_in_dim3A = arith.constant 0.000000e+00 : f32
    %broadcast_in_dim3A_32 = vector.broadcast %broadcast_in_dim3A : f32 to vector<1024x12xf32>
    %concatenate3A_33 = tpu.concatenate %concatenate3A, %add3A_28, %broadcast_in_dim3A_32 in 1 : vector<1024x3xf32>, vector<1024x1xf32>, vector<1024x12xf32> -> vector<1024x16xf32>
    %swap3A = arith.constant 0 : index
    %swap3A_34 = arith.constant 0 : index
    %swap3A_35 = vector.load %arg3[%swap3A, %swap3A_34] : memref<1024x16xf32, #tpu.memory_space<vmem>>, vector<1024x16xf32>
    tpu.vector_store %arg3[%swap3A, %swap3A_34], %concatenate3A_33 {strides = array<i32>} : memref<1024x16xf32, #tpu.memory_space<vmem>>, vector<1024x16xf32>,
    %reduce_sum3A = arith.constant dense<0.000000e+00> : vector<100xf32>
    %reduce_sum3A_36 = vector.multi_reduction <add>, %convert_element_type3A_31, %reduce_sum3A [0] : vector<1024x100xf32> to vector<100xf32>
    %broadcast_in_dim3A_37 = vector.shape_cast %reduce_sum3A_36 : vector<100xf32> to vector<1x100xf32>
    %dot_general3A = arith.constant dense<0.000000e+00> : vector<100x3xf32>
    %dot_general3A_38 = tpu.matmul %convert_element_type3A_31, %concatenate3A, %dot_general3A {dimension_numbers = #tpu.dot_dimension_numbers<[0], [0], [1], [1], [0, 1, 1, 1], [], []>, transpose_lhs_hint = false} : vector<1024x100xf32>, vector<1024x3xf32>, vector<100x3xf32> -> vector<100x3xf32>
    %eq3A_39 = arith.constant 0 : i32
    %eq3A_40 = arith.cmpi eq, %arg1, %eq3A_39 : i32
    %convert_element_type3A_41 = arith.extui %eq3A_40 : i1 to i32
    %cond3A = arith.constant 0 : i32
    %cond3A_42 = arith.cmpi ne, %convert_element_type3A_41, %cond3A : i32
    scf.if %cond3A_42 {
      %broadcast_in_dim3A_62 = arith.constant 0.000000e+00 : f32
      %broadcast_in_dim3A_63 = vector.broadcast %broadcast_in_dim3A_62 : f32 to vector<1x100xf32>
      %swap3A_64 = arith.constant 0 : index
      %swap3A_65 = arith.constant 0 : index
      %swap3A_66 = vector.load %arg8[%swap3A_64, %swap3A_65] : memref<1x100xf32, #tpu.memory_space<vmem>>, vector<1x100xf32>
      tpu.vector_store %arg8[%swap3A_64, %swap3A_65], %broadcast_in_dim3A_63 {strides = array<i32>} : memref<1x100xf32, #tpu.memory_space<vmem>>, vector<1x100xf32>,
      %broadcast_in_dim3A_67 = arith.constant 0.000000e+00 : f32
      %broadcast_in_dim3A_68 = vector.broadcast %broadcast_in_dim3A_67 : f32 to vector<100x3xf32>
      %swap3A_69 = arith.constant 0 : index
      %swap3A_70 = arith.constant 0 : index
      %swap3A_71 = vector.load %arg9[%swap3A_69, %swap3A_70] : memref<100x3xf32, #tpu.memory_space<vmem>>, vector<100x3xf32>
      tpu.vector_store %arg9[%swap3A_69, %swap3A_70], %broadcast_in_dim3A_68 {strides = array<i32>} : memref<100x3xf32, #tpu.memory_space<vmem>>, vector<100x3xf32>,
    } else {
    }
    %get3A_43 = arith.constant 0 : index
    %get3A_44 = arith.constant 0 : index
    %get3A_45 = vector.load %arg8[%get3A_43, %get3A_44] : memref<1x100xf32, #tpu.memory_space<vmem>>, vector<1x100xf32>
    %add3A_46 = arith.addf %get3A_45, %broadcast_in_dim3A_37 : vector<1x100xf32>
    %swap3A_47 = arith.constant 0 : index
    %swap3A_48 = arith.constant 0 : index
    %swap3A_49 = vector.load %arg8[%swap3A_47, %swap3A_48] : memref<1x100xf32, #tpu.memory_space<vmem>>, vector<1x100xf32>
    tpu.vector_store %arg8[%swap3A_47, %swap3A_48], %add3A_46 {strides = array<i32>} : memref<1x100xf32, #tpu.memory_space<vmem>>, vector<1x100xf32>,
    %get3A_50 = arith.constant 0 : index
    %get3A_51 = arith.constant 0 : index
    %get3A_52 = vector.load %arg9[%get3A_50, %get3A_51] : memref<100x3xf32, #tpu.memory_space<vmem>>, vector<100x3xf32>
    %add3A_53 = arith.addf %get3A_52, %dot_general3A_38 : vector<100x3xf32>
    %swap3A_54 = arith.constant 0 : index
    %swap3A_55 = arith.constant 0 : index
    %swap3A_56 = vector.load %arg9[%swap3A_54, %swap3A_55] : memref<100x3xf32, #tpu.memory_space<vmem>>, vector<100x3xf32>
    tpu.vector_store %arg9[%swap3A_54, %swap3A_55], %add3A_53 {strides = array<i32>} : memref<100x3xf32, #tpu.memory_space<vmem>>, vector<100x3xf32>,
    %eq3A_57 = arith.constant 15 : i32
    %eq3A_58 = arith.cmpi eq, %arg1, %eq3A_57 : i32
    %convert_element_type3A_59 = arith.extui %eq3A_58 : i1 to i32
    %cond3A_60 = arith.constant 0 : i32
    %cond3A_61 = arith.cmpi ne, %convert_element_type3A_59, %cond3A_60 : i32
    scf.if %cond3A_61 {
      %iota3A_62 = tpu.iota {dimensions = array<i32: 0>} : vector<100x100xi32>
      %iota3A_63 = tpu.iota {dimensions = array<i32: 1>} : vector<100x100xi32>
      %lt3A = arith.cmpi slt, %iota3A_63, %iota3A_62 : vector<100x100xi32>
      %convert_element_type3A_64 = arith.extui %lt3A : vector<100x100xi1> to vector<100x100xi32>
      %convert_element_type3A_65 = arith.sitofp %convert_element_type3A_64 : vector<100x100xi32> to vector<100x100xf32>
      %eq3A_66 = arith.cmpi eq, %iota3A_62, %iota3A_63 : vector<100x100xi32>
      %convert_element_type3A_67 = arith.extui %eq3A_66 : vector<100x100xi1> to vector<100x100xi32>
      %convert_element_type3A_68 = arith.sitofp %convert_element_type3A_67 : vector<100x100xi32> to vector<100x100xf32>
      %get3A_69 = arith.constant 0 : index
      %get3A_70 = arith.constant 0 : index
      %get3A_71 = vector.load %arg8[%get3A_69, %get3A_70] : memref<1x100xf32, #tpu.memory_space<vmem>>, vector<1x100xf32>
      %dot_general3A_72 = arith.constant dense<0.000000e+00> : vector<100x1xf32>
      %dot_general3A_73 = tpu.matmul %convert_element_type3A_68, %get3A_71, %dot_general3A_72 {dimension_numbers = #tpu.dot_dimension_numbers<[1], [1], [0], [0], [0, 0, 1, 0], [], []>, precision = #tpu.contract_precision<fp32>, transpose_lhs_hint = false} : vector<100x100xf32>, vector<1x100xf32>, vector<100x1xf32> -> vector<100x1xf32>
      %round3A = math.roundeven %dot_general3A_73 : vector<100x1xf32>
      %swap3A_74 = arith.constant 0 : index
      %swap3A_75 = arith.constant 0 : index
      %swap3A_76 = arith.constant 0 : index
      %swap3A_77 = vector.load %arg5[%swap3A_74, %swap3A_75, %swap3A_76] : memref<1x100x1xf32, #tpu.memory_space<vmem>>, vector<1x100x1xf32>
      %swap3A_78 = vector.shape_cast %swap3A_77 : vector<1x100x1xf32> to vector<100x1xf32>
      %swap3A_79 = vector.shape_cast %round3A : vector<100x1xf32> to vector<1x100x1xf32>
      tpu.vector_store %arg5[%swap3A_74, %swap3A_75, %swap3A_76], %swap3A_79 {strides = array<i32>} : memref<1x100x1xf32, #tpu.memory_space<vmem>>, vector<1x100x1xf32>,
      %get3A_80 = arith.constant 0 : index
      %get3A_81 = arith.constant 0 : index
      %get3A_82 = vector.load %arg9[%get3A_80, %get3A_81] : memref<100x3xf32, #tpu.memory_space<vmem>>, vector<100x3xf32>
      %max3A_83 = arith.constant 1.000000e+00 : f32
      %max3A_84 = vector.broadcast %max3A_83 : f32 to vector<100x1xf32>
      %max3A_85 = arith.maximumf %round3A, %max3A_84 : vector<100x1xf32>
      %div3A_86 = vector.broadcast %max3A_85 : vector<100x1xf32> to vector<100x3xf32>
      %div3A_87 = arith.divf %get3A_82, %div3A_86 : vector<100x3xf32>
      %swap3A_88 = arith.constant 0 : index
      %swap3A_89 = arith.constant 0 : index
      %swap3A_90 = arith.constant 0 : index
      %swap3A_91 = vector.load %arg4[%swap3A_88, %swap3A_89, %swap3A_90] : memref<1x100x3xf32, #tpu.memory_space<vmem>>, vector<1x100x3xf32>
      %swap3A_92 = vector.shape_cast %swap3A_91 : vector<1x100x3xf32> to vector<100x3xf32>
      %swap3A_93 = vector.shape_cast %div3A_87 : vector<100x3xf32> to vector<1x100x3xf32>
      tpu.vector_store %arg4[%swap3A_88, %swap3A_89, %swap3A_90], %swap3A_93 {strides = array<i32>} : memref<1x100x3xf32, #tpu.memory_space<vmem>>, vector<1x100x3xf32>,
      %dot_general3A_94 = arith.constant dense<0.000000e+00> : vector<100x1xf32>
      %dot_general3A_95 = tpu.matmul %convert_element_type3A_65, %round3A, %dot_general3A_94 {dimension_numbers = #tpu.dot_dimension_numbers<[1], [0], [0], [1], [0, 0, 1, 1], [], []>, precision = #tpu.contract_precision<fp32>, transpose_lhs_hint = false} : vector<100x100xf32>, vector<100x1xf32>, vector<100x1xf32> -> vector<100x1xf32>
      %round3A_96 = math.roundeven %dot_general3A_95 : vector<100x1xf32>
      %dot_general3A_97 = arith.constant dense<0.000000e+00> : vector<1x100xf32>
      %dot_general3A_98 = tpu.matmul %round3A_96, %convert_element_type3A_68, %dot_general3A_97 {dimension_numbers = #tpu.dot_dimension_numbers<[0], [0], [1], [1], [0, 1, 1, 1], [], []>, precision = #tpu.contract_precision<fp32>, transpose_lhs_hint = false} : vector<100x1xf32>, vector<100x100xf32>, vector<1x100xf32> -> vector<1x100xf32>
      %swap3A_99 = arith.constant 0 : index
      %swap3A_100 = arith.constant 0 : index
      %swap3A_101 = arith.constant 0 : index
      %swap3A_102 = vector.load %arg6[%swap3A_99, %swap3A_100, %swap3A_101] : memref<1x1x100xf32, #tpu.memory_space<vmem>>, vector<1x1x100xf32>
      %swap3A_103 = vector.shape_cast %swap3A_102 : vector<1x1x100xf32> to vector<1x100xf32>
      %swap3A_104 = vector.shape_cast %dot_general3A_98 : vector<1x100xf32> to vector<1x1x100xf32>
      tpu.vector_store %arg6[%swap3A_99, %swap3A_100, %swap3A_101], %swap3A_104 {strides = array<i32>} : memref<1x1x100xf32, #tpu.memory_space<vmem>>, vector<1x1x100xf32>,
      %add3A_105 = arith.addf %round3A_96, %round3A : vector<100x1xf32>
      %convert_element_type3A_106 = arith.fptosi %add3A_105 : vector<100x1xf32> to vector<100x1xi32>
      %iota3A_107 = tpu.iota {dimensions = array<i32: 1>} : vector<1x128xi32>
      %mul3A_108 = arith.constant 128 : i32
      %mul3A_109 = vector.broadcast %mul3A_108 : i32 to vector<1x128xi32>
      %mul3A_110 = arith.muli %iota3A_107, %mul3A_109 : vector<1x128xi32>
      %le3A = vector.broadcast %convert_element_type3A_106 : vector<100x1xi32> to vector<100x128xi32>
      %le3A_111 = vector.broadcast %mul3A_110 : vector<1x128xi32> to vector<100x128xi32>
      %le3A_112 = arith.cmpi sle, %le3A, %le3A_111 : vector<100x128xi32>
      %convert_element_type3A_113 = arith.extui %le3A_112 : vector<100x128xi1> to vector<100x128xi32>
      %reduce_sum3A_114 = arith.constant dense<0> : vector<128xi32>
      %reduce_sum3A_115 = vector.multi_reduction <add>, %convert_element_type3A_113, %reduce_sum3A_114 [0] : vector<100x128xi32> to vector<128xi32>
      %broadcast_in_dim3A_116 = vector.shape_cast %reduce_sum3A_115 : vector<128xi32> to vector<1x128xi32>
      %add3A_117 = arith.constant 127 : i32
      %add3A_118 = vector.broadcast %add3A_117 : i32 to vector<1x128xi32>
      %add3A_119 = arith.addi %mul3A_110, %add3A_118 : vector<1x128xi32>
      %le3A_120 = vector.broadcast %convert_element_type3A_106 : vector<100x1xi32> to vector<100x128xi32>
      %le3A_121 = vector.broadcast %add3A_119 : vector<1x128xi32> to vector<100x128xi32>
      %le3A_122 = arith.cmpi sle, %le3A_120, %le3A_121 : vector<100x128xi32>
      %convert_element_type3A_123 = arith.extui %le3A_122 : vector<100x128xi1> to vector<100x128xi32>
      %reduce_sum3A_124 = arith.constant dense<0> : vector<128xi32>
      %reduce_sum3A_125 = vector.multi_reduction <add>, %convert_element_type3A_123, %reduce_sum3A_124 [0] : vector<100x128xi32> to vector<128xi32>
      %broadcast_in_dim3A_126 = vector.shape_cast %reduce_sum3A_125 : vector<128xi32> to vector<1x128xi32>
      %swap3A_127 = arith.constant 0 : index
      %swap3A_128 = arith.constant 0 : index
      %swap3A_129 = arith.constant 0 : index
      %swap3A_130 = vector.load %arg7[%swap3A_127, %swap3A_128, %swap3A_129] : memref<1x2x128xi32, #tpu.memory_space<vmem>>, vector<1x1x128xi32>
      %swap3A_131 = vector.shape_cast %swap3A_130 : vector<1x1x128xi32> to vector<1x128xi32>
      %swap3A_132 = vector.shape_cast %broadcast_in_dim3A_116 : vector<1x128xi32> to vector<1x1x128xi32>
      tpu.vector_store %arg7[%swap3A_127, %swap3A_128, %swap3A_129], %swap3A_132 {strides = array<i32>} : memref<1x2x128xi32, #tpu.memory_space<vmem>>, vector<1x1x128xi32>,
      %swap3A_133 = arith.constant 0 : index
      %swap3A_134 = arith.constant 1 : index
      %swap3A_135 = arith.constant 0 : index
      %swap3A_136 = vector.load %arg7[%swap3A_133, %swap3A_134, %swap3A_135] : memref<1x2x128xi32, #tpu.memory_space<vmem>>, vector<1x1x128xi32>
      %swap3A_137 = vector.shape_cast %swap3A_136 : vector<1x1x128xi32> to vector<1x128xi32>
      %swap3A_138 = vector.shape_cast %broadcast_in_dim3A_126 : vector<1x128xi32> to vector<1x1x128xi32>
      tpu.vector_store %arg7[%swap3A_133, %swap3A_134, %swap3A_135], %swap3A_138 {strides = array<i32>} : memref<1x2x128xi32, #tpu.memory_space<vmem>>, vector<1x1x128xi32>,
    } else {
    }
    return
  }
  func.func @transform_0(%arg0: i32, %arg1: i32) -> (i32, i32, i32) {
    %c0_i32 = arith.constant 0 : i32
    %c0_i32_0 = arith.constant 0 : i32
    return %arg0, %arg1, %c0_i32 : i32, i32, i32
  }
  func.func @transform_1(%arg0: i32, %arg1: i32) -> (i32, i32) {
    %mul3A = arith.constant 16 : i32
    %mul3A_0 = arith.muli %arg0, %mul3A : i32
    %add3A = arith.addi %mul3A_0, %arg1 : i32
    %c0_i32 = arith.constant 0 : i32
    %c0_i32_1 = arith.constant 0 : i32
    return %add3A, %c0_i32 : i32, i32
  }
  func.func @transform_2(%arg0: i32, %arg1: i32) -> (i32, i32, i32) {
    %c0_i32 = arith.constant 0 : i32
    %c0_i32_0 = arith.constant 0 : i32
    %c0_i32_1 = arith.constant 0 : i32
    return %arg0, %c0_i32, %c0_i32_0 : i32, i32, i32
  }
  func.func @transform_3(%arg0: i32, %arg1: i32) -> (i32, i32, i32) {
    %c0_i32 = arith.constant 0 : i32
    %c0_i32_0 = arith.constant 0 : i32
    %c0_i32_1 = arith.constant 0 : i32
    return %arg0, %c0_i32, %c0_i32_0 : i32, i32, i32
  }
  func.func @transform_4(%arg0: i32, %arg1: i32) -> (i32, i32, i32) {
    %c0_i32 = arith.constant 0 : i32
    %c0_i32_0 = arith.constant 0 : i32
    %c0_i32_1 = arith.constant 0 : i32
    return %arg0, %c0_i32, %c0_i32_0 : i32, i32, i32
  }
  func.func @transform_5(%arg0: i32, %arg1: i32) -> (i32, i32, i32) {
    %c0_i32 = arith.constant 0 : i32
    %c0_i32_0 = arith.constant 0 : i32
    %c0_i32_1 = arith.constant 0 : i32
    return %arg0, %c0_i32, %c0_i32_0 : i32, i32, i32
  }
}

module attributes {stable_mosaic.version = 14 : i64} {
  func.func @_prep2_body(%arg0: i32, %arg1: i32, %arg2: memref<1024x16xf32, #tpu.memory_space<vmem>>, %arg3: memref<1x1x100xf32, #tpu.memory_space<vmem>>, %arg4: memref<8x128xi32, #tpu.memory_space<vmem>>, %arg5: memref<1x100xf32, #tpu.memory_space<vmem>>) attributes {dimension_semantics = [#tpu.dimension_semantics<arbitrary>, #tpu.dimension_semantics<arbitrary>], iteration_bounds = array<i64: 8, 16>, scalar_prefetch = 0 : i64, scratch_operands = 1 : i64, tpu.core_type = #tpu.core_type<tc>, window_params = [{transform_indices = @transform_0, window_bounds = array<i64: 1024, 16>}, {transform_indices = @transform_1, window_bounds = array<i64: 1, 1, 100>}, {transform_indices = @transform_2, window_bounds = array<i64: 8, 128>}]} {
    %get3A = arith.constant 0 : index
    %get3A_0 = arith.constant 3 : index
    %get3A_1 = vector.load %arg2[%get3A, %get3A_0] : memref<1024x16xf32, #tpu.memory_space<vmem>>, vector<1024x1xf32>
    %convert_element_type3A = arith.fptosi %get3A_1 : vector<1024x1xf32> to vector<1024x1xi32>
    %iota3A = tpu.iota {dimensions = array<i32: 1>} : vector<1024x100xi32>
    %eq3A = vector.broadcast %convert_element_type3A : vector<1024x1xi32> to vector<1024x100xi32>
    %eq3A_2 = arith.cmpi eq, %iota3A, %eq3A : vector<1024x100xi32>
    %convert_element_type3A_3 = arith.extui %eq3A_2 : vector<1024x100xi1> to vector<1024x100xi32>
    %convert_element_type3A_4 = arith.sitofp %convert_element_type3A_3 : vector<1024x100xi32> to vector<1024x100xf32>
    %eq3A_5 = arith.constant 0 : i32
    %eq3A_6 = arith.cmpi eq, %arg1, %eq3A_5 : i32
    %convert_element_type3A_7 = arith.extui %eq3A_6 : i1 to i32
    %cond3A = arith.constant 0 : i32
    %cond3A_8 = arith.cmpi ne, %convert_element_type3A_7, %cond3A : i32
    scf.if %cond3A_8 {
      %broadcast_in_dim3A_147 = arith.constant 0.000000e+00 : f32
      %broadcast_in_dim3A_148 = vector.broadcast %broadcast_in_dim3A_147 : f32 to vector<1x100xf32>
      %swap3A_149 = arith.constant 0 : index
      %swap3A_150 = arith.constant 0 : index
      %swap3A_151 = vector.load %arg5[%swap3A_149, %swap3A_150] : memref<1x100xf32, #tpu.memory_space<vmem>>, vector<1x100xf32>
      tpu.vector_store %arg5[%swap3A_149, %swap3A_150], %broadcast_in_dim3A_148 {strides = array<i32>} : memref<1x100xf32, #tpu.memory_space<vmem>>, vector<1x100xf32>,
    } else {
    }
    %iota3A_9 = tpu.iota {dimensions = array<i32: 0>} : vector<128x128xi32>
    %iota3A_10 = tpu.iota {dimensions = array<i32: 1>} : vector<128x128xi32>
    %lt3A = arith.cmpi slt, %iota3A_10, %iota3A_9 : vector<128x128xi32>
    %convert_element_type3A_11 = arith.extui %lt3A : vector<128x128xi1> to vector<128x128xi32>
    %convert_element_type3A_12 = arith.sitofp %convert_element_type3A_11 : vector<128x128xi32> to vector<128x128xf32>
    %eq3A_13 = arith.cmpi eq, %iota3A_9, %iota3A_10 : vector<128x128xi32>
    %convert_element_type3A_14 = arith.extui %eq3A_13 : vector<128x128xi1> to vector<128x128xi32>
    %convert_element_type3A_15 = arith.sitofp %convert_element_type3A_14 : vector<128x128xi32> to vector<128x128xf32>
    %get3A_16 = arith.constant 0 : index
    %get3A_17 = arith.constant 0 : index
    %get3A_18 = vector.load %arg5[%get3A_16, %get3A_17] : memref<1x100xf32, #tpu.memory_space<vmem>>, vector<1x100xf32>
    %get3A_19 = arith.constant 0 : index
    %get3A_20 = arith.constant 0 : index
    %get3A_21 = arith.constant 0 : index
    %get3A_22 = vector.load %arg3[%get3A_19, %get3A_20, %get3A_21] : memref<1x1x100xf32, #tpu.memory_space<vmem>>, vector<1x1x100xf32>
    %get3A_23 = vector.shape_cast %get3A_22 : vector<1x1x100xf32> to vector<1x100xf32>
    %add3A = arith.addf %get3A_18, %get3A_23 : vector<1x100xf32>
    %slice3A = vector.extract_strided_slice %convert_element_type3A_4 {offsets = [0, 0], sizes = [128, 100], strides = [1, 1]} : vector<1024x100xf32> to vector<128x100xf32>
    %dot_general3A = arith.constant dense<0.000000e+00> : vector<128x100xf32>
    %dot_general3A_24 = tpu.matmul %convert_element_type3A_12, %slice3A, %dot_general3A {dimension_numbers = #tpu.dot_dimension_numbers<[1], [0], [0], [1], [0, 0, 1, 1], [], []>, precision = #tpu.contract_precision<fp32>, transpose_lhs_hint = false} : vector<128x128xf32>, vector<128x100xf32>, vector<128x100xf32> -> vector<128x100xf32>
    %add3A_25 = vector.broadcast %add3A : vector<1x100xf32> to vector<128x100xf32>
    %add3A_26 = arith.addf %dot_general3A_24, %add3A_25 : vector<128x100xf32>
    %mul3A = arith.mulf %add3A_26, %slice3A : vector<128x100xf32>
    %reduce_sum3A = arith.constant dense<0.000000e+00> : vector<128xf32>
    %reduce_sum3A_27 = vector.multi_reduction <add>, %mul3A, %reduce_sum3A [1] : vector<128x100xf32> to vector<128xf32>
    %broadcast_in_dim3A = vector.shape_cast %reduce_sum3A_27 : vector<128xf32> to vector<128x1xf32>
    %round3A = math.roundeven %broadcast_in_dim3A : vector<128x1xf32>
    %reduce_sum3A_28 = arith.constant dense<0.000000e+00> : vector<100xf32>
    %reduce_sum3A_29 = vector.multi_reduction <add>, %slice3A, %reduce_sum3A_28 [0] : vector<128x100xf32> to vector<100xf32>
    %broadcast_in_dim3A_30 = vector.shape_cast %reduce_sum3A_29 : vector<100xf32> to vector<1x100xf32>
    %add3A_31 = arith.addf %add3A, %broadcast_in_dim3A_30 : vector<1x100xf32>
    %slice3A_32 = vector.extract_strided_slice %convert_element_type3A_4 {offsets = [128, 0], sizes = [128, 100], strides = [1, 1]} : vector<1024x100xf32> to vector<128x100xf32>
    %dot_general3A_33 = arith.constant dense<0.000000e+00> : vector<128x100xf32>
    %dot_general3A_34 = tpu.matmul %convert_element_type3A_12, %slice3A_32, %dot_general3A_33 {dimension_numbers = #tpu.dot_dimension_numbers<[1], [0], [0], [1], [0, 0, 1, 1], [], []>, precision = #tpu.contract_precision<fp32>, transpose_lhs_hint = false} : vector<128x128xf32>, vector<128x100xf32>, vector<128x100xf32> -> vector<128x100xf32>
    %add3A_35 = vector.broadcast %add3A_31 : vector<1x100xf32> to vector<128x100xf32>
    %add3A_36 = arith.addf %dot_general3A_34, %add3A_35 : vector<128x100xf32>
    %mul3A_37 = arith.mulf %add3A_36, %slice3A_32 : vector<128x100xf32>
    %reduce_sum3A_38 = arith.constant dense<0.000000e+00> : vector<128xf32>
    %reduce_sum3A_39 = vector.multi_reduction <add>, %mul3A_37, %reduce_sum3A_38 [1] : vector<128x100xf32> to vector<128xf32>
    %broadcast_in_dim3A_40 = vector.shape_cast %reduce_sum3A_39 : vector<128xf32> to vector<128x1xf32>
    %round3A_41 = math.roundeven %broadcast_in_dim3A_40 : vector<128x1xf32>
    %reduce_sum3A_42 = arith.constant dense<0.000000e+00> : vector<100xf32>
    %reduce_sum3A_43 = vector.multi_reduction <add>, %slice3A_32, %reduce_sum3A_42 [0] : vector<128x100xf32> to vector<100xf32>
    %broadcast_in_dim3A_44 = vector.shape_cast %reduce_sum3A_43 : vector<100xf32> to vector<1x100xf32>
    %add3A_45 = arith.addf %add3A_31, %broadcast_in_dim3A_44 : vector<1x100xf32>
    %slice3A_46 = vector.extract_strided_slice %convert_element_type3A_4 {offsets = [256, 0], sizes = [128, 100], strides = [1, 1]} : vector<1024x100xf32> to vector<128x100xf32>
    %dot_general3A_47 = arith.constant dense<0.000000e+00> : vector<128x100xf32>
    %dot_general3A_48 = tpu.matmul %convert_element_type3A_12, %slice3A_46, %dot_general3A_47 {dimension_numbers = #tpu.dot_dimension_numbers<[1], [0], [0], [1], [0, 0, 1, 1], [], []>, precision = #tpu.contract_precision<fp32>, transpose_lhs_hint = false} : vector<128x128xf32>, vector<128x100xf32>, vector<128x100xf32> -> vector<128x100xf32>
    %add3A_49 = vector.broadcast %add3A_45 : vector<1x100xf32> to vector<128x100xf32>
    %add3A_50 = arith.addf %dot_general3A_48, %add3A_49 : vector<128x100xf32>
    %mul3A_51 = arith.mulf %add3A_50, %slice3A_46 : vector<128x100xf32>
    %reduce_sum3A_52 = arith.constant dense<0.000000e+00> : vector<128xf32>
    %reduce_sum3A_53 = vector.multi_reduction <add>, %mul3A_51, %reduce_sum3A_52 [1] : vector<128x100xf32> to vector<128xf32>
    %broadcast_in_dim3A_54 = vector.shape_cast %reduce_sum3A_53 : vector<128xf32> to vector<128x1xf32>
    %round3A_55 = math.roundeven %broadcast_in_dim3A_54 : vector<128x1xf32>
    %reduce_sum3A_56 = arith.constant dense<0.000000e+00> : vector<100xf32>
    %reduce_sum3A_57 = vector.multi_reduction <add>, %slice3A_46, %reduce_sum3A_56 [0] : vector<128x100xf32> to vector<100xf32>
    %broadcast_in_dim3A_58 = vector.shape_cast %reduce_sum3A_57 : vector<100xf32> to vector<1x100xf32>
    %add3A_59 = arith.addf %add3A_45, %broadcast_in_dim3A_58 : vector<1x100xf32>
    %slice3A_60 = vector.extract_strided_slice %convert_element_type3A_4 {offsets = [384, 0], sizes = [128, 100], strides = [1, 1]} : vector<1024x100xf32> to vector<128x100xf32>
    %dot_general3A_61 = arith.constant dense<0.000000e+00> : vector<128x100xf32>
    %dot_general3A_62 = tpu.matmul %convert_element_type3A_12, %slice3A_60, %dot_general3A_61 {dimension_numbers = #tpu.dot_dimension_numbers<[1], [0], [0], [1], [0, 0, 1, 1], [], []>, precision = #tpu.contract_precision<fp32>, transpose_lhs_hint = false} : vector<128x128xf32>, vector<128x100xf32>, vector<128x100xf32> -> vector<128x100xf32>
    %add3A_63 = vector.broadcast %add3A_59 : vector<1x100xf32> to vector<128x100xf32>
    %add3A_64 = arith.addf %dot_general3A_62, %add3A_63 : vector<128x100xf32>
    %mul3A_65 = arith.mulf %add3A_64, %slice3A_60 : vector<128x100xf32>
    %reduce_sum3A_66 = arith.constant dense<0.000000e+00> : vector<128xf32>
    %reduce_sum3A_67 = vector.multi_reduction <add>, %mul3A_65, %reduce_sum3A_66 [1] : vector<128x100xf32> to vector<128xf32>
    %broadcast_in_dim3A_68 = vector.shape_cast %reduce_sum3A_67 : vector<128xf32> to vector<128x1xf32>
    %round3A_69 = math.roundeven %broadcast_in_dim3A_68 : vector<128x1xf32>
    %reduce_sum3A_70 = arith.constant dense<0.000000e+00> : vector<100xf32>
    %reduce_sum3A_71 = vector.multi_reduction <add>, %slice3A_60, %reduce_sum3A_70 [0] : vector<128x100xf32> to vector<100xf32>
    %broadcast_in_dim3A_72 = vector.shape_cast %reduce_sum3A_71 : vector<100xf32> to vector<1x100xf32>
    %add3A_73 = arith.addf %add3A_59, %broadcast_in_dim3A_72 : vector<1x100xf32>
    %slice3A_74 = vector.extract_strided_slice %convert_element_type3A_4 {offsets = [512, 0], sizes = [128, 100], strides = [1, 1]} : vector<1024x100xf32> to vector<128x100xf32>
    %dot_general3A_75 = arith.constant dense<0.000000e+00> : vector<128x100xf32>
    %dot_general3A_76 = tpu.matmul %convert_element_type3A_12, %slice3A_74, %dot_general3A_75 {dimension_numbers = #tpu.dot_dimension_numbers<[1], [0], [0], [1], [0, 0, 1, 1], [], []>, precision = #tpu.contract_precision<fp32>, transpose_lhs_hint = false} : vector<128x128xf32>, vector<128x100xf32>, vector<128x100xf32> -> vector<128x100xf32>
    %add3A_77 = vector.broadcast %add3A_73 : vector<1x100xf32> to vector<128x100xf32>
    %add3A_78 = arith.addf %dot_general3A_76, %add3A_77 : vector<128x100xf32>
    %mul3A_79 = arith.mulf %add3A_78, %slice3A_74 : vector<128x100xf32>
    %reduce_sum3A_80 = arith.constant dense<0.000000e+00> : vector<128xf32>
    %reduce_sum3A_81 = vector.multi_reduction <add>, %mul3A_79, %reduce_sum3A_80 [1] : vector<128x100xf32> to vector<128xf32>
    %broadcast_in_dim3A_82 = vector.shape_cast %reduce_sum3A_81 : vector<128xf32> to vector<128x1xf32>
    %round3A_83 = math.roundeven %broadcast_in_dim3A_82 : vector<128x1xf32>
    %reduce_sum3A_84 = arith.constant dense<0.000000e+00> : vector<100xf32>
    %reduce_sum3A_85 = vector.multi_reduction <add>, %slice3A_74, %reduce_sum3A_84 [0] : vector<128x100xf32> to vector<100xf32>
    %broadcast_in_dim3A_86 = vector.shape_cast %reduce_sum3A_85 : vector<100xf32> to vector<1x100xf32>
    %add3A_87 = arith.addf %add3A_73, %broadcast_in_dim3A_86 : vector<1x100xf32>
    %slice3A_88 = vector.extract_strided_slice %convert_element_type3A_4 {offsets = [640, 0], sizes = [128, 100], strides = [1, 1]} : vector<1024x100xf32> to vector<128x100xf32>
    %dot_general3A_89 = arith.constant dense<0.000000e+00> : vector<128x100xf32>
    %dot_general3A_90 = tpu.matmul %convert_element_type3A_12, %slice3A_88, %dot_general3A_89 {dimension_numbers = #tpu.dot_dimension_numbers<[1], [0], [0], [1], [0, 0, 1, 1], [], []>, precision = #tpu.contract_precision<fp32>, transpose_lhs_hint = false} : vector<128x128xf32>, vector<128x100xf32>, vector<128x100xf32> -> vector<128x100xf32>
    %add3A_91 = vector.broadcast %add3A_87 : vector<1x100xf32> to vector<128x100xf32>
    %add3A_92 = arith.addf %dot_general3A_90, %add3A_91 : vector<128x100xf32>
    %mul3A_93 = arith.mulf %add3A_92, %slice3A_88 : vector<128x100xf32>
    %reduce_sum3A_94 = arith.constant dense<0.000000e+00> : vector<128xf32>
    %reduce_sum3A_95 = vector.multi_reduction <add>, %mul3A_93, %reduce_sum3A_94 [1] : vector<128x100xf32> to vector<128xf32>
    %broadcast_in_dim3A_96 = vector.shape_cast %reduce_sum3A_95 : vector<128xf32> to vector<128x1xf32>
    %round3A_97 = math.roundeven %broadcast_in_dim3A_96 : vector<128x1xf32>
    %reduce_sum3A_98 = arith.constant dense<0.000000e+00> : vector<100xf32>
    %reduce_sum3A_99 = vector.multi_reduction <add>, %slice3A_88, %reduce_sum3A_98 [0] : vector<128x100xf32> to vector<100xf32>
    %broadcast_in_dim3A_100 = vector.shape_cast %reduce_sum3A_99 : vector<100xf32> to vector<1x100xf32>
    %add3A_101 = arith.addf %add3A_87, %broadcast_in_dim3A_100 : vector<1x100xf32>
    %slice3A_102 = vector.extract_strided_slice %convert_element_type3A_4 {offsets = [768, 0], sizes = [128, 100], strides = [1, 1]} : vector<1024x100xf32> to vector<128x100xf32>
    %dot_general3A_103 = arith.constant dense<0.000000e+00> : vector<128x100xf32>
    %dot_general3A_104 = tpu.matmul %convert_element_type3A_12, %slice3A_102, %dot_general3A_103 {dimension_numbers = #tpu.dot_dimension_numbers<[1], [0], [0], [1], [0, 0, 1, 1], [], []>, precision = #tpu.contract_precision<fp32>, transpose_lhs_hint = false} : vector<128x128xf32>, vector<128x100xf32>, vector<128x100xf32> -> vector<128x100xf32>
    %add3A_105 = vector.broadcast %add3A_101 : vector<1x100xf32> to vector<128x100xf32>
    %add3A_106 = arith.addf %dot_general3A_104, %add3A_105 : vector<128x100xf32>
    %mul3A_107 = arith.mulf %add3A_106, %slice3A_102 : vector<128x100xf32>
    %reduce_sum3A_108 = arith.constant dense<0.000000e+00> : vector<128xf32>
    %reduce_sum3A_109 = vector.multi_reduction <add>, %mul3A_107, %reduce_sum3A_108 [1] : vector<128x100xf32> to vector<128xf32>
    %broadcast_in_dim3A_110 = vector.shape_cast %reduce_sum3A_109 : vector<128xf32> to vector<128x1xf32>
    %round3A_111 = math.roundeven %broadcast_in_dim3A_110 : vector<128x1xf32>
    %reduce_sum3A_112 = arith.constant dense<0.000000e+00> : vector<100xf32>
    %reduce_sum3A_113 = vector.multi_reduction <add>, %slice3A_102, %reduce_sum3A_112 [0] : vector<128x100xf32> to vector<100xf32>
    %broadcast_in_dim3A_114 = vector.shape_cast %reduce_sum3A_113 : vector<100xf32> to vector<1x100xf32>
    %add3A_115 = arith.addf %add3A_101, %broadcast_in_dim3A_114 : vector<1x100xf32>
    %slice3A_116 = vector.extract_strided_slice %convert_element_type3A_4 {offsets = [896, 0], sizes = [128, 100], strides = [1, 1]} : vector<1024x100xf32> to vector<128x100xf32>
    %dot_general3A_117 = arith.constant dense<0.000000e+00> : vector<128x100xf32>
    %dot_general3A_118 = tpu.matmul %convert_element_type3A_12, %slice3A_116, %dot_general3A_117 {dimension_numbers = #tpu.dot_dimension_numbers<[1], [0], [0], [1], [0, 0, 1, 1], [], []>, precision = #tpu.contract_precision<fp32>, transpose_lhs_hint = false} : vector<128x128xf32>, vector<128x100xf32>, vector<128x100xf32> -> vector<128x100xf32>
    %add3A_119 = vector.broadcast %add3A_115 : vector<1x100xf32> to vector<128x100xf32>
    %add3A_120 = arith.addf %dot_general3A_118, %add3A_119 : vector<128x100xf32>
    %mul3A_121 = arith.mulf %add3A_120, %slice3A_116 : vector<128x100xf32>
    %reduce_sum3A_122 = arith.constant dense<0.000000e+00> : vector<128xf32>
    %reduce_sum3A_123 = vector.multi_reduction <add>, %mul3A_121, %reduce_sum3A_122 [1] : vector<128x100xf32> to vector<128xf32>
    %broadcast_in_dim3A_124 = vector.shape_cast %reduce_sum3A_123 : vector<128xf32> to vector<128x1xf32>
    %round3A_125 = math.roundeven %broadcast_in_dim3A_124 : vector<128x1xf32>
    %reduce_sum3A_126 = arith.constant dense<0.000000e+00> : vector<100xf32>
    %reduce_sum3A_127 = vector.multi_reduction <add>, %slice3A_116, %reduce_sum3A_126 [0] : vector<128x100xf32> to vector<100xf32>
    %broadcast_in_dim3A_128 = vector.shape_cast %reduce_sum3A_127 : vector<100xf32> to vector<1x100xf32>
    %add3A_129 = arith.addf %add3A_115, %broadcast_in_dim3A_128 : vector<1x100xf32>
    %concatenate3A = tpu.concatenate %round3A, %round3A_41, %round3A_55, %round3A_69, %round3A_83, %round3A_97, %round3A_111, %round3A_125 in 1 : vector<128x1xf32>, vector<128x1xf32>, vector<128x1xf32>, vector<128x1xf32>, vector<128x1xf32>, vector<128x1xf32>, vector<128x1xf32>, vector<128x1xf32> -> vector<128x8xf32>
    %dot_general3A_130 = arith.constant dense<0.000000e+00> : vector<8x128xf32>
    %dot_general3A_131 = tpu.matmul %concatenate3A, %convert_element_type3A_15, %dot_general3A_130 {dimension_numbers = #tpu.dot_dimension_numbers<[0], [0], [1], [1], [0, 1, 1, 1], [], []>, precision = #tpu.contract_precision<fp32>, transpose_lhs_hint = false} : vector<128x8xf32>, vector<128x128xf32>, vector<8x128xf32> -> vector<8x128xf32>
    %convert_element_type3A_132 = arith.fptosi %dot_general3A_131 : vector<8x128xf32> to vector<8x128xi32>
    %mul3A_133 = arith.constant 16384 : i32
    %mul3A_134 = arith.muli %arg0, %mul3A_133 : i32
    %add3A_135 = vector.broadcast %mul3A_134 : i32 to vector<8x128xi32>
    %add3A_136 = arith.addi %convert_element_type3A_132, %add3A_135 : vector<8x128xi32>
    %swap3A = arith.constant 0 : index
    %swap3A_137 = arith.constant 0 : index
    %swap3A_138 = vector.load %arg4[%swap3A, %swap3A_137] : memref<8x128xi32, #tpu.memory_space<vmem>>, vector<8x128xi32>
    tpu.vector_store %arg4[%swap3A, %swap3A_137], %add3A_136 {strides = array<i32>} : memref<8x128xi32, #tpu.memory_space<vmem>>, vector<8x128xi32>,
    %get3A_139 = arith.constant 0 : index
    %get3A_140 = arith.constant 0 : index
    %get3A_141 = arith.constant 0 : index
    %get3A_142 = vector.load %arg3[%get3A_139, %get3A_140, %get3A_141] : memref<1x1x100xf32, #tpu.memory_space<vmem>>, vector<1x1x100xf32>
    %get3A_143 = vector.shape_cast %get3A_142 : vector<1x1x100xf32> to vector<1x100xf32>
    %sub3A = arith.subf %add3A_129, %get3A_143 : vector<1x100xf32>
    %swap3A_144 = arith.constant 0 : index
    %swap3A_145 = arith.constant 0 : index
    %swap3A_146 = vector.load %arg5[%swap3A_144, %swap3A_145] : memref<1x100xf32, #tpu.memory_space<vmem>>, vector<1x100xf32>
    tpu.vector_store %arg5[%swap3A_144, %swap3A_145], %sub3A {strides = array<i32>} : memref<1x100xf32, #tpu.memory_space<vmem>>, vector<1x100xf32>,
    return
  }
  func.func @transform_0(%arg0: i32, %arg1: i32) -> (i32, i32) {
    %mul3A = arith.constant 16 : i32
    %mul3A_0 = arith.muli %arg0, %mul3A : i32
    %add3A = arith.addi %mul3A_0, %arg1 : i32
    %c0_i32 = arith.constant 0 : i32
    %c0_i32_1 = arith.constant 0 : i32
    return %add3A, %c0_i32 : i32, i32
  }
  func.func @transform_1(%arg0: i32, %arg1: i32) -> (i32, i32, i32) {
    %c0_i32 = arith.constant 0 : i32
    %c0_i32_0 = arith.constant 0 : i32
    %c0_i32_1 = arith.constant 0 : i32
    return %arg0, %c0_i32, %c0_i32_0 : i32, i32, i32
  }
  func.func @transform_2(%arg0: i32, %arg1: i32) -> (i32, i32) {
    %mul3A = arith.constant 16 : i32
    %mul3A_0 = arith.muli %arg0, %mul3A : i32
    %add3A = arith.addi %mul3A_0, %arg1 : i32
    %c0_i32 = arith.constant 0 : i32
    %c0_i32_1 = arith.constant 0 : i32
    return %add3A, %c0_i32 : i32, i32
  }
}

module attributes {stable_mosaic.version = 14 : i64} {
  func.func @_main_body(%arg0: i32, %arg1: memref<16384x16xf32, #tpu.memory_space<vmem>>, %arg2: memref<1x100x3xf32, #tpu.memory_space<vmem>>, %arg3: memref<1x100x1xf32, #tpu.memory_space<vmem>>, %arg4: memref<8x2x128xi32, #tpu.memory_space<smem>>, %arg5: memref<6x32xf32, #tpu.memory_space<vmem>>, %arg6: memref<32x64xf32, #tpu.memory_space<vmem>>, %arg7: memref<64x128xf32, #tpu.memory_space<vmem>>, %arg8: memref<128x768xf32, #tpu.memory_space<vmem>>, %arg9: memref<128x768xf32, #tpu.memory_space<vmem>>, %arg10: memref<1x100x768xf32, #tpu.memory_space<vmem>>, %arg11: memref<100x896xf32, #tpu.memory_space<vmem>>, %arg12: memref<2048x896xf32, #tpu.memory_space<vmem>>) attributes {dimension_semantics = [#tpu.dimension_semantics<arbitrary>], iteration_bounds = array<i64: 8>, scalar_prefetch = 0 : i64, scratch_operands = 2 : i64, tpu.core_type = #tpu.core_type<tc>, window_params = [{transform_indices = @transform_0, window_bounds = array<i64: 16384, 16>}, {transform_indices = @transform_1, window_bounds = array<i64: 1, 100, 3>}, {transform_indices = @transform_2, window_bounds = array<i64: 1, 100, 1>}, {transform_indices = @transform_3, window_bounds = array<i64: 8, 2, 128>}, {pipeline_mode = #tpu.pipeline_mode<synchronous>, transform_indices = @transform_4, window_bounds = array<i64: 6, 32>}, {pipeline_mode = #tpu.pipeline_mode<synchronous>, transform_indices = @transform_5, window_bounds = array<i64: 32, 64>}, {pipeline_mode = #tpu.pipeline_mode<synchronous>, transform_indices = @transform_6, window_bounds = array<i64: 64, 128>}, {pipeline_mode = #tpu.pipeline_mode<synchronous>, transform_indices = @transform_7, window_bounds = array<i64: 128, 768>}, {pipeline_mode = #tpu.pipeline_mode<synchronous>, transform_indices = @transform_8, window_bounds = array<i64: 128, 768>}, {transform_indices = @transform_9, window_bounds = array<i64: 1, 100, 768>}]} {
    %broadcast_in_dim3A = arith.constant -1.000000e+30 : f32
    %broadcast_in_dim3A_0 = vector.broadcast %broadcast_in_dim3A : f32 to vector<100x896xf32>
    %swap3A = arith.constant 0 : index
    %swap3A_1 = arith.constant 0 : index
    %swap3A_2 = vector.load %arg11[%swap3A, %swap3A_1] : memref<100x896xf32, #tpu.memory_space<vmem>>, vector<100x896xf32>
    tpu.vector_store %arg11[%swap3A, %swap3A_1], %broadcast_in_dim3A_0 {strides = array<i32>} : memref<100x896xf32, #tpu.memory_space<vmem>>, vector<100x896xf32>,
    %get3A = arith.constant 0 : index
    %get3A_3 = arith.constant 0 : index
    %get3A_4 = vector.load %arg1[%get3A, %get3A_3] : memref<16384x16xf32, #tpu.memory_space<vmem>>, vector<2048x16xf32>
    %slice3A = vector.extract_strided_slice %get3A_4 {offsets = [0, 0], sizes = [2048, 3], strides = [1, 1]} : vector<2048x16xf32> to vector<2048x3xf32>
    %slice3A_5 = vector.extract_strided_slice %get3A_4 {offsets = [0, 3], sizes = [2048, 1], strides = [1, 1]} : vector<2048x16xf32> to vector<2048x1xf32>
    %convert_element_type3A = arith.fptosi %slice3A_5 : vector<2048x1xf32> to vector<2048x1xi32>
    %iota3A = tpu.iota {dimensions = array<i32: 1>} : vector<2048x100xi32>
    %eq3A = vector.broadcast %convert_element_type3A : vector<2048x1xi32> to vector<2048x100xi32>
    %eq3A_6 = arith.cmpi eq, %iota3A, %eq3A : vector<2048x100xi32>
    %convert_element_type3A_7 = arith.extui %eq3A_6 : vector<2048x100xi1> to vector<2048x100xi32>
    %convert_element_type3A_8 = arith.sitofp %convert_element_type3A_7 : vector<2048x100xi32> to vector<2048x100xf32>
    %get3A_9 = arith.constant 0 : index
    %get3A_10 = arith.constant 0 : index
    %get3A_11 = arith.constant 0 : index
    %get3A_12 = vector.load %arg2[%get3A_9, %get3A_10, %get3A_11] : memref<1x100x3xf32, #tpu.memory_space<vmem>>, vector<1x100x3xf32>
    %get3A_13 = vector.shape_cast %get3A_12 : vector<1x100x3xf32> to vector<100x3xf32>
    %dot_general3A = arith.constant dense<0.000000e+00> : vector<2048x3xf32>
    %dot_general3A_14 = tpu.matmul %convert_element_type3A_8, %get3A_13, %dot_general3A {dimension_numbers = #tpu.dot_dimension_numbers<[1], [0], [0], [1], [0, 0, 1, 1], [], []>, transpose_lhs_hint = false} : vector<2048x100xf32>, vector<100x3xf32>, vector<2048x3xf32> -> vector<2048x3xf32>
    %sub3A = arith.subf %slice3A, %dot_general3A_14 : vector<2048x3xf32>
    %concatenate3A = tpu.concatenate %slice3A, %sub3A in 1 : vector<2048x3xf32>, vector<2048x3xf32> -> vector<2048x6xf32>
    %get3A_15 = arith.constant 0 : index
    %get3A_16 = arith.constant 0 : index
    %get3A_17 = vector.load %arg5[%get3A_15, %get3A_16] : memref<6x32xf32, #tpu.memory_space<vmem>>, vector<6x32xf32>
    %dot_general3A_18 = arith.constant dense<0.000000e+00> : vector<2048x32xf32>
    %dot_general3A_19 = tpu.matmul %concatenate3A, %get3A_17, %dot_general3A_18 {dimension_numbers = #tpu.dot_dimension_numbers<[1], [0], [0], [1], [0, 0, 1, 1], [], []>, transpose_lhs_hint = false} : vector<2048x6xf32>, vector<6x32xf32>, vector<2048x32xf32> -> vector<2048x32xf32>
    %max3A = arith.constant 0.000000e+00 : f32
    %max3A_20 = vector.broadcast %max3A : f32 to vector<2048x32xf32>
    %max3A_21 = arith.maximumf %dot_general3A_19, %max3A_20 : vector<2048x32xf32>
    %get3A_22 = arith.constant 0 : index
    %get3A_23 = arith.constant 0 : index
    %get3A_24 = vector.load %arg6[%get3A_22, %get3A_23] : memref<32x64xf32, #tpu.memory_space<vmem>>, vector<32x64xf32>
    %dot_general3A_25 = arith.constant dense<0.000000e+00> : vector<2048x64xf32>
    %dot_general3A_26 = tpu.matmul %max3A_21, %get3A_24, %dot_general3A_25 {dimension_numbers = #tpu.dot_dimension_numbers<[1], [0], [0], [1], [0, 0, 1, 1], [], []>, transpose_lhs_hint = false} : vector<2048x32xf32>, vector<32x64xf32>, vector<2048x64xf32> -> vector<2048x64xf32>
    %max3A_27 = arith.constant 0.000000e+00 : f32
    %max3A_28 = vector.broadcast %max3A_27 : f32 to vector<2048x64xf32>
    %max3A_29 = arith.maximumf %dot_general3A_26, %max3A_28 : vector<2048x64xf32>
    %get3A_30 = arith.constant 0 : index
    %get3A_31 = arith.constant 0 : index
    %get3A_32 = vector.load %arg7[%get3A_30, %get3A_31] : memref<64x128xf32, #tpu.memory_space<vmem>>, vector<64x128xf32>
    %dot_general3A_33 = arith.constant dense<0.000000e+00> : vector<2048x128xf32>
    %dot_general3A_34 = tpu.matmul %max3A_29, %get3A_32, %dot_general3A_33 {dimension_numbers = #tpu.dot_dimension_numbers<[1], [0], [0], [1], [0, 0, 1, 1], [], []>, transpose_lhs_hint = false} : vector<2048x64xf32>, vector<64x128xf32>, vector<2048x128xf32> -> vector<2048x128xf32>
    %max3A_35 = arith.constant 0.000000e+00 : f32
    %max3A_36 = vector.broadcast %max3A_35 : f32 to vector<2048x128xf32>
    %max3A_37 = arith.maximumf %dot_general3A_34, %max3A_36 : vector<2048x128xf32>
    %convert_element_type3A_38 = arith.truncf %max3A_37 : vector<2048x128xf32> to vector<2048x128xbf16>
    %get3A_39 = arith.constant 0 : index
    %get3A_40 = arith.constant 0 : index
    %get3A_41 = vector.load %arg8[%get3A_39, %get3A_40] : memref<128x768xf32, #tpu.memory_space<vmem>>, vector<128x768xf32>
    %convert_element_type3A_42 = arith.truncf %get3A_41 : vector<128x768xf32> to vector<128x768xbf16>
    %dot_general3A_43 = arith.constant dense<0.000000e+00> : vector<2048x768xf32>
    %dot_general3A_44 = tpu.matmul %convert_element_type3A_38, %convert_element_type3A_42, %dot_general3A_43 {dimension_numbers = #tpu.dot_dimension_numbers<[1], [0], [0], [1], [0, 0, 1, 1], [], []>, transpose_lhs_hint = false} : vector<2048x128xbf16>, vector<128x768xbf16>, vector<2048x768xf32> -> vector<2048x768xf32>
    %concatenate3A_45 = tpu.concatenate %max3A_37, %dot_general3A_44 in 1 : vector<2048x128xf32>, vector<2048x768xf32> -> vector<2048x896xf32>
    %swap3A_46 = arith.constant 0 : index
    %swap3A_47 = arith.constant 0 : index
    %swap3A_48 = vector.load %arg12[%swap3A_46, %swap3A_47] : memref<2048x896xf32, #tpu.memory_space<vmem>>, vector<2048x896xf32>
    tpu.vector_store %arg12[%swap3A_46, %swap3A_47], %concatenate3A_45 {strides = array<i32>} : memref<2048x896xf32, #tpu.memory_space<vmem>>, vector<2048x896xf32>,
    %scan3A = arith.constant 0 : i32
    %scan3A_49 = arith.constant 16 : i32
    %scan3A_50 = arith.addi %scan3A, %scan3A_49 : i32
    %scan3A_51 = arith.constant 1 : i32
    scf.for %scan3A_506 = %scan3A to %scan3A_50 step %scan3A_51  : i32 {
      %mul3A = arith.constant 128 : i32
      %mul3A_507 = arith.muli %scan3A_506, %mul3A : i32
      %add3A_508 = arith.constant 0 : i32
      %add3A_509 = arith.addi %add3A_508, %mul3A_507 : i32
      %get3A_510 = arith.index_cast %add3A_509 : i32 to index
      %get3A_511 = arith.constant 3 : index
      %get3A_512 = vector.load %arg1[%get3A_510, %get3A_511] : memref<16384x16xf32, #tpu.memory_space<vmem>>, vector<128x1xf32>
      %convert_element_type3A_513 = arith.fptosi %get3A_512 : vector<128x1xf32> to vector<128x1xi32>
      %add3A_514 = arith.constant 0 : i32
      %add3A_515 = arith.addi %add3A_514, %scan3A_506 : i32
      %get3A_516 = arith.index_cast %arg0 : i32 to index
      %get3A_517 = arith.constant 0 : index
      %get3A_518 = arith.index_cast %add3A_515 : i32 to index
      %get3A_519 = memref.load %arg4[%get3A_516, %get3A_517, %get3A_518] : memref<8x2x128xi32, #tpu.memory_space<smem>>
      %add3A_520 = arith.constant 0 : i32
      %add3A_521 = arith.addi %add3A_520, %scan3A_506 : i32
      %get3A_522 = arith.index_cast %arg0 : i32 to index
      %get3A_523 = arith.constant 1 : index
      %get3A_524 = arith.index_cast %add3A_521 : i32 to index
      %get3A_525 = memref.load %arg4[%get3A_522, %get3A_523, %get3A_524] : memref<8x2x128xi32, #tpu.memory_space<smem>>
      %add3A_526 = arith.constant 1 : i32
      %add3A_527 = arith.addi %get3A_525, %add3A_526 : i32
      %while3A = arith.constant 0 : i32
      %while3A_528 = arith.subi %add3A_527, %get3A_519 : i32
      %while3A_529 = arith.addi %get3A_519, %while3A_528 : i32
      %while3A_530 = arith.constant 1 : i32
      %while3A_531 = arith.divsi %while3A_528, %while3A_530 : i32
      %while3A_532 = arith.muli %while3A_531, %while3A_530 : i32
      %while3A_533 = arith.addi %get3A_519, %while3A_532 : i32
      %while3A_534 = arith.constant 1 : i32
      %while3A_535 = scf.for %while3A_538 = %get3A_519 to %while3A_533 step %while3A_534 iter_args(%while3A_539 = %while3A) -> (i32)  : i32 {
        %eq3A_540 = vector.broadcast %while3A_538 : i32 to vector<128x1xi32>
        %eq3A_541 = arith.cmpi eq, %convert_element_type3A_513, %eq3A_540 : vector<128x1xi32>
        %mul3A_542 = arith.constant 128 : i32
        %mul3A_543 = arith.muli %scan3A_506, %mul3A_542 : i32
        %get3A_544 = arith.index_cast %mul3A_543 : i32 to index
        %get3A_545 = arith.constant 0 : index
        %get3A_546 = vector.load %arg12[%get3A_544, %get3A_545] : memref<2048x896xf32, #tpu.memory_space<vmem>>, vector<128x896xf32>
        %jit3A_547 = arith.constant -1.000000e+30 : f32
        %broadcast_in_dim3A_548 = vector.shape_cast %eq3A_541 : vector<128x1xi1> to vector<128x1xi1>
        %broadcast_in_dim3A_549 = vector.broadcast %broadcast_in_dim3A_548 : vector<128x1xi1> to vector<128x896xi1>
        %broadcast_in_dim3A_550 = vector.broadcast %jit3A_547 : f32 to vector<128x896xf32>
        %select_n3A_551 = arith.select %broadcast_in_dim3A_549, %get3A_546, %broadcast_in_dim3A_550 : vector<128x896xi1>, vector<128x896xf32>
        %reduce_max3A = arith.constant dense<0xFF800000> : vector<896xf32>
        %reduce_max3A_552 = vector.multi_reduction <maximumf>, %select_n3A_551, %reduce_max3A [0] : vector<128x896xf32> to vector<896xf32>
        %broadcast_in_dim3A_553 = vector.shape_cast %reduce_max3A_552 : vector<896xf32> to vector<1x896xf32>
        %get3A_554 = arith.index_cast %while3A_538 : i32 to index
        %get3A_555 = arith.constant 0 : index
        %get3A_556 = vector.load %arg11[%get3A_554, %get3A_555] : memref<100x896xf32, #tpu.memory_space<vmem>>, vector<1x896xf32>
        %max3A_557 = arith.maximumf %get3A_556, %broadcast_in_dim3A_553 : vector<1x896xf32>
        %swap3A_558 = arith.index_cast %while3A_538 : i32 to index
        %swap3A_559 = arith.constant 0 : index
        %swap3A_560 = vector.load %arg11[%swap3A_558, %swap3A_559] : memref<100x896xf32, #tpu.memory_space<vmem>>, vector<1x896xf32>
        tpu.vector_store %arg11[%swap3A_558, %swap3A_559], %max3A_557 {strides = array<i32>} : memref<100x896xf32, #tpu.memory_space<vmem>>, vector<1x896xf32>,
        %while3A_561 = arith.constant 0 : i32
        scf.yield %while3A_561 : i32
      }
      %while3A_536 = arith.constant 1 : i32
      %while3A_537 = scf.for %while3A_538 = %while3A_533 to %while3A_529 step %while3A_536 iter_args(%while3A_539 = %while3A_535) -> (i32)  : i32 {
        %eq3A_540 = vector.broadcast %while3A_538 : i32 to vector<128x1xi32>
        %eq3A_541 = arith.cmpi eq, %convert_element_type3A_513, %eq3A_540 : vector<128x1xi32>
        %mul3A_542 = arith.constant 128 : i32
        %mul3A_543 = arith.muli %scan3A_506, %mul3A_542 : i32
        %get3A_544 = arith.index_cast %mul3A_543 : i32 to index
        %get3A_545 = arith.constant 0 : index
        %get3A_546 = vector.load %arg12[%get3A_544, %get3A_545] : memref<2048x896xf32, #tpu.memory_space<vmem>>, vector<128x896xf32>
        %jit3A_547 = arith.constant -1.000000e+30 : f32
        %broadcast_in_dim3A_548 = vector.shape_cast %eq3A_541 : vector<128x1xi1> to vector<128x1xi1>
        %broadcast_in_dim3A_549 = vector.broadcast %broadcast_in_dim3A_548 : vector<128x1xi1> to vector<128x896xi1>
        %broadcast_in_dim3A_550 = vector.broadcast %jit3A_547 : f32 to vector<128x896xf32>
        %select_n3A_551 = arith.select %broadcast_in_dim3A_549, %get3A_546, %broadcast_in_dim3A_550 : vector<128x896xi1>, vector<128x896xf32>
        %reduce_max3A = arith.constant dense<0xFF800000> : vector<896xf32>
        %reduce_max3A_552 = vector.multi_reduction <maximumf>, %select_n3A_551, %reduce_max3A [0] : vector<128x896xf32> to vector<896xf32>
        %broadcast_in_dim3A_553 = vector.shape_cast %reduce_max3A_552 : vector<896xf32> to vector<1x896xf32>
        %get3A_554 = arith.index_cast %while3A_538 : i32 to index
        %get3A_555 = arith.constant 0 : index
        %get3A_556 = vector.load %arg11[%get3A_554, %get3A_555] : memref<100x896xf32, #tpu.memory_space<vmem>>, vector<1x896xf32>
        %max3A_557 = arith.maximumf %get3A_556, %broadcast_in_dim3A_553 : vector<1x896xf32>
        %swap3A_558 = arith.index_cast %while3A_538 : i32 to index
        %swap3A_559 = arith.constant 0 : index
        %swap3A_560 = vector.load %arg11[%swap3A_558, %swap3A_559] : memref<100x896xf32, #tpu.memory_space<vmem>>, vector<1x896xf32>
        tpu.vector_store %arg11[%swap3A_558, %swap3A_559], %max3A_557 {strides = array<i32>} : memref<100x896xf32, #tpu.memory_space<vmem>>, vector<1x896xf32>,
        %while3A_561 = arith.constant 0 : i32
        scf.yield %while3A_561 : i32
      }
    }
    %scan3A_52 = arith.constant 16 : i32
    %get3A_53 = arith.constant 2048 : index
    %get3A_54 = arith.constant 0 : index
    %get3A_55 = vector.load %arg1[%get3A_53, %get3A_54] : memref<16384x16xf32, #tpu.memory_space<vmem>>, vector<2048x16xf32>
    %slice3A_56 = vector.extract_strided_slice %get3A_55 {offsets = [0, 0], sizes = [2048, 3], strides = [1, 1]} : vector<2048x16xf32> to vector<2048x3xf32>
    %slice3A_57 = vector.extract_strided_slice %get3A_55 {offsets = [0, 3], sizes = [2048, 1], strides = [1, 1]} : vector<2048x16xf32> to vector<2048x1xf32>
    %convert_element_type3A_58 = arith.fptosi %slice3A_57 : vector<2048x1xf32> to vector<2048x1xi32>
    %iota3A_59 = tpu.iota {dimensions = array<i32: 1>} : vector<2048x100xi32>
    %eq3A_60 = vector.broadcast %convert_element_type3A_58 : vector<2048x1xi32> to vector<2048x100xi32>
    %eq3A_61 = arith.cmpi eq, %iota3A_59, %eq3A_60 : vector<2048x100xi32>
    %convert_element_type3A_62 = arith.extui %eq3A_61 : vector<2048x100xi1> to vector<2048x100xi32>
    %convert_element_type3A_63 = arith.sitofp %convert_element_type3A_62 : vector<2048x100xi32> to vector<2048x100xf32>
    %get3A_64 = arith.constant 0 : index
    %get3A_65 = arith.constant 0 : index
    %get3A_66 = arith.constant 0 : index
    %get3A_67 = vector.load %arg2[%get3A_64, %get3A_65, %get3A_66] : memref<1x100x3xf32, #tpu.memory_space<vmem>>, vector<1x100x3xf32>
    %get3A_68 = vector.shape_cast %get3A_67 : vector<1x100x3xf32> to vector<100x3xf32>
    %dot_general3A_69 = arith.constant dense<0.000000e+00> : vector<2048x3xf32>
    %dot_general3A_70 = tpu.matmul %convert_element_type3A_63, %get3A_68, %dot_general3A_69 {dimension_numbers = #tpu.dot_dimension_numbers<[1], [0], [0], [1], [0, 0, 1, 1], [], []>, transpose_lhs_hint = false} : vector<2048x100xf32>, vector<100x3xf32>, vector<2048x3xf32> -> vector<2048x3xf32>
    %sub3A_71 = arith.subf %slice3A_56, %dot_general3A_70 : vector<2048x3xf32>
    %concatenate3A_72 = tpu.concatenate %slice3A_56, %sub3A_71 in 1 : vector<2048x3xf32>, vector<2048x3xf32> -> vector<2048x6xf32>
    %get3A_73 = arith.constant 0 : index
    %get3A_74 = arith.constant 0 : index
    %get3A_75 = vector.load %arg5[%get3A_73, %get3A_74] : memref<6x32xf32, #tpu.memory_space<vmem>>, vector<6x32xf32>
    %dot_general3A_76 = arith.constant dense<0.000000e+00> : vector<2048x32xf32>
    %dot_general3A_77 = tpu.matmul %concatenate3A_72, %get3A_75, %dot_general3A_76 {dimension_numbers = #tpu.dot_dimension_numbers<[1], [0], [0], [1], [0, 0, 1, 1], [], []>, transpose_lhs_hint = false} : vector<2048x6xf32>, vector<6x32xf32>, vector<2048x32xf32> -> vector<2048x32xf32>
    %max3A_78 = arith.constant 0.000000e+00 : f32
    %max3A_79 = vector.broadcast %max3A_78 : f32 to vector<2048x32xf32>
    %max3A_80 = arith.maximumf %dot_general3A_77, %max3A_79 : vector<2048x32xf32>
    %get3A_81 = arith.constant 0 : index
    %get3A_82 = arith.constant 0 : index
    %get3A_83 = vector.load %arg6[%get3A_81, %get3A_82] : memref<32x64xf32, #tpu.memory_space<vmem>>, vector<32x64xf32>
    %dot_general3A_84 = arith.constant dense<0.000000e+00> : vector<2048x64xf32>
    %dot_general3A_85 = tpu.matmul %max3A_80, %get3A_83, %dot_general3A_84 {dimension_numbers = #tpu.dot_dimension_numbers<[1], [0], [0], [1], [0, 0, 1, 1], [], []>, transpose_lhs_hint = false} : vector<2048x32xf32>, vector<32x64xf32>, vector<2048x64xf32> -> vector<2048x64xf32>
    %max3A_86 = arith.constant 0.000000e+00 : f32
    %max3A_87 = vector.broadcast %max3A_86 : f32 to vector<2048x64xf32>
    %max3A_88 = arith.maximumf %dot_general3A_85, %max3A_87 : vector<2048x64xf32>
    %get3A_89 = arith.constant 0 : index
    %get3A_90 = arith.constant 0 : index
    %get3A_91 = vector.load %arg7[%get3A_89, %get3A_90] : memref<64x128xf32, #tpu.memory_space<vmem>>, vector<64x128xf32>
    %dot_general3A_92 = arith.constant dense<0.000000e+00> : vector<2048x128xf32>
    %dot_general3A_93 = tpu.matmul %max3A_88, %get3A_91, %dot_general3A_92 {dimension_numbers = #tpu.dot_dimension_numbers<[1], [0], [0], [1], [0, 0, 1, 1], [], []>, transpose_lhs_hint = false} : vector<2048x64xf32>, vector<64x128xf32>, vector<2048x128xf32> -> vector<2048x128xf32>
    %max3A_94 = arith.constant 0.000000e+00 : f32
    %max3A_95 = vector.broadcast %max3A_94 : f32 to vector<2048x128xf32>
    %max3A_96 = arith.maximumf %dot_general3A_93, %max3A_95 : vector<2048x128xf32>
    %convert_element_type3A_97 = arith.truncf %max3A_96 : vector<2048x128xf32> to vector<2048x128xbf16>
    %get3A_98 = arith.constant 0 : index
    %get3A_99 = arith.constant 0 : index
    %get3A_100 = vector.load %arg8[%get3A_98, %get3A_99] : memref<128x768xf32, #tpu.memory_space<vmem>>, vector<128x768xf32>
    %convert_element_type3A_101 = arith.truncf %get3A_100 : vector<128x768xf32> to vector<128x768xbf16>
    %dot_general3A_102 = arith.constant dense<0.000000e+00> : vector<2048x768xf32>
    %dot_general3A_103 = tpu.matmul %convert_element_type3A_97, %convert_element_type3A_101, %dot_general3A_102 {dimension_numbers = #tpu.dot_dimension_numbers<[1], [0], [0], [1], [0, 0, 1, 1], [], []>, transpose_lhs_hint = false} : vector<2048x128xbf16>, vector<128x768xbf16>, vector<2048x768xf32> -> vector<2048x768xf32>
    %concatenate3A_104 = tpu.concatenate %max3A_96, %dot_general3A_103 in 1 : vector<2048x128xf32>, vector<2048x768xf32> -> vector<2048x896xf32>
    %swap3A_105 = arith.constant 0 : index
    %swap3A_106 = arith.constant 0 : index
    %swap3A_107 = vector.load %arg12[%swap3A_105, %swap3A_106] : memref<2048x896xf32, #tpu.memory_space<vmem>>, vector<2048x896xf32>
    tpu.vector_store %arg12[%swap3A_105, %swap3A_106], %concatenate3A_104 {strides = array<i32>} : memref<2048x896xf32, #tpu.memory_space<vmem>>, vector<2048x896xf32>,
    %scan3A_108 = arith.constant 0 : i32
    %scan3A_109 = arith.constant 16 : i32
    %scan3A_110 = arith.addi %scan3A_108, %scan3A_109 : i32
    %scan3A_111 = arith.constant 1 : i32
    scf.for %scan3A_506 = %scan3A_108 to %scan3A_110 step %scan3A_111  : i32 {
      %mul3A = arith.constant 128 : i32
      %mul3A_507 = arith.muli %scan3A_506, %mul3A : i32
      %add3A_508 = arith.constant 2048 : i32
      %add3A_509 = arith.addi %add3A_508, %mul3A_507 : i32
      %get3A_510 = arith.index_cast %add3A_509 : i32 to index
      %get3A_511 = arith.constant 3 : index
      %get3A_512 = vector.load %arg1[%get3A_510, %get3A_511] : memref<16384x16xf32, #tpu.memory_space<vmem>>, vector<128x1xf32>
      %convert_element_type3A_513 = arith.fptosi %get3A_512 : vector<128x1xf32> to vector<128x1xi32>
      %add3A_514 = arith.constant 16 : i32
      %add3A_515 = arith.addi %add3A_514, %scan3A_506 : i32
      %get3A_516 = arith.index_cast %arg0 : i32 to index
      %get3A_517 = arith.constant 0 : index
      %get3A_518 = arith.index_cast %add3A_515 : i32 to index
      %get3A_519 = memref.load %arg4[%get3A_516, %get3A_517, %get3A_518] : memref<8x2x128xi32, #tpu.memory_space<smem>>
      %add3A_520 = arith.constant 16 : i32
      %add3A_521 = arith.addi %add3A_520, %scan3A_506 : i32
      %get3A_522 = arith.index_cast %arg0 : i32 to index
      %get3A_523 = arith.constant 1 : index
      %get3A_524 = arith.index_cast %add3A_521 : i32 to index
      %get3A_525 = memref.load %arg4[%get3A_522, %get3A_523, %get3A_524] : memref<8x2x128xi32, #tpu.memory_space<smem>>
      %add3A_526 = arith.constant 1 : i32
      %add3A_527 = arith.addi %get3A_525, %add3A_526 : i32
      %while3A = arith.constant 0 : i32
      %while3A_528 = arith.subi %add3A_527, %get3A_519 : i32
      %while3A_529 = arith.addi %get3A_519, %while3A_528 : i32
      %while3A_530 = arith.constant 1 : i32
      %while3A_531 = arith.divsi %while3A_528, %while3A_530 : i32
      %while3A_532 = arith.muli %while3A_531, %while3A_530 : i32
      %while3A_533 = arith.addi %get3A_519, %while3A_532 : i32
      %while3A_534 = arith.constant 1 : i32
      %while3A_535 = scf.for %while3A_538 = %get3A_519 to %while3A_533 step %while3A_534 iter_args(%while3A_539 = %while3A) -> (i32)  : i32 {
        %eq3A_540 = vector.broadcast %while3A_538 : i32 to vector<128x1xi32>
        %eq3A_541 = arith.cmpi eq, %convert_element_type3A_513, %eq3A_540 : vector<128x1xi32>
        %mul3A_542 = arith.constant 128 : i32
        %mul3A_543 = arith.muli %scan3A_506, %mul3A_542 : i32
        %get3A_544 = arith.index_cast %mul3A_543 : i32 to index
        %get3A_545 = arith.constant 0 : index
        %get3A_546 = vector.load %arg12[%get3A_544, %get3A_545] : memref<2048x896xf32, #tpu.memory_space<vmem>>, vector<128x896xf32>
        %jit3A_547 = arith.constant -1.000000e+30 : f32
        %broadcast_in_dim3A_548 = vector.shape_cast %eq3A_541 : vector<128x1xi1> to vector<128x1xi1>
        %broadcast_in_dim3A_549 = vector.broadcast %broadcast_in_dim3A_548 : vector<128x1xi1> to vector<128x896xi1>
        %broadcast_in_dim3A_550 = vector.broadcast %jit3A_547 : f32 to vector<128x896xf32>
        %select_n3A_551 = arith.select %broadcast_in_dim3A_549, %get3A_546, %broadcast_in_dim3A_550 : vector<128x896xi1>, vector<128x896xf32>
        %reduce_max3A = arith.constant dense<0xFF800000> : vector<896xf32>
        %reduce_max3A_552 = vector.multi_reduction <maximumf>, %select_n3A_551, %reduce_max3A [0] : vector<128x896xf32> to vector<896xf32>
        %broadcast_in_dim3A_553 = vector.shape_cast %reduce_max3A_552 : vector<896xf32> to vector<1x896xf32>
        %get3A_554 = arith.index_cast %while3A_538 : i32 to index
        %get3A_555 = arith.constant 0 : index
        %get3A_556 = vector.load %arg11[%get3A_554, %get3A_555] : memref<100x896xf32, #tpu.memory_space<vmem>>, vector<1x896xf32>
        %max3A_557 = arith.maximumf %get3A_556, %broadcast_in_dim3A_553 : vector<1x896xf32>
        %swap3A_558 = arith.index_cast %while3A_538 : i32 to index
        %swap3A_559 = arith.constant 0 : index
        %swap3A_560 = vector.load %arg11[%swap3A_558, %swap3A_559] : memref<100x896xf32, #tpu.memory_space<vmem>>, vector<1x896xf32>
        tpu.vector_store %arg11[%swap3A_558, %swap3A_559], %max3A_557 {strides = array<i32>} : memref<100x896xf32, #tpu.memory_space<vmem>>, vector<1x896xf32>,
        %while3A_561 = arith.constant 0 : i32
        scf.yield %while3A_561 : i32
      }
      %while3A_536 = arith.constant 1 : i32
      %while3A_537 = scf.for %while3A_538 = %while3A_533 to %while3A_529 step %while3A_536 iter_args(%while3A_539 = %while3A_535) -> (i32)  : i32 {
        %eq3A_540 = vector.broadcast %while3A_538 : i32 to vector<128x1xi32>
        %eq3A_541 = arith.cmpi eq, %convert_element_type3A_513, %eq3A_540 : vector<128x1xi32>
        %mul3A_542 = arith.constant 128 : i32
        %mul3A_543 = arith.muli %scan3A_506, %mul3A_542 : i32
        %get3A_544 = arith.index_cast %mul3A_543 : i32 to index
        %get3A_545 = arith.constant 0 : index
        %get3A_546 = vector.load %arg12[%get3A_544, %get3A_545] : memref<2048x896xf32, #tpu.memory_space<vmem>>, vector<128x896xf32>
        %jit3A_547 = arith.constant -1.000000e+30 : f32
        %broadcast_in_dim3A_548 = vector.shape_cast %eq3A_541 : vector<128x1xi1> to vector<128x1xi1>
        %broadcast_in_dim3A_549 = vector.broadcast %broadcast_in_dim3A_548 : vector<128x1xi1> to vector<128x896xi1>
        %broadcast_in_dim3A_550 = vector.broadcast %jit3A_547 : f32 to vector<128x896xf32>
        %select_n3A_551 = arith.select %broadcast_in_dim3A_549, %get3A_546, %broadcast_in_dim3A_550 : vector<128x896xi1>, vector<128x896xf32>
        %reduce_max3A = arith.constant dense<0xFF800000> : vector<896xf32>
        %reduce_max3A_552 = vector.multi_reduction <maximumf>, %select_n3A_551, %reduce_max3A [0] : vector<128x896xf32> to vector<896xf32>
        %broadcast_in_dim3A_553 = vector.shape_cast %reduce_max3A_552 : vector<896xf32> to vector<1x896xf32>
        %get3A_554 = arith.index_cast %while3A_538 : i32 to index
        %get3A_555 = arith.constant 0 : index
        %get3A_556 = vector.load %arg11[%get3A_554, %get3A_555] : memref<100x896xf32, #tpu.memory_space<vmem>>, vector<1x896xf32>
        %max3A_557 = arith.maximumf %get3A_556, %broadcast_in_dim3A_553 : vector<1x896xf32>
        %swap3A_558 = arith.index_cast %while3A_538 : i32 to index
        %swap3A_559 = arith.constant 0 : index
        %swap3A_560 = vector.load %arg11[%swap3A_558, %swap3A_559] : memref<100x896xf32, #tpu.memory_space<vmem>>, vector<1x896xf32>
        tpu.vector_store %arg11[%swap3A_558, %swap3A_559], %max3A_557 {strides = array<i32>} : memref<100x896xf32, #tpu.memory_space<vmem>>, vector<1x896xf32>,
        %while3A_561 = arith.constant 0 : i32
        scf.yield %while3A_561 : i32
      }
    }
    %scan3A_112 = arith.constant 16 : i32
    %get3A_113 = arith.constant 4096 : index
    %get3A_114 = arith.constant 0 : index
    %get3A_115 = vector.load %arg1[%get3A_113, %get3A_114] : memref<16384x16xf32, #tpu.memory_space<vmem>>, vector<2048x16xf32>
    %slice3A_116 = vector.extract_strided_slice %get3A_115 {offsets = [0, 0], sizes = [2048, 3], strides = [1, 1]} : vector<2048x16xf32> to vector<2048x3xf32>
    %slice3A_117 = vector.extract_strided_slice %get3A_115 {offsets = [0, 3], sizes = [2048, 1], strides = [1, 1]} : vector<2048x16xf32> to vector<2048x1xf32>
    %convert_element_type3A_118 = arith.fptosi %slice3A_117 : vector<2048x1xf32> to vector<2048x1xi32>
    %iota3A_119 = tpu.iota {dimensions = array<i32: 1>} : vector<2048x100xi32>
    %eq3A_120 = vector.broadcast %convert_element_type3A_118 : vector<2048x1xi32> to vector<2048x100xi32>
    %eq3A_121 = arith.cmpi eq, %iota3A_119, %eq3A_120 : vector<2048x100xi32>
    %convert_element_type3A_122 = arith.extui %eq3A_121 : vector<2048x100xi1> to vector<2048x100xi32>
    %convert_element_type3A_123 = arith.sitofp %convert_element_type3A_122 : vector<2048x100xi32> to vector<2048x100xf32>
    %get3A_124 = arith.constant 0 : index
    %get3A_125 = arith.constant 0 : index
    %get3A_126 = arith.constant 0 : index
    %get3A_127 = vector.load %arg2[%get3A_124, %get3A_125, %get3A_126] : memref<1x100x3xf32, #tpu.memory_space<vmem>>, vector<1x100x3xf32>
    %get3A_128 = vector.shape_cast %get3A_127 : vector<1x100x3xf32> to vector<100x3xf32>
    %dot_general3A_129 = arith.constant dense<0.000000e+00> : vector<2048x3xf32>
    %dot_general3A_130 = tpu.matmul %convert_element_type3A_123, %get3A_128, %dot_general3A_129 {dimension_numbers = #tpu.dot_dimension_numbers<[1], [0], [0], [1], [0, 0, 1, 1], [], []>, transpose_lhs_hint = false} : vector<2048x100xf32>, vector<100x3xf32>, vector<2048x3xf32> -> vector<2048x3xf32>
    %sub3A_131 = arith.subf %slice3A_116, %dot_general3A_130 : vector<2048x3xf32>
    %concatenate3A_132 = tpu.concatenate %slice3A_116, %sub3A_131 in 1 : vector<2048x3xf32>, vector<2048x3xf32> -> vector<2048x6xf32>
    %get3A_133 = arith.constant 0 : index
    %get3A_134 = arith.constant 0 : index
    %get3A_135 = vector.load %arg5[%get3A_133, %get3A_134] : memref<6x32xf32, #tpu.memory_space<vmem>>, vector<6x32xf32>
    %dot_general3A_136 = arith.constant dense<0.000000e+00> : vector<2048x32xf32>
    %dot_general3A_137 = tpu.matmul %concatenate3A_132, %get3A_135, %dot_general3A_136 {dimension_numbers = #tpu.dot_dimension_numbers<[1], [0], [0], [1], [0, 0, 1, 1], [], []>, transpose_lhs_hint = false} : vector<2048x6xf32>, vector<6x32xf32>, vector<2048x32xf32> -> vector<2048x32xf32>
    %max3A_138 = arith.constant 0.000000e+00 : f32
    %max3A_139 = vector.broadcast %max3A_138 : f32 to vector<2048x32xf32>
    %max3A_140 = arith.maximumf %dot_general3A_137, %max3A_139 : vector<2048x32xf32>
    %get3A_141 = arith.constant 0 : index
    %get3A_142 = arith.constant 0 : index
    %get3A_143 = vector.load %arg6[%get3A_141, %get3A_142] : memref<32x64xf32, #tpu.memory_space<vmem>>, vector<32x64xf32>
    %dot_general3A_144 = arith.constant dense<0.000000e+00> : vector<2048x64xf32>
    %dot_general3A_145 = tpu.matmul %max3A_140, %get3A_143, %dot_general3A_144 {dimension_numbers = #tpu.dot_dimension_numbers<[1], [0], [0], [1], [0, 0, 1, 1], [], []>, transpose_lhs_hint = false} : vector<2048x32xf32>, vector<32x64xf32>, vector<2048x64xf32> -> vector<2048x64xf32>
    %max3A_146 = arith.constant 0.000000e+00 : f32
    %max3A_147 = vector.broadcast %max3A_146 : f32 to vector<2048x64xf32>
    %max3A_148 = arith.maximumf %dot_general3A_145, %max3A_147 : vector<2048x64xf32>
    %get3A_149 = arith.constant 0 : index
    %get3A_150 = arith.constant 0 : index
    %get3A_151 = vector.load %arg7[%get3A_149, %get3A_150] : memref<64x128xf32, #tpu.memory_space<vmem>>, vector<64x128xf32>
    %dot_general3A_152 = arith.constant dense<0.000000e+00> : vector<2048x128xf32>
    %dot_general3A_153 = tpu.matmul %max3A_148, %get3A_151, %dot_general3A_152 {dimension_numbers = #tpu.dot_dimension_numbers<[1], [0], [0], [1], [0, 0, 1, 1], [], []>, transpose_lhs_hint = false} : vector<2048x64xf32>, vector<64x128xf32>, vector<2048x128xf32> -> vector<2048x128xf32>
    %max3A_154 = arith.constant 0.000000e+00 : f32
    %max3A_155 = vector.broadcast %max3A_154 : f32 to vector<2048x128xf32>
    %max3A_156 = arith.maximumf %dot_general3A_153, %max3A_155 : vector<2048x128xf32>
    %convert_element_type3A_157 = arith.truncf %max3A_156 : vector<2048x128xf32> to vector<2048x128xbf16>
    %get3A_158 = arith.constant 0 : index
    %get3A_159 = arith.constant 0 : index
    %get3A_160 = vector.load %arg8[%get3A_158, %get3A_159] : memref<128x768xf32, #tpu.memory_space<vmem>>, vector<128x768xf32>
    %convert_element_type3A_161 = arith.truncf %get3A_160 : vector<128x768xf32> to vector<128x768xbf16>
    %dot_general3A_162 = arith.constant dense<0.000000e+00> : vector<2048x768xf32>
    %dot_general3A_163 = tpu.matmul %convert_element_type3A_157, %convert_element_type3A_161, %dot_general3A_162 {dimension_numbers = #tpu.dot_dimension_numbers<[1], [0], [0], [1], [0, 0, 1, 1], [], []>, transpose_lhs_hint = false} : vector<2048x128xbf16>, vector<128x768xbf16>, vector<2048x768xf32> -> vector<2048x768xf32>
    %concatenate3A_164 = tpu.concatenate %max3A_156, %dot_general3A_163 in 1 : vector<2048x128xf32>, vector<2048x768xf32> -> vector<2048x896xf32>
    %swap3A_165 = arith.constant 0 : index
    %swap3A_166 = arith.constant 0 : index
    %swap3A_167 = vector.load %arg12[%swap3A_165, %swap3A_166] : memref<2048x896xf32, #tpu.memory_space<vmem>>, vector<2048x896xf32>
    tpu.vector_store %arg12[%swap3A_165, %swap3A_166], %concatenate3A_164 {strides = array<i32>} : memref<2048x896xf32, #tpu.memory_space<vmem>>, vector<2048x896xf32>,
    %scan3A_168 = arith.constant 0 : i32
    %scan3A_169 = arith.constant 16 : i32
    %scan3A_170 = arith.addi %scan3A_168, %scan3A_169 : i32
    %scan3A_171 = arith.constant 1 : i32
    scf.for %scan3A_506 = %scan3A_168 to %scan3A_170 step %scan3A_171  : i32 {
      %mul3A = arith.constant 128 : i32
      %mul3A_507 = arith.muli %scan3A_506, %mul3A : i32
      %add3A_508 = arith.constant 4096 : i32
      %add3A_509 = arith.addi %add3A_508, %mul3A_507 : i32
      %get3A_510 = arith.index_cast %add3A_509 : i32 to index
      %get3A_511 = arith.constant 3 : index
      %get3A_512 = vector.load %arg1[%get3A_510, %get3A_511] : memref<16384x16xf32, #tpu.memory_space<vmem>>, vector<128x1xf32>
      %convert_element_type3A_513 = arith.fptosi %get3A_512 : vector<128x1xf32> to vector<128x1xi32>
      %add3A_514 = arith.constant 32 : i32
      %add3A_515 = arith.addi %add3A_514, %scan3A_506 : i32
      %get3A_516 = arith.index_cast %arg0 : i32 to index
      %get3A_517 = arith.constant 0 : index
      %get3A_518 = arith.index_cast %add3A_515 : i32 to index
      %get3A_519 = memref.load %arg4[%get3A_516, %get3A_517, %get3A_518] : memref<8x2x128xi32, #tpu.memory_space<smem>>
      %add3A_520 = arith.constant 32 : i32
      %add3A_521 = arith.addi %add3A_520, %scan3A_506 : i32
      %get3A_522 = arith.index_cast %arg0 : i32 to index
      %get3A_523 = arith.constant 1 : index
      %get3A_524 = arith.index_cast %add3A_521 : i32 to index
      %get3A_525 = memref.load %arg4[%get3A_522, %get3A_523, %get3A_524] : memref<8x2x128xi32, #tpu.memory_space<smem>>
      %add3A_526 = arith.constant 1 : i32
      %add3A_527 = arith.addi %get3A_525, %add3A_526 : i32
      %while3A = arith.constant 0 : i32
      %while3A_528 = arith.subi %add3A_527, %get3A_519 : i32
      %while3A_529 = arith.addi %get3A_519, %while3A_528 : i32
      %while3A_530 = arith.constant 1 : i32
      %while3A_531 = arith.divsi %while3A_528, %while3A_530 : i32
      %while3A_532 = arith.muli %while3A_531, %while3A_530 : i32
      %while3A_533 = arith.addi %get3A_519, %while3A_532 : i32
      %while3A_534 = arith.constant 1 : i32
      %while3A_535 = scf.for %while3A_538 = %get3A_519 to %while3A_533 step %while3A_534 iter_args(%while3A_539 = %while3A) -> (i32)  : i32 {
        %eq3A_540 = vector.broadcast %while3A_538 : i32 to vector<128x1xi32>
        %eq3A_541 = arith.cmpi eq, %convert_element_type3A_513, %eq3A_540 : vector<128x1xi32>
        %mul3A_542 = arith.constant 128 : i32
        %mul3A_543 = arith.muli %scan3A_506, %mul3A_542 : i32
        %get3A_544 = arith.index_cast %mul3A_543 : i32 to index
        %get3A_545 = arith.constant 0 : index
        %get3A_546 = vector.load %arg12[%get3A_544, %get3A_545] : memref<2048x896xf32, #tpu.memory_space<vmem>>, vector<128x896xf32>
        %jit3A_547 = arith.constant -1.000000e+30 : f32
        %broadcast_in_dim3A_548 = vector.shape_cast %eq3A_541 : vector<128x1xi1> to vector<128x1xi1>
        %broadcast_in_dim3A_549 = vector.broadcast %broadcast_in_dim3A_548 : vector<128x1xi1> to vector<128x896xi1>
        %broadcast_in_dim3A_550 = vector.broadcast %jit3A_547 : f32 to vector<128x896xf32>
        %select_n3A_551 = arith.select %broadcast_in_dim3A_549, %get3A_546, %broadcast_in_dim3A_550 : vector<128x896xi1>, vector<128x896xf32>
        %reduce_max3A = arith.constant dense<0xFF800000> : vector<896xf32>
        %reduce_max3A_552 = vector.multi_reduction <maximumf>, %select_n3A_551, %reduce_max3A [0] : vector<128x896xf32> to vector<896xf32>
        %broadcast_in_dim3A_553 = vector.shape_cast %reduce_max3A_552 : vector<896xf32> to vector<1x896xf32>
        %get3A_554 = arith.index_cast %while3A_538 : i32 to index
        %get3A_555 = arith.constant 0 : index
        %get3A_556 = vector.load %arg11[%get3A_554, %get3A_555] : memref<100x896xf32, #tpu.memory_space<vmem>>, vector<1x896xf32>
        %max3A_557 = arith.maximumf %get3A_556, %broadcast_in_dim3A_553 : vector<1x896xf32>
        %swap3A_558 = arith.index_cast %while3A_538 : i32 to index
        %swap3A_559 = arith.constant 0 : index
        %swap3A_560 = vector.load %arg11[%swap3A_558, %swap3A_559] : memref<100x896xf32, #tpu.memory_space<vmem>>, vector<1x896xf32>
        tpu.vector_store %arg11[%swap3A_558, %swap3A_559], %max3A_557 {strides = array<i32>} : memref<100x896xf32, #tpu.memory_space<vmem>>, vector<1x896xf32>,
        %while3A_561 = arith.constant 0 : i32
        scf.yield %while3A_561 : i32
      }
      %while3A_536 = arith.constant 1 : i32
      %while3A_537 = scf.for %while3A_538 = %while3A_533 to %while3A_529 step %while3A_536 iter_args(%while3A_539 = %while3A_535) -> (i32)  : i32 {
        %eq3A_540 = vector.broadcast %while3A_538 : i32 to vector<128x1xi32>
        %eq3A_541 = arith.cmpi eq, %convert_element_type3A_513, %eq3A_540 : vector<128x1xi32>
        %mul3A_542 = arith.constant 128 : i32
        %mul3A_543 = arith.muli %scan3A_506, %mul3A_542 : i32
        %get3A_544 = arith.index_cast %mul3A_543 : i32 to index
        %get3A_545 = arith.constant 0 : index
        %get3A_546 = vector.load %arg12[%get3A_544, %get3A_545] : memref<2048x896xf32, #tpu.memory_space<vmem>>, vector<128x896xf32>
        %jit3A_547 = arith.constant -1.000000e+30 : f32
        %broadcast_in_dim3A_548 = vector.shape_cast %eq3A_541 : vector<128x1xi1> to vector<128x1xi1>
        %broadcast_in_dim3A_549 = vector.broadcast %broadcast_in_dim3A_548 : vector<128x1xi1> to vector<128x896xi1>
        %broadcast_in_dim3A_550 = vector.broadcast %jit3A_547 : f32 to vector<128x896xf32>
        %select_n3A_551 = arith.select %broadcast_in_dim3A_549, %get3A_546, %broadcast_in_dim3A_550 : vector<128x896xi1>, vector<128x896xf32>
        %reduce_max3A = arith.constant dense<0xFF800000> : vector<896xf32>
        %reduce_max3A_552 = vector.multi_reduction <maximumf>, %select_n3A_551, %reduce_max3A [0] : vector<128x896xf32> to vector<896xf32>
        %broadcast_in_dim3A_553 = vector.shape_cast %reduce_max3A_552 : vector<896xf32> to vector<1x896xf32>
        %get3A_554 = arith.index_cast %while3A_538 : i32 to index
        %get3A_555 = arith.constant 0 : index
        %get3A_556 = vector.load %arg11[%get3A_554, %get3A_555] : memref<100x896xf32, #tpu.memory_space<vmem>>, vector<1x896xf32>
        %max3A_557 = arith.maximumf %get3A_556, %broadcast_in_dim3A_553 : vector<1x896xf32>
        %swap3A_558 = arith.index_cast %while3A_538 : i32 to index
        %swap3A_559 = arith.constant 0 : index
        %swap3A_560 = vector.load %arg11[%swap3A_558, %swap3A_559] : memref<100x896xf32, #tpu.memory_space<vmem>>, vector<1x896xf32>
        tpu.vector_store %arg11[%swap3A_558, %swap3A_559], %max3A_557 {strides = array<i32>} : memref<100x896xf32, #tpu.memory_space<vmem>>, vector<1x896xf32>,
        %while3A_561 = arith.constant 0 : i32
        scf.yield %while3A_561 : i32
      }
    }
    %scan3A_172 = arith.constant 16 : i32
    %get3A_173 = arith.constant 6144 : index
    %get3A_174 = arith.constant 0 : index
    %get3A_175 = vector.load %arg1[%get3A_173, %get3A_174] : memref<16384x16xf32, #tpu.memory_space<vmem>>, vector<2048x16xf32>
    %slice3A_176 = vector.extract_strided_slice %get3A_175 {offsets = [0, 0], sizes = [2048, 3], strides = [1, 1]} : vector<2048x16xf32> to vector<2048x3xf32>
    %slice3A_177 = vector.extract_strided_slice %get3A_175 {offsets = [0, 3], sizes = [2048, 1], strides = [1, 1]} : vector<2048x16xf32> to vector<2048x1xf32>
    %convert_element_type3A_178 = arith.fptosi %slice3A_177 : vector<2048x1xf32> to vector<2048x1xi32>
    %iota3A_179 = tpu.iota {dimensions = array<i32: 1>} : vector<2048x100xi32>
    %eq3A_180 = vector.broadcast %convert_element_type3A_178 : vector<2048x1xi32> to vector<2048x100xi32>
    %eq3A_181 = arith.cmpi eq, %iota3A_179, %eq3A_180 : vector<2048x100xi32>
    %convert_element_type3A_182 = arith.extui %eq3A_181 : vector<2048x100xi1> to vector<2048x100xi32>
    %convert_element_type3A_183 = arith.sitofp %convert_element_type3A_182 : vector<2048x100xi32> to vector<2048x100xf32>
    %get3A_184 = arith.constant 0 : index
    %get3A_185 = arith.constant 0 : index
    %get3A_186 = arith.constant 0 : index
    %get3A_187 = vector.load %arg2[%get3A_184, %get3A_185, %get3A_186] : memref<1x100x3xf32, #tpu.memory_space<vmem>>, vector<1x100x3xf32>
    %get3A_188 = vector.shape_cast %get3A_187 : vector<1x100x3xf32> to vector<100x3xf32>
    %dot_general3A_189 = arith.constant dense<0.000000e+00> : vector<2048x3xf32>
    %dot_general3A_190 = tpu.matmul %convert_element_type3A_183, %get3A_188, %dot_general3A_189 {dimension_numbers = #tpu.dot_dimension_numbers<[1], [0], [0], [1], [0, 0, 1, 1], [], []>, transpose_lhs_hint = false} : vector<2048x100xf32>, vector<100x3xf32>, vector<2048x3xf32> -> vector<2048x3xf32>
    %sub3A_191 = arith.subf %slice3A_176, %dot_general3A_190 : vector<2048x3xf32>
    %concatenate3A_192 = tpu.concatenate %slice3A_176, %sub3A_191 in 1 : vector<2048x3xf32>, vector<2048x3xf32> -> vector<2048x6xf32>
    %get3A_193 = arith.constant 0 : index
    %get3A_194 = arith.constant 0 : index
    %get3A_195 = vector.load %arg5[%get3A_193, %get3A_194] : memref<6x32xf32, #tpu.memory_space<vmem>>, vector<6x32xf32>
    %dot_general3A_196 = arith.constant dense<0.000000e+00> : vector<2048x32xf32>
    %dot_general3A_197 = tpu.matmul %concatenate3A_192, %get3A_195, %dot_general3A_196 {dimension_numbers = #tpu.dot_dimension_numbers<[1], [0], [0], [1], [0, 0, 1, 1], [], []>, transpose_lhs_hint = false} : vector<2048x6xf32>, vector<6x32xf32>, vector<2048x32xf32> -> vector<2048x32xf32>
    %max3A_198 = arith.constant 0.000000e+00 : f32
    %max3A_199 = vector.broadcast %max3A_198 : f32 to vector<2048x32xf32>
    %max3A_200 = arith.maximumf %dot_general3A_197, %max3A_199 : vector<2048x32xf32>
    %get3A_201 = arith.constant 0 : index
    %get3A_202 = arith.constant 0 : index
    %get3A_203 = vector.load %arg6[%get3A_201, %get3A_202] : memref<32x64xf32, #tpu.memory_space<vmem>>, vector<32x64xf32>
    %dot_general3A_204 = arith.constant dense<0.000000e+00> : vector<2048x64xf32>
    %dot_general3A_205 = tpu.matmul %max3A_200, %get3A_203, %dot_general3A_204 {dimension_numbers = #tpu.dot_dimension_numbers<[1], [0], [0], [1], [0, 0, 1, 1], [], []>, transpose_lhs_hint = false} : vector<2048x32xf32>, vector<32x64xf32>, vector<2048x64xf32> -> vector<2048x64xf32>
    %max3A_206 = arith.constant 0.000000e+00 : f32
    %max3A_207 = vector.broadcast %max3A_206 : f32 to vector<2048x64xf32>
    %max3A_208 = arith.maximumf %dot_general3A_205, %max3A_207 : vector<2048x64xf32>
    %get3A_209 = arith.constant 0 : index
    %get3A_210 = arith.constant 0 : index
    %get3A_211 = vector.load %arg7[%get3A_209, %get3A_210] : memref<64x128xf32, #tpu.memory_space<vmem>>, vector<64x128xf32>
    %dot_general3A_212 = arith.constant dense<0.000000e+00> : vector<2048x128xf32>
    %dot_general3A_213 = tpu.matmul %max3A_208, %get3A_211, %dot_general3A_212 {dimension_numbers = #tpu.dot_dimension_numbers<[1], [0], [0], [1], [0, 0, 1, 1], [], []>, transpose_lhs_hint = false} : vector<2048x64xf32>, vector<64x128xf32>, vector<2048x128xf32> -> vector<2048x128xf32>
    %max3A_214 = arith.constant 0.000000e+00 : f32
    %max3A_215 = vector.broadcast %max3A_214 : f32 to vector<2048x128xf32>
    %max3A_216 = arith.maximumf %dot_general3A_213, %max3A_215 : vector<2048x128xf32>
    %convert_element_type3A_217 = arith.truncf %max3A_216 : vector<2048x128xf32> to vector<2048x128xbf16>
    %get3A_218 = arith.constant 0 : index
    %get3A_219 = arith.constant 0 : index
    %get3A_220 = vector.load %arg8[%get3A_218, %get3A_219] : memref<128x768xf32, #tpu.memory_space<vmem>>, vector<128x768xf32>
    %convert_element_type3A_221 = arith.truncf %get3A_220 : vector<128x768xf32> to vector<128x768xbf16>
    %dot_general3A_222 = arith.constant dense<0.000000e+00> : vector<2048x768xf32>
    %dot_general3A_223 = tpu.matmul %convert_element_type3A_217, %convert_element_type3A_221, %dot_general3A_222 {dimension_numbers = #tpu.dot_dimension_numbers<[1], [0], [0], [1], [0, 0, 1, 1], [], []>, transpose_lhs_hint = false} : vector<2048x128xbf16>, vector<128x768xbf16>, vector<2048x768xf32> -> vector<2048x768xf32>
    %concatenate3A_224 = tpu.concatenate %max3A_216, %dot_general3A_223 in 1 : vector<2048x128xf32>, vector<2048x768xf32> -> vector<2048x896xf32>
    %swap3A_225 = arith.constant 0 : index
    %swap3A_226 = arith.constant 0 : index
    %swap3A_227 = vector.load %arg12[%swap3A_225, %swap3A_226] : memref<2048x896xf32, #tpu.memory_space<vmem>>, vector<2048x896xf32>
    tpu.vector_store %arg12[%swap3A_225, %swap3A_226], %concatenate3A_224 {strides = array<i32>} : memref<2048x896xf32, #tpu.memory_space<vmem>>, vector<2048x896xf32>,
    %scan3A_228 = arith.constant 0 : i32
    %scan3A_229 = arith.constant 16 : i32
    %scan3A_230 = arith.addi %scan3A_228, %scan3A_229 : i32
    %scan3A_231 = arith.constant 1 : i32
    scf.for %scan3A_506 = %scan3A_228 to %scan3A_230 step %scan3A_231  : i32 {
      %mul3A = arith.constant 128 : i32
      %mul3A_507 = arith.muli %scan3A_506, %mul3A : i32
      %add3A_508 = arith.constant 6144 : i32
      %add3A_509 = arith.addi %add3A_508, %mul3A_507 : i32
      %get3A_510 = arith.index_cast %add3A_509 : i32 to index
      %get3A_511 = arith.constant 3 : index
      %get3A_512 = vector.load %arg1[%get3A_510, %get3A_511] : memref<16384x16xf32, #tpu.memory_space<vmem>>, vector<128x1xf32>
      %convert_element_type3A_513 = arith.fptosi %get3A_512 : vector<128x1xf32> to vector<128x1xi32>
      %add3A_514 = arith.constant 48 : i32
      %add3A_515 = arith.addi %add3A_514, %scan3A_506 : i32
      %get3A_516 = arith.index_cast %arg0 : i32 to index
      %get3A_517 = arith.constant 0 : index
      %get3A_518 = arith.index_cast %add3A_515 : i32 to index
      %get3A_519 = memref.load %arg4[%get3A_516, %get3A_517, %get3A_518] : memref<8x2x128xi32, #tpu.memory_space<smem>>
      %add3A_520 = arith.constant 48 : i32
      %add3A_521 = arith.addi %add3A_520, %scan3A_506 : i32
      %get3A_522 = arith.index_cast %arg0 : i32 to index
      %get3A_523 = arith.constant 1 : index
      %get3A_524 = arith.index_cast %add3A_521 : i32 to index
      %get3A_525 = memref.load %arg4[%get3A_522, %get3A_523, %get3A_524] : memref<8x2x128xi32, #tpu.memory_space<smem>>
      %add3A_526 = arith.constant 1 : i32
      %add3A_527 = arith.addi %get3A_525, %add3A_526 : i32
      %while3A = arith.constant 0 : i32
      %while3A_528 = arith.subi %add3A_527, %get3A_519 : i32
      %while3A_529 = arith.addi %get3A_519, %while3A_528 : i32
      %while3A_530 = arith.constant 1 : i32
      %while3A_531 = arith.divsi %while3A_528, %while3A_530 : i32
      %while3A_532 = arith.muli %while3A_531, %while3A_530 : i32
      %while3A_533 = arith.addi %get3A_519, %while3A_532 : i32
      %while3A_534 = arith.constant 1 : i32
      %while3A_535 = scf.for %while3A_538 = %get3A_519 to %while3A_533 step %while3A_534 iter_args(%while3A_539 = %while3A) -> (i32)  : i32 {
        %eq3A_540 = vector.broadcast %while3A_538 : i32 to vector<128x1xi32>
        %eq3A_541 = arith.cmpi eq, %convert_element_type3A_513, %eq3A_540 : vector<128x1xi32>
        %mul3A_542 = arith.constant 128 : i32
        %mul3A_543 = arith.muli %scan3A_506, %mul3A_542 : i32
        %get3A_544 = arith.index_cast %mul3A_543 : i32 to index
        %get3A_545 = arith.constant 0 : index
        %get3A_546 = vector.load %arg12[%get3A_544, %get3A_545] : memref<2048x896xf32, #tpu.memory_space<vmem>>, vector<128x896xf32>
        %jit3A_547 = arith.constant -1.000000e+30 : f32
        %broadcast_in_dim3A_548 = vector.shape_cast %eq3A_541 : vector<128x1xi1> to vector<128x1xi1>
        %broadcast_in_dim3A_549 = vector.broadcast %broadcast_in_dim3A_548 : vector<128x1xi1> to vector<128x896xi1>
        %broadcast_in_dim3A_550 = vector.broadcast %jit3A_547 : f32 to vector<128x896xf32>
        %select_n3A_551 = arith.select %broadcast_in_dim3A_549, %get3A_546, %broadcast_in_dim3A_550 : vector<128x896xi1>, vector<128x896xf32>
        %reduce_max3A = arith.constant dense<0xFF800000> : vector<896xf32>
        %reduce_max3A_552 = vector.multi_reduction <maximumf>, %select_n3A_551, %reduce_max3A [0] : vector<128x896xf32> to vector<896xf32>
        %broadcast_in_dim3A_553 = vector.shape_cast %reduce_max3A_552 : vector<896xf32> to vector<1x896xf32>
        %get3A_554 = arith.index_cast %while3A_538 : i32 to index
        %get3A_555 = arith.constant 0 : index
        %get3A_556 = vector.load %arg11[%get3A_554, %get3A_555] : memref<100x896xf32, #tpu.memory_space<vmem>>, vector<1x896xf32>
        %max3A_557 = arith.maximumf %get3A_556, %broadcast_in_dim3A_553 : vector<1x896xf32>
        %swap3A_558 = arith.index_cast %while3A_538 : i32 to index
        %swap3A_559 = arith.constant 0 : index
        %swap3A_560 = vector.load %arg11[%swap3A_558, %swap3A_559] : memref<100x896xf32, #tpu.memory_space<vmem>>, vector<1x896xf32>
        tpu.vector_store %arg11[%swap3A_558, %swap3A_559], %max3A_557 {strides = array<i32>} : memref<100x896xf32, #tpu.memory_space<vmem>>, vector<1x896xf32>,
        %while3A_561 = arith.constant 0 : i32
        scf.yield %while3A_561 : i32
      }
      %while3A_536 = arith.constant 1 : i32
      %while3A_537 = scf.for %while3A_538 = %while3A_533 to %while3A_529 step %while3A_536 iter_args(%while3A_539 = %while3A_535) -> (i32)  : i32 {
        %eq3A_540 = vector.broadcast %while3A_538 : i32 to vector<128x1xi32>
        %eq3A_541 = arith.cmpi eq, %convert_element_type3A_513, %eq3A_540 : vector<128x1xi32>
        %mul3A_542 = arith.constant 128 : i32
        %mul3A_543 = arith.muli %scan3A_506, %mul3A_542 : i32
        %get3A_544 = arith.index_cast %mul3A_543 : i32 to index
        %get3A_545 = arith.constant 0 : index
        %get3A_546 = vector.load %arg12[%get3A_544, %get3A_545] : memref<2048x896xf32, #tpu.memory_space<vmem>>, vector<128x896xf32>
        %jit3A_547 = arith.constant -1.000000e+30 : f32
        %broadcast_in_dim3A_548 = vector.shape_cast %eq3A_541 : vector<128x1xi1> to vector<128x1xi1>
        %broadcast_in_dim3A_549 = vector.broadcast %broadcast_in_dim3A_548 : vector<128x1xi1> to vector<128x896xi1>
        %broadcast_in_dim3A_550 = vector.broadcast %jit3A_547 : f32 to vector<128x896xf32>
        %select_n3A_551 = arith.select %broadcast_in_dim3A_549, %get3A_546, %broadcast_in_dim3A_550 : vector<128x896xi1>, vector<128x896xf32>
        %reduce_max3A = arith.constant dense<0xFF800000> : vector<896xf32>
        %reduce_max3A_552 = vector.multi_reduction <maximumf>, %select_n3A_551, %reduce_max3A [0] : vector<128x896xf32> to vector<896xf32>
        %broadcast_in_dim3A_553 = vector.shape_cast %reduce_max3A_552 : vector<896xf32> to vector<1x896xf32>
        %get3A_554 = arith.index_cast %while3A_538 : i32 to index
        %get3A_555 = arith.constant 0 : index
        %get3A_556 = vector.load %arg11[%get3A_554, %get3A_555] : memref<100x896xf32, #tpu.memory_space<vmem>>, vector<1x896xf32>
        %max3A_557 = arith.maximumf %get3A_556, %broadcast_in_dim3A_553 : vector<1x896xf32>
        %swap3A_558 = arith.index_cast %while3A_538 : i32 to index
        %swap3A_559 = arith.constant 0 : index
        %swap3A_560 = vector.load %arg11[%swap3A_558, %swap3A_559] : memref<100x896xf32, #tpu.memory_space<vmem>>, vector<1x896xf32>
        tpu.vector_store %arg11[%swap3A_558, %swap3A_559], %max3A_557 {strides = array<i32>} : memref<100x896xf32, #tpu.memory_space<vmem>>, vector<1x896xf32>,
        %while3A_561 = arith.constant 0 : i32
        scf.yield %while3A_561 : i32
      }
    }
    %scan3A_232 = arith.constant 16 : i32
    %get3A_233 = arith.constant 8192 : index
    %get3A_234 = arith.constant 0 : index
    %get3A_235 = vector.load %arg1[%get3A_233, %get3A_234] : memref<16384x16xf32, #tpu.memory_space<vmem>>, vector<2048x16xf32>
    %slice3A_236 = vector.extract_strided_slice %get3A_235 {offsets = [0, 0], sizes = [2048, 3], strides = [1, 1]} : vector<2048x16xf32> to vector<2048x3xf32>
    %slice3A_237 = vector.extract_strided_slice %get3A_235 {offsets = [0, 3], sizes = [2048, 1], strides = [1, 1]} : vector<2048x16xf32> to vector<2048x1xf32>
    %convert_element_type3A_238 = arith.fptosi %slice3A_237 : vector<2048x1xf32> to vector<2048x1xi32>
    %iota3A_239 = tpu.iota {dimensions = array<i32: 1>} : vector<2048x100xi32>
    %eq3A_240 = vector.broadcast %convert_element_type3A_238 : vector<2048x1xi32> to vector<2048x100xi32>
    %eq3A_241 = arith.cmpi eq, %iota3A_239, %eq3A_240 : vector<2048x100xi32>
    %convert_element_type3A_242 = arith.extui %eq3A_241 : vector<2048x100xi1> to vector<2048x100xi32>
    %convert_element_type3A_243 = arith.sitofp %convert_element_type3A_242 : vector<2048x100xi32> to vector<2048x100xf32>
    %get3A_244 = arith.constant 0 : index
    %get3A_245 = arith.constant 0 : index
    %get3A_246 = arith.constant 0 : index
    %get3A_247 = vector.load %arg2[%get3A_244, %get3A_245, %get3A_246] : memref<1x100x3xf32, #tpu.memory_space<vmem>>, vector<1x100x3xf32>
    %get3A_248 = vector.shape_cast %get3A_247 : vector<1x100x3xf32> to vector<100x3xf32>
    %dot_general3A_249 = arith.constant dense<0.000000e+00> : vector<2048x3xf32>
    %dot_general3A_250 = tpu.matmul %convert_element_type3A_243, %get3A_248, %dot_general3A_249 {dimension_numbers = #tpu.dot_dimension_numbers<[1], [0], [0], [1], [0, 0, 1, 1], [], []>, transpose_lhs_hint = false} : vector<2048x100xf32>, vector<100x3xf32>, vector<2048x3xf32> -> vector<2048x3xf32>
    %sub3A_251 = arith.subf %slice3A_236, %dot_general3A_250 : vector<2048x3xf32>
    %concatenate3A_252 = tpu.concatenate %slice3A_236, %sub3A_251 in 1 : vector<2048x3xf32>, vector<2048x3xf32> -> vector<2048x6xf32>
    %get3A_253 = arith.constant 0 : index
    %get3A_254 = arith.constant 0 : index
    %get3A_255 = vector.load %arg5[%get3A_253, %get3A_254] : memref<6x32xf32, #tpu.memory_space<vmem>>, vector<6x32xf32>
    %dot_general3A_256 = arith.constant dense<0.000000e+00> : vector<2048x32xf32>
    %dot_general3A_257 = tpu.matmul %concatenate3A_252, %get3A_255, %dot_general3A_256 {dimension_numbers = #tpu.dot_dimension_numbers<[1], [0], [0], [1], [0, 0, 1, 1], [], []>, transpose_lhs_hint = false} : vector<2048x6xf32>, vector<6x32xf32>, vector<2048x32xf32> -> vector<2048x32xf32>
    %max3A_258 = arith.constant 0.000000e+00 : f32
    %max3A_259 = vector.broadcast %max3A_258 : f32 to vector<2048x32xf32>
    %max3A_260 = arith.maximumf %dot_general3A_257, %max3A_259 : vector<2048x32xf32>
    %get3A_261 = arith.constant 0 : index
    %get3A_262 = arith.constant 0 : index
    %get3A_263 = vector.load %arg6[%get3A_261, %get3A_262] : memref<32x64xf32, #tpu.memory_space<vmem>>, vector<32x64xf32>
    %dot_general3A_264 = arith.constant dense<0.000000e+00> : vector<2048x64xf32>
    %dot_general3A_265 = tpu.matmul %max3A_260, %get3A_263, %dot_general3A_264 {dimension_numbers = #tpu.dot_dimension_numbers<[1], [0], [0], [1], [0, 0, 1, 1], [], []>, transpose_lhs_hint = false} : vector<2048x32xf32>, vector<32x64xf32>, vector<2048x64xf32> -> vector<2048x64xf32>
    %max3A_266 = arith.constant 0.000000e+00 : f32
    %max3A_267 = vector.broadcast %max3A_266 : f32 to vector<2048x64xf32>
    %max3A_268 = arith.maximumf %dot_general3A_265, %max3A_267 : vector<2048x64xf32>
    %get3A_269 = arith.constant 0 : index
    %get3A_270 = arith.constant 0 : index
    %get3A_271 = vector.load %arg7[%get3A_269, %get3A_270] : memref<64x128xf32, #tpu.memory_space<vmem>>, vector<64x128xf32>
    %dot_general3A_272 = arith.constant dense<0.000000e+00> : vector<2048x128xf32>
    %dot_general3A_273 = tpu.matmul %max3A_268, %get3A_271, %dot_general3A_272 {dimension_numbers = #tpu.dot_dimension_numbers<[1], [0], [0], [1], [0, 0, 1, 1], [], []>, transpose_lhs_hint = false} : vector<2048x64xf32>, vector<64x128xf32>, vector<2048x128xf32> -> vector<2048x128xf32>
    %max3A_274 = arith.constant 0.000000e+00 : f32
    %max3A_275 = vector.broadcast %max3A_274 : f32 to vector<2048x128xf32>
    %max3A_276 = arith.maximumf %dot_general3A_273, %max3A_275 : vector<2048x128xf32>
    %convert_element_type3A_277 = arith.truncf %max3A_276 : vector<2048x128xf32> to vector<2048x128xbf16>
    %get3A_278 = arith.constant 0 : index
    %get3A_279 = arith.constant 0 : index
    %get3A_280 = vector.load %arg8[%get3A_278, %get3A_279] : memref<128x768xf32, #tpu.memory_space<vmem>>, vector<128x768xf32>
    %convert_element_type3A_281 = arith.truncf %get3A_280 : vector<128x768xf32> to vector<128x768xbf16>
    %dot_general3A_282 = arith.constant dense<0.000000e+00> : vector<2048x768xf32>
    %dot_general3A_283 = tpu.matmul %convert_element_type3A_277, %convert_element_type3A_281, %dot_general3A_282 {dimension_numbers = #tpu.dot_dimension_numbers<[1], [0], [0], [1], [0, 0, 1, 1], [], []>, transpose_lhs_hint = false} : vector<2048x128xbf16>, vector<128x768xbf16>, vector<2048x768xf32> -> vector<2048x768xf32>
    %concatenate3A_284 = tpu.concatenate %max3A_276, %dot_general3A_283 in 1 : vector<2048x128xf32>, vector<2048x768xf32> -> vector<2048x896xf32>
    %swap3A_285 = arith.constant 0 : index
    %swap3A_286 = arith.constant 0 : index
    %swap3A_287 = vector.load %arg12[%swap3A_285, %swap3A_286] : memref<2048x896xf32, #tpu.memory_space<vmem>>, vector<2048x896xf32>
    tpu.vector_store %arg12[%swap3A_285, %swap3A_286], %concatenate3A_284 {strides = array<i32>} : memref<2048x896xf32, #tpu.memory_space<vmem>>, vector<2048x896xf32>,
    %scan3A_288 = arith.constant 0 : i32
    %scan3A_289 = arith.constant 16 : i32
    %scan3A_290 = arith.addi %scan3A_288, %scan3A_289 : i32
    %scan3A_291 = arith.constant 1 : i32
    scf.for %scan3A_506 = %scan3A_288 to %scan3A_290 step %scan3A_291  : i32 {
      %mul3A = arith.constant 128 : i32
      %mul3A_507 = arith.muli %scan3A_506, %mul3A : i32
      %add3A_508 = arith.constant 8192 : i32
      %add3A_509 = arith.addi %add3A_508, %mul3A_507 : i32
      %get3A_510 = arith.index_cast %add3A_509 : i32 to index
      %get3A_511 = arith.constant 3 : index
      %get3A_512 = vector.load %arg1[%get3A_510, %get3A_511] : memref<16384x16xf32, #tpu.memory_space<vmem>>, vector<128x1xf32>
      %convert_element_type3A_513 = arith.fptosi %get3A_512 : vector<128x1xf32> to vector<128x1xi32>
      %add3A_514 = arith.constant 64 : i32
      %add3A_515 = arith.addi %add3A_514, %scan3A_506 : i32
      %get3A_516 = arith.index_cast %arg0 : i32 to index
      %get3A_517 = arith.constant 0 : index
      %get3A_518 = arith.index_cast %add3A_515 : i32 to index
      %get3A_519 = memref.load %arg4[%get3A_516, %get3A_517, %get3A_518] : memref<8x2x128xi32, #tpu.memory_space<smem>>
      %add3A_520 = arith.constant 64 : i32
      %add3A_521 = arith.addi %add3A_520, %scan3A_506 : i32
      %get3A_522 = arith.index_cast %arg0 : i32 to index
      %get3A_523 = arith.constant 1 : index
      %get3A_524 = arith.index_cast %add3A_521 : i32 to index
      %get3A_525 = memref.load %arg4[%get3A_522, %get3A_523, %get3A_524] : memref<8x2x128xi32, #tpu.memory_space<smem>>
      %add3A_526 = arith.constant 1 : i32
      %add3A_527 = arith.addi %get3A_525, %add3A_526 : i32
      %while3A = arith.constant 0 : i32
      %while3A_528 = arith.subi %add3A_527, %get3A_519 : i32
      %while3A_529 = arith.addi %get3A_519, %while3A_528 : i32
      %while3A_530 = arith.constant 1 : i32
      %while3A_531 = arith.divsi %while3A_528, %while3A_530 : i32
      %while3A_532 = arith.muli %while3A_531, %while3A_530 : i32
      %while3A_533 = arith.addi %get3A_519, %while3A_532 : i32
      %while3A_534 = arith.constant 1 : i32
      %while3A_535 = scf.for %while3A_538 = %get3A_519 to %while3A_533 step %while3A_534 iter_args(%while3A_539 = %while3A) -> (i32)  : i32 {
        %eq3A_540 = vector.broadcast %while3A_538 : i32 to vector<128x1xi32>
        %eq3A_541 = arith.cmpi eq, %convert_element_type3A_513, %eq3A_540 : vector<128x1xi32>
        %mul3A_542 = arith.constant 128 : i32
        %mul3A_543 = arith.muli %scan3A_506, %mul3A_542 : i32
        %get3A_544 = arith.index_cast %mul3A_543 : i32 to index
        %get3A_545 = arith.constant 0 : index
        %get3A_546 = vector.load %arg12[%get3A_544, %get3A_545] : memref<2048x896xf32, #tpu.memory_space<vmem>>, vector<128x896xf32>
        %jit3A_547 = arith.constant -1.000000e+30 : f32
        %broadcast_in_dim3A_548 = vector.shape_cast %eq3A_541 : vector<128x1xi1> to vector<128x1xi1>
        %broadcast_in_dim3A_549 = vector.broadcast %broadcast_in_dim3A_548 : vector<128x1xi1> to vector<128x896xi1>
        %broadcast_in_dim3A_550 = vector.broadcast %jit3A_547 : f32 to vector<128x896xf32>
        %select_n3A_551 = arith.select %broadcast_in_dim3A_549, %get3A_546, %broadcast_in_dim3A_550 : vector<128x896xi1>, vector<128x896xf32>
        %reduce_max3A = arith.constant dense<0xFF800000> : vector<896xf32>
        %reduce_max3A_552 = vector.multi_reduction <maximumf>, %select_n3A_551, %reduce_max3A [0] : vector<128x896xf32> to vector<896xf32>
        %broadcast_in_dim3A_553 = vector.shape_cast %reduce_max3A_552 : vector<896xf32> to vector<1x896xf32>
        %get3A_554 = arith.index_cast %while3A_538 : i32 to index
        %get3A_555 = arith.constant 0 : index
        %get3A_556 = vector.load %arg11[%get3A_554, %get3A_555] : memref<100x896xf32, #tpu.memory_space<vmem>>, vector<1x896xf32>
        %max3A_557 = arith.maximumf %get3A_556, %broadcast_in_dim3A_553 : vector<1x896xf32>
        %swap3A_558 = arith.index_cast %while3A_538 : i32 to index
        %swap3A_559 = arith.constant 0 : index
        %swap3A_560 = vector.load %arg11[%swap3A_558, %swap3A_559] : memref<100x896xf32, #tpu.memory_space<vmem>>, vector<1x896xf32>
        tpu.vector_store %arg11[%swap3A_558, %swap3A_559], %max3A_557 {strides = array<i32>} : memref<100x896xf32, #tpu.memory_space<vmem>>, vector<1x896xf32>,
        %while3A_561 = arith.constant 0 : i32
        scf.yield %while3A_561 : i32
      }
      %while3A_536 = arith.constant 1 : i32
      %while3A_537 = scf.for %while3A_538 = %while3A_533 to %while3A_529 step %while3A_536 iter_args(%while3A_539 = %while3A_535) -> (i32)  : i32 {
        %eq3A_540 = vector.broadcast %while3A_538 : i32 to vector<128x1xi32>
        %eq3A_541 = arith.cmpi eq, %convert_element_type3A_513, %eq3A_540 : vector<128x1xi32>
        %mul3A_542 = arith.constant 128 : i32
        %mul3A_543 = arith.muli %scan3A_506, %mul3A_542 : i32
        %get3A_544 = arith.index_cast %mul3A_543 : i32 to index
        %get3A_545 = arith.constant 0 : index
        %get3A_546 = vector.load %arg12[%get3A_544, %get3A_545] : memref<2048x896xf32, #tpu.memory_space<vmem>>, vector<128x896xf32>
        %jit3A_547 = arith.constant -1.000000e+30 : f32
        %broadcast_in_dim3A_548 = vector.shape_cast %eq3A_541 : vector<128x1xi1> to vector<128x1xi1>
        %broadcast_in_dim3A_549 = vector.broadcast %broadcast_in_dim3A_548 : vector<128x1xi1> to vector<128x896xi1>
        %broadcast_in_dim3A_550 = vector.broadcast %jit3A_547 : f32 to vector<128x896xf32>
        %select_n3A_551 = arith.select %broadcast_in_dim3A_549, %get3A_546, %broadcast_in_dim3A_550 : vector<128x896xi1>, vector<128x896xf32>
        %reduce_max3A = arith.constant dense<0xFF800000> : vector<896xf32>
        %reduce_max3A_552 = vector.multi_reduction <maximumf>, %select_n3A_551, %reduce_max3A [0] : vector<128x896xf32> to vector<896xf32>
        %broadcast_in_dim3A_553 = vector.shape_cast %reduce_max3A_552 : vector<896xf32> to vector<1x896xf32>
        %get3A_554 = arith.index_cast %while3A_538 : i32 to index
        %get3A_555 = arith.constant 0 : index
        %get3A_556 = vector.load %arg11[%get3A_554, %get3A_555] : memref<100x896xf32, #tpu.memory_space<vmem>>, vector<1x896xf32>
        %max3A_557 = arith.maximumf %get3A_556, %broadcast_in_dim3A_553 : vector<1x896xf32>
        %swap3A_558 = arith.index_cast %while3A_538 : i32 to index
        %swap3A_559 = arith.constant 0 : index
        %swap3A_560 = vector.load %arg11[%swap3A_558, %swap3A_559] : memref<100x896xf32, #tpu.memory_space<vmem>>, vector<1x896xf32>
        tpu.vector_store %arg11[%swap3A_558, %swap3A_559], %max3A_557 {strides = array<i32>} : memref<100x896xf32, #tpu.memory_space<vmem>>, vector<1x896xf32>,
        %while3A_561 = arith.constant 0 : i32
        scf.yield %while3A_561 : i32
      }
    }
    %scan3A_292 = arith.constant 16 : i32
    %get3A_293 = arith.constant 10240 : index
    %get3A_294 = arith.constant 0 : index
    %get3A_295 = vector.load %arg1[%get3A_293, %get3A_294] : memref<16384x16xf32, #tpu.memory_space<vmem>>, vector<2048x16xf32>
    %slice3A_296 = vector.extract_strided_slice %get3A_295 {offsets = [0, 0], sizes = [2048, 3], strides = [1, 1]} : vector<2048x16xf32> to vector<2048x3xf32>
    %slice3A_297 = vector.extract_strided_slice %get3A_295 {offsets = [0, 3], sizes = [2048, 1], strides = [1, 1]} : vector<2048x16xf32> to vector<2048x1xf32>
    %convert_element_type3A_298 = arith.fptosi %slice3A_297 : vector<2048x1xf32> to vector<2048x1xi32>
    %iota3A_299 = tpu.iota {dimensions = array<i32: 1>} : vector<2048x100xi32>
    %eq3A_300 = vector.broadcast %convert_element_type3A_298 : vector<2048x1xi32> to vector<2048x100xi32>
    %eq3A_301 = arith.cmpi eq, %iota3A_299, %eq3A_300 : vector<2048x100xi32>
    %convert_element_type3A_302 = arith.extui %eq3A_301 : vector<2048x100xi1> to vector<2048x100xi32>
    %convert_element_type3A_303 = arith.sitofp %convert_element_type3A_302 : vector<2048x100xi32> to vector<2048x100xf32>
    %get3A_304 = arith.constant 0 : index
    %get3A_305 = arith.constant 0 : index
    %get3A_306 = arith.constant 0 : index
    %get3A_307 = vector.load %arg2[%get3A_304, %get3A_305, %get3A_306] : memref<1x100x3xf32, #tpu.memory_space<vmem>>, vector<1x100x3xf32>
    %get3A_308 = vector.shape_cast %get3A_307 : vector<1x100x3xf32> to vector<100x3xf32>
    %dot_general3A_309 = arith.constant dense<0.000000e+00> : vector<2048x3xf32>
    %dot_general3A_310 = tpu.matmul %convert_element_type3A_303, %get3A_308, %dot_general3A_309 {dimension_numbers = #tpu.dot_dimension_numbers<[1], [0], [0], [1], [0, 0, 1, 1], [], []>, transpose_lhs_hint = false} : vector<2048x100xf32>, vector<100x3xf32>, vector<2048x3xf32> -> vector<2048x3xf32>
    %sub3A_311 = arith.subf %slice3A_296, %dot_general3A_310 : vector<2048x3xf32>
    %concatenate3A_312 = tpu.concatenate %slice3A_296, %sub3A_311 in 1 : vector<2048x3xf32>, vector<2048x3xf32> -> vector<2048x6xf32>
    %get3A_313 = arith.constant 0 : index
    %get3A_314 = arith.constant 0 : index
    %get3A_315 = vector.load %arg5[%get3A_313, %get3A_314] : memref<6x32xf32, #tpu.memory_space<vmem>>, vector<6x32xf32>
    %dot_general3A_316 = arith.constant dense<0.000000e+00> : vector<2048x32xf32>
    %dot_general3A_317 = tpu.matmul %concatenate3A_312, %get3A_315, %dot_general3A_316 {dimension_numbers = #tpu.dot_dimension_numbers<[1], [0], [0], [1], [0, 0, 1, 1], [], []>, transpose_lhs_hint = false} : vector<2048x6xf32>, vector<6x32xf32>, vector<2048x32xf32> -> vector<2048x32xf32>
    %max3A_318 = arith.constant 0.000000e+00 : f32
    %max3A_319 = vector.broadcast %max3A_318 : f32 to vector<2048x32xf32>
    %max3A_320 = arith.maximumf %dot_general3A_317, %max3A_319 : vector<2048x32xf32>
    %get3A_321 = arith.constant 0 : index
    %get3A_322 = arith.constant 0 : index
    %get3A_323 = vector.load %arg6[%get3A_321, %get3A_322] : memref<32x64xf32, #tpu.memory_space<vmem>>, vector<32x64xf32>
    %dot_general3A_324 = arith.constant dense<0.000000e+00> : vector<2048x64xf32>
    %dot_general3A_325 = tpu.matmul %max3A_320, %get3A_323, %dot_general3A_324 {dimension_numbers = #tpu.dot_dimension_numbers<[1], [0], [0], [1], [0, 0, 1, 1], [], []>, transpose_lhs_hint = false} : vector<2048x32xf32>, vector<32x64xf32>, vector<2048x64xf32> -> vector<2048x64xf32>
    %max3A_326 = arith.constant 0.000000e+00 : f32
    %max3A_327 = vector.broadcast %max3A_326 : f32 to vector<2048x64xf32>
    %max3A_328 = arith.maximumf %dot_general3A_325, %max3A_327 : vector<2048x64xf32>
    %get3A_329 = arith.constant 0 : index
    %get3A_330 = arith.constant 0 : index
    %get3A_331 = vector.load %arg7[%get3A_329, %get3A_330] : memref<64x128xf32, #tpu.memory_space<vmem>>, vector<64x128xf32>
    %dot_general3A_332 = arith.constant dense<0.000000e+00> : vector<2048x128xf32>
    %dot_general3A_333 = tpu.matmul %max3A_328, %get3A_331, %dot_general3A_332 {dimension_numbers = #tpu.dot_dimension_numbers<[1], [0], [0], [1], [0, 0, 1, 1], [], []>, transpose_lhs_hint = false} : vector<2048x64xf32>, vector<64x128xf32>, vector<2048x128xf32> -> vector<2048x128xf32>
    %max3A_334 = arith.constant 0.000000e+00 : f32
    %max3A_335 = vector.broadcast %max3A_334 : f32 to vector<2048x128xf32>
    %max3A_336 = arith.maximumf %dot_general3A_333, %max3A_335 : vector<2048x128xf32>
    %convert_element_type3A_337 = arith.truncf %max3A_336 : vector<2048x128xf32> to vector<2048x128xbf16>
    %get3A_338 = arith.constant 0 : index
    %get3A_339 = arith.constant 0 : index
    %get3A_340 = vector.load %arg8[%get3A_338, %get3A_339] : memref<128x768xf32, #tpu.memory_space<vmem>>, vector<128x768xf32>
    %convert_element_type3A_341 = arith.truncf %get3A_340 : vector<128x768xf32> to vector<128x768xbf16>
    %dot_general3A_342 = arith.constant dense<0.000000e+00> : vector<2048x768xf32>
    %dot_general3A_343 = tpu.matmul %convert_element_type3A_337, %convert_element_type3A_341, %dot_general3A_342 {dimension_numbers = #tpu.dot_dimension_numbers<[1], [0], [0], [1], [0, 0, 1, 1], [], []>, transpose_lhs_hint = false} : vector<2048x128xbf16>, vector<128x768xbf16>, vector<2048x768xf32> -> vector<2048x768xf32>
    %concatenate3A_344 = tpu.concatenate %max3A_336, %dot_general3A_343 in 1 : vector<2048x128xf32>, vector<2048x768xf32> -> vector<2048x896xf32>
    %swap3A_345 = arith.constant 0 : index
    %swap3A_346 = arith.constant 0 : index
    %swap3A_347 = vector.load %arg12[%swap3A_345, %swap3A_346] : memref<2048x896xf32, #tpu.memory_space<vmem>>, vector<2048x896xf32>
    tpu.vector_store %arg12[%swap3A_345, %swap3A_346], %concatenate3A_344 {strides = array<i32>} : memref<2048x896xf32, #tpu.memory_space<vmem>>, vector<2048x896xf32>,
    %scan3A_348 = arith.constant 0 : i32
    %scan3A_349 = arith.constant 16 : i32
    %scan3A_350 = arith.addi %scan3A_348, %scan3A_349 : i32
    %scan3A_351 = arith.constant 1 : i32
    scf.for %scan3A_506 = %scan3A_348 to %scan3A_350 step %scan3A_351  : i32 {
      %mul3A = arith.constant 128 : i32
      %mul3A_507 = arith.muli %scan3A_506, %mul3A : i32
      %add3A_508 = arith.constant 10240 : i32
      %add3A_509 = arith.addi %add3A_508, %mul3A_507 : i32
      %get3A_510 = arith.index_cast %add3A_509 : i32 to index
      %get3A_511 = arith.constant 3 : index
      %get3A_512 = vector.load %arg1[%get3A_510, %get3A_511] : memref<16384x16xf32, #tpu.memory_space<vmem>>, vector<128x1xf32>
      %convert_element_type3A_513 = arith.fptosi %get3A_512 : vector<128x1xf32> to vector<128x1xi32>
      %add3A_514 = arith.constant 80 : i32
      %add3A_515 = arith.addi %add3A_514, %scan3A_506 : i32
      %get3A_516 = arith.index_cast %arg0 : i32 to index
      %get3A_517 = arith.constant 0 : index
      %get3A_518 = arith.index_cast %add3A_515 : i32 to index
      %get3A_519 = memref.load %arg4[%get3A_516, %get3A_517, %get3A_518] : memref<8x2x128xi32, #tpu.memory_space<smem>>
      %add3A_520 = arith.constant 80 : i32
      %add3A_521 = arith.addi %add3A_520, %scan3A_506 : i32
      %get3A_522 = arith.index_cast %arg0 : i32 to index
      %get3A_523 = arith.constant 1 : index
      %get3A_524 = arith.index_cast %add3A_521 : i32 to index
      %get3A_525 = memref.load %arg4[%get3A_522, %get3A_523, %get3A_524] : memref<8x2x128xi32, #tpu.memory_space<smem>>
      %add3A_526 = arith.constant 1 : i32
      %add3A_527 = arith.addi %get3A_525, %add3A_526 : i32
      %while3A = arith.constant 0 : i32
      %while3A_528 = arith.subi %add3A_527, %get3A_519 : i32
      %while3A_529 = arith.addi %get3A_519, %while3A_528 : i32
      %while3A_530 = arith.constant 1 : i32
      %while3A_531 = arith.divsi %while3A_528, %while3A_530 : i32
      %while3A_532 = arith.muli %while3A_531, %while3A_530 : i32
      %while3A_533 = arith.addi %get3A_519, %while3A_532 : i32
      %while3A_534 = arith.constant 1 : i32
      %while3A_535 = scf.for %while3A_538 = %get3A_519 to %while3A_533 step %while3A_534 iter_args(%while3A_539 = %while3A) -> (i32)  : i32 {
        %eq3A_540 = vector.broadcast %while3A_538 : i32 to vector<128x1xi32>
        %eq3A_541 = arith.cmpi eq, %convert_element_type3A_513, %eq3A_540 : vector<128x1xi32>
        %mul3A_542 = arith.constant 128 : i32
        %mul3A_543 = arith.muli %scan3A_506, %mul3A_542 : i32
        %get3A_544 = arith.index_cast %mul3A_543 : i32 to index
        %get3A_545 = arith.constant 0 : index
        %get3A_546 = vector.load %arg12[%get3A_544, %get3A_545] : memref<2048x896xf32, #tpu.memory_space<vmem>>, vector<128x896xf32>
        %jit3A_547 = arith.constant -1.000000e+30 : f32
        %broadcast_in_dim3A_548 = vector.shape_cast %eq3A_541 : vector<128x1xi1> to vector<128x1xi1>
        %broadcast_in_dim3A_549 = vector.broadcast %broadcast_in_dim3A_548 : vector<128x1xi1> to vector<128x896xi1>
        %broadcast_in_dim3A_550 = vector.broadcast %jit3A_547 : f32 to vector<128x896xf32>
        %select_n3A_551 = arith.select %broadcast_in_dim3A_549, %get3A_546, %broadcast_in_dim3A_550 : vector<128x896xi1>, vector<128x896xf32>
        %reduce_max3A = arith.constant dense<0xFF800000> : vector<896xf32>
        %reduce_max3A_552 = vector.multi_reduction <maximumf>, %select_n3A_551, %reduce_max3A [0] : vector<128x896xf32> to vector<896xf32>
        %broadcast_in_dim3A_553 = vector.shape_cast %reduce_max3A_552 : vector<896xf32> to vector<1x896xf32>
        %get3A_554 = arith.index_cast %while3A_538 : i32 to index
        %get3A_555 = arith.constant 0 : index
        %get3A_556 = vector.load %arg11[%get3A_554, %get3A_555] : memref<100x896xf32, #tpu.memory_space<vmem>>, vector<1x896xf32>
        %max3A_557 = arith.maximumf %get3A_556, %broadcast_in_dim3A_553 : vector<1x896xf32>
        %swap3A_558 = arith.index_cast %while3A_538 : i32 to index
        %swap3A_559 = arith.constant 0 : index
        %swap3A_560 = vector.load %arg11[%swap3A_558, %swap3A_559] : memref<100x896xf32, #tpu.memory_space<vmem>>, vector<1x896xf32>
        tpu.vector_store %arg11[%swap3A_558, %swap3A_559], %max3A_557 {strides = array<i32>} : memref<100x896xf32, #tpu.memory_space<vmem>>, vector<1x896xf32>,
        %while3A_561 = arith.constant 0 : i32
        scf.yield %while3A_561 : i32
      }
      %while3A_536 = arith.constant 1 : i32
      %while3A_537 = scf.for %while3A_538 = %while3A_533 to %while3A_529 step %while3A_536 iter_args(%while3A_539 = %while3A_535) -> (i32)  : i32 {
        %eq3A_540 = vector.broadcast %while3A_538 : i32 to vector<128x1xi32>
        %eq3A_541 = arith.cmpi eq, %convert_element_type3A_513, %eq3A_540 : vector<128x1xi32>
        %mul3A_542 = arith.constant 128 : i32
        %mul3A_543 = arith.muli %scan3A_506, %mul3A_542 : i32
        %get3A_544 = arith.index_cast %mul3A_543 : i32 to index
        %get3A_545 = arith.constant 0 : index
        %get3A_546 = vector.load %arg12[%get3A_544, %get3A_545] : memref<2048x896xf32, #tpu.memory_space<vmem>>, vector<128x896xf32>
        %jit3A_547 = arith.constant -1.000000e+30 : f32
        %broadcast_in_dim3A_548 = vector.shape_cast %eq3A_541 : vector<128x1xi1> to vector<128x1xi1>
        %broadcast_in_dim3A_549 = vector.broadcast %broadcast_in_dim3A_548 : vector<128x1xi1> to vector<128x896xi1>
        %broadcast_in_dim3A_550 = vector.broadcast %jit3A_547 : f32 to vector<128x896xf32>
        %select_n3A_551 = arith.select %broadcast_in_dim3A_549, %get3A_546, %broadcast_in_dim3A_550 : vector<128x896xi1>, vector<128x896xf32>
        %reduce_max3A = arith.constant dense<0xFF800000> : vector<896xf32>
        %reduce_max3A_552 = vector.multi_reduction <maximumf>, %select_n3A_551, %reduce_max3A [0] : vector<128x896xf32> to vector<896xf32>
        %broadcast_in_dim3A_553 = vector.shape_cast %reduce_max3A_552 : vector<896xf32> to vector<1x896xf32>
        %get3A_554 = arith.index_cast %while3A_538 : i32 to index
        %get3A_555 = arith.constant 0 : index
        %get3A_556 = vector.load %arg11[%get3A_554, %get3A_555] : memref<100x896xf32, #tpu.memory_space<vmem>>, vector<1x896xf32>
        %max3A_557 = arith.maximumf %get3A_556, %broadcast_in_dim3A_553 : vector<1x896xf32>
        %swap3A_558 = arith.index_cast %while3A_538 : i32 to index
        %swap3A_559 = arith.constant 0 : index
        %swap3A_560 = vector.load %arg11[%swap3A_558, %swap3A_559] : memref<100x896xf32, #tpu.memory_space<vmem>>, vector<1x896xf32>
        tpu.vector_store %arg11[%swap3A_558, %swap3A_559], %max3A_557 {strides = array<i32>} : memref<100x896xf32, #tpu.memory_space<vmem>>, vector<1x896xf32>,
        %while3A_561 = arith.constant 0 : i32
        scf.yield %while3A_561 : i32
      }
    }
    %scan3A_352 = arith.constant 16 : i32
    %get3A_353 = arith.constant 12288 : index
    %get3A_354 = arith.constant 0 : index
    %get3A_355 = vector.load %arg1[%get3A_353, %get3A_354] : memref<16384x16xf32, #tpu.memory_space<vmem>>, vector<2048x16xf32>
    %slice3A_356 = vector.extract_strided_slice %get3A_355 {offsets = [0, 0], sizes = [2048, 3], strides = [1, 1]} : vector<2048x16xf32> to vector<2048x3xf32>
    %slice3A_357 = vector.extract_strided_slice %get3A_355 {offsets = [0, 3], sizes = [2048, 1], strides = [1, 1]} : vector<2048x16xf32> to vector<2048x1xf32>
    %convert_element_type3A_358 = arith.fptosi %slice3A_357 : vector<2048x1xf32> to vector<2048x1xi32>
    %iota3A_359 = tpu.iota {dimensions = array<i32: 1>} : vector<2048x100xi32>
    %eq3A_360 = vector.broadcast %convert_element_type3A_358 : vector<2048x1xi32> to vector<2048x100xi32>
    %eq3A_361 = arith.cmpi eq, %iota3A_359, %eq3A_360 : vector<2048x100xi32>
    %convert_element_type3A_362 = arith.extui %eq3A_361 : vector<2048x100xi1> to vector<2048x100xi32>
    %convert_element_type3A_363 = arith.sitofp %convert_element_type3A_362 : vector<2048x100xi32> to vector<2048x100xf32>
    %get3A_364 = arith.constant 0 : index
    %get3A_365 = arith.constant 0 : index
    %get3A_366 = arith.constant 0 : index
    %get3A_367 = vector.load %arg2[%get3A_364, %get3A_365, %get3A_366] : memref<1x100x3xf32, #tpu.memory_space<vmem>>, vector<1x100x3xf32>
    %get3A_368 = vector.shape_cast %get3A_367 : vector<1x100x3xf32> to vector<100x3xf32>
    %dot_general3A_369 = arith.constant dense<0.000000e+00> : vector<2048x3xf32>
    %dot_general3A_370 = tpu.matmul %convert_element_type3A_363, %get3A_368, %dot_general3A_369 {dimension_numbers = #tpu.dot_dimension_numbers<[1], [0], [0], [1], [0, 0, 1, 1], [], []>, transpose_lhs_hint = false} : vector<2048x100xf32>, vector<100x3xf32>, vector<2048x3xf32> -> vector<2048x3xf32>
    %sub3A_371 = arith.subf %slice3A_356, %dot_general3A_370 : vector<2048x3xf32>
    %concatenate3A_372 = tpu.concatenate %slice3A_356, %sub3A_371 in 1 : vector<2048x3xf32>, vector<2048x3xf32> -> vector<2048x6xf32>
    %get3A_373 = arith.constant 0 : index
    %get3A_374 = arith.constant 0 : index
    %get3A_375 = vector.load %arg5[%get3A_373, %get3A_374] : memref<6x32xf32, #tpu.memory_space<vmem>>, vector<6x32xf32>
    %dot_general3A_376 = arith.constant dense<0.000000e+00> : vector<2048x32xf32>
    %dot_general3A_377 = tpu.matmul %concatenate3A_372, %get3A_375, %dot_general3A_376 {dimension_numbers = #tpu.dot_dimension_numbers<[1], [0], [0], [1], [0, 0, 1, 1], [], []>, transpose_lhs_hint = false} : vector<2048x6xf32>, vector<6x32xf32>, vector<2048x32xf32> -> vector<2048x32xf32>
    %max3A_378 = arith.constant 0.000000e+00 : f32
    %max3A_379 = vector.broadcast %max3A_378 : f32 to vector<2048x32xf32>
    %max3A_380 = arith.maximumf %dot_general3A_377, %max3A_379 : vector<2048x32xf32>
    %get3A_381 = arith.constant 0 : index
    %get3A_382 = arith.constant 0 : index
    %get3A_383 = vector.load %arg6[%get3A_381, %get3A_382] : memref<32x64xf32, #tpu.memory_space<vmem>>, vector<32x64xf32>
    %dot_general3A_384 = arith.constant dense<0.000000e+00> : vector<2048x64xf32>
    %dot_general3A_385 = tpu.matmul %max3A_380, %get3A_383, %dot_general3A_384 {dimension_numbers = #tpu.dot_dimension_numbers<[1], [0], [0], [1], [0, 0, 1, 1], [], []>, transpose_lhs_hint = false} : vector<2048x32xf32>, vector<32x64xf32>, vector<2048x64xf32> -> vector<2048x64xf32>
    %max3A_386 = arith.constant 0.000000e+00 : f32
    %max3A_387 = vector.broadcast %max3A_386 : f32 to vector<2048x64xf32>
    %max3A_388 = arith.maximumf %dot_general3A_385, %max3A_387 : vector<2048x64xf32>
    %get3A_389 = arith.constant 0 : index
    %get3A_390 = arith.constant 0 : index
    %get3A_391 = vector.load %arg7[%get3A_389, %get3A_390] : memref<64x128xf32, #tpu.memory_space<vmem>>, vector<64x128xf32>
    %dot_general3A_392 = arith.constant dense<0.000000e+00> : vector<2048x128xf32>
    %dot_general3A_393 = tpu.matmul %max3A_388, %get3A_391, %dot_general3A_392 {dimension_numbers = #tpu.dot_dimension_numbers<[1], [0], [0], [1], [0, 0, 1, 1], [], []>, transpose_lhs_hint = false} : vector<2048x64xf32>, vector<64x128xf32>, vector<2048x128xf32> -> vector<2048x128xf32>
    %max3A_394 = arith.constant 0.000000e+00 : f32
    %max3A_395 = vector.broadcast %max3A_394 : f32 to vector<2048x128xf32>
    %max3A_396 = arith.maximumf %dot_general3A_393, %max3A_395 : vector<2048x128xf32>
    %convert_element_type3A_397 = arith.truncf %max3A_396 : vector<2048x128xf32> to vector<2048x128xbf16>
    %get3A_398 = arith.constant 0 : index
    %get3A_399 = arith.constant 0 : index
    %get3A_400 = vector.load %arg8[%get3A_398, %get3A_399] : memref<128x768xf32, #tpu.memory_space<vmem>>, vector<128x768xf32>
    %convert_element_type3A_401 = arith.truncf %get3A_400 : vector<128x768xf32> to vector<128x768xbf16>
    %dot_general3A_402 = arith.constant dense<0.000000e+00> : vector<2048x768xf32>
    %dot_general3A_403 = tpu.matmul %convert_element_type3A_397, %convert_element_type3A_401, %dot_general3A_402 {dimension_numbers = #tpu.dot_dimension_numbers<[1], [0], [0], [1], [0, 0, 1, 1], [], []>, transpose_lhs_hint = false} : vector<2048x128xbf16>, vector<128x768xbf16>, vector<2048x768xf32> -> vector<2048x768xf32>
    %concatenate3A_404 = tpu.concatenate %max3A_396, %dot_general3A_403 in 1 : vector<2048x128xf32>, vector<2048x768xf32> -> vector<2048x896xf32>
    %swap3A_405 = arith.constant 0 : index
    %swap3A_406 = arith.constant 0 : index
    %swap3A_407 = vector.load %arg12[%swap3A_405, %swap3A_406] : memref<2048x896xf32, #tpu.memory_space<vmem>>, vector<2048x896xf32>
    tpu.vector_store %arg12[%swap3A_405, %swap3A_406], %concatenate3A_404 {strides = array<i32>} : memref<2048x896xf32, #tpu.memory_space<vmem>>, vector<2048x896xf32>,
    %scan3A_408 = arith.constant 0 : i32
    %scan3A_409 = arith.constant 16 : i32
    %scan3A_410 = arith.addi %scan3A_408, %scan3A_409 : i32
    %scan3A_411 = arith.constant 1 : i32
    scf.for %scan3A_506 = %scan3A_408 to %scan3A_410 step %scan3A_411  : i32 {
      %mul3A = arith.constant 128 : i32
      %mul3A_507 = arith.muli %scan3A_506, %mul3A : i32
      %add3A_508 = arith.constant 12288 : i32
      %add3A_509 = arith.addi %add3A_508, %mul3A_507 : i32
      %get3A_510 = arith.index_cast %add3A_509 : i32 to index
      %get3A_511 = arith.constant 3 : index
      %get3A_512 = vector.load %arg1[%get3A_510, %get3A_511] : memref<16384x16xf32, #tpu.memory_space<vmem>>, vector<128x1xf32>
      %convert_element_type3A_513 = arith.fptosi %get3A_512 : vector<128x1xf32> to vector<128x1xi32>
      %add3A_514 = arith.constant 96 : i32
      %add3A_515 = arith.addi %add3A_514, %scan3A_506 : i32
      %get3A_516 = arith.index_cast %arg0 : i32 to index
      %get3A_517 = arith.constant 0 : index
      %get3A_518 = arith.index_cast %add3A_515 : i32 to index
      %get3A_519 = memref.load %arg4[%get3A_516, %get3A_517, %get3A_518] : memref<8x2x128xi32, #tpu.memory_space<smem>>
      %add3A_520 = arith.constant 96 : i32
      %add3A_521 = arith.addi %add3A_520, %scan3A_506 : i32
      %get3A_522 = arith.index_cast %arg0 : i32 to index
      %get3A_523 = arith.constant 1 : index
      %get3A_524 = arith.index_cast %add3A_521 : i32 to index
      %get3A_525 = memref.load %arg4[%get3A_522, %get3A_523, %get3A_524] : memref<8x2x128xi32, #tpu.memory_space<smem>>
      %add3A_526 = arith.constant 1 : i32
      %add3A_527 = arith.addi %get3A_525, %add3A_526 : i32
      %while3A = arith.constant 0 : i32
      %while3A_528 = arith.subi %add3A_527, %get3A_519 : i32
      %while3A_529 = arith.addi %get3A_519, %while3A_528 : i32
      %while3A_530 = arith.constant 1 : i32
      %while3A_531 = arith.divsi %while3A_528, %while3A_530 : i32
      %while3A_532 = arith.muli %while3A_531, %while3A_530 : i32
      %while3A_533 = arith.addi %get3A_519, %while3A_532 : i32
      %while3A_534 = arith.constant 1 : i32
      %while3A_535 = scf.for %while3A_538 = %get3A_519 to %while3A_533 step %while3A_534 iter_args(%while3A_539 = %while3A) -> (i32)  : i32 {
        %eq3A_540 = vector.broadcast %while3A_538 : i32 to vector<128x1xi32>
        %eq3A_541 = arith.cmpi eq, %convert_element_type3A_513, %eq3A_540 : vector<128x1xi32>
        %mul3A_542 = arith.constant 128 : i32
        %mul3A_543 = arith.muli %scan3A_506, %mul3A_542 : i32
        %get3A_544 = arith.index_cast %mul3A_543 : i32 to index
        %get3A_545 = arith.constant 0 : index
        %get3A_546 = vector.load %arg12[%get3A_544, %get3A_545] : memref<2048x896xf32, #tpu.memory_space<vmem>>, vector<128x896xf32>
        %jit3A_547 = arith.constant -1.000000e+30 : f32
        %broadcast_in_dim3A_548 = vector.shape_cast %eq3A_541 : vector<128x1xi1> to vector<128x1xi1>
        %broadcast_in_dim3A_549 = vector.broadcast %broadcast_in_dim3A_548 : vector<128x1xi1> to vector<128x896xi1>
        %broadcast_in_dim3A_550 = vector.broadcast %jit3A_547 : f32 to vector<128x896xf32>
        %select_n3A_551 = arith.select %broadcast_in_dim3A_549, %get3A_546, %broadcast_in_dim3A_550 : vector<128x896xi1>, vector<128x896xf32>
        %reduce_max3A = arith.constant dense<0xFF800000> : vector<896xf32>
        %reduce_max3A_552 = vector.multi_reduction <maximumf>, %select_n3A_551, %reduce_max3A [0] : vector<128x896xf32> to vector<896xf32>
        %broadcast_in_dim3A_553 = vector.shape_cast %reduce_max3A_552 : vector<896xf32> to vector<1x896xf32>
        %get3A_554 = arith.index_cast %while3A_538 : i32 to index
        %get3A_555 = arith.constant 0 : index
        %get3A_556 = vector.load %arg11[%get3A_554, %get3A_555] : memref<100x896xf32, #tpu.memory_space<vmem>>, vector<1x896xf32>
        %max3A_557 = arith.maximumf %get3A_556, %broadcast_in_dim3A_553 : vector<1x896xf32>
        %swap3A_558 = arith.index_cast %while3A_538 : i32 to index
        %swap3A_559 = arith.constant 0 : index
        %swap3A_560 = vector.load %arg11[%swap3A_558, %swap3A_559] : memref<100x896xf32, #tpu.memory_space<vmem>>, vector<1x896xf32>
        tpu.vector_store %arg11[%swap3A_558, %swap3A_559], %max3A_557 {strides = array<i32>} : memref<100x896xf32, #tpu.memory_space<vmem>>, vector<1x896xf32>,
        %while3A_561 = arith.constant 0 : i32
        scf.yield %while3A_561 : i32
      }
      %while3A_536 = arith.constant 1 : i32
      %while3A_537 = scf.for %while3A_538 = %while3A_533 to %while3A_529 step %while3A_536 iter_args(%while3A_539 = %while3A_535) -> (i32)  : i32 {
        %eq3A_540 = vector.broadcast %while3A_538 : i32 to vector<128x1xi32>
        %eq3A_541 = arith.cmpi eq, %convert_element_type3A_513, %eq3A_540 : vector<128x1xi32>
        %mul3A_542 = arith.constant 128 : i32
        %mul3A_543 = arith.muli %scan3A_506, %mul3A_542 : i32
        %get3A_544 = arith.index_cast %mul3A_543 : i32 to index
        %get3A_545 = arith.constant 0 : index
        %get3A_546 = vector.load %arg12[%get3A_544, %get3A_545] : memref<2048x896xf32, #tpu.memory_space<vmem>>, vector<128x896xf32>
        %jit3A_547 = arith.constant -1.000000e+30 : f32
        %broadcast_in_dim3A_548 = vector.shape_cast %eq3A_541 : vector<128x1xi1> to vector<128x1xi1>
        %broadcast_in_dim3A_549 = vector.broadcast %broadcast_in_dim3A_548 : vector<128x1xi1> to vector<128x896xi1>
        %broadcast_in_dim3A_550 = vector.broadcast %jit3A_547 : f32 to vector<128x896xf32>
        %select_n3A_551 = arith.select %broadcast_in_dim3A_549, %get3A_546, %broadcast_in_dim3A_550 : vector<128x896xi1>, vector<128x896xf32>
        %reduce_max3A = arith.constant dense<0xFF800000> : vector<896xf32>
        %reduce_max3A_552 = vector.multi_reduction <maximumf>, %select_n3A_551, %reduce_max3A [0] : vector<128x896xf32> to vector<896xf32>
        %broadcast_in_dim3A_553 = vector.shape_cast %reduce_max3A_552 : vector<896xf32> to vector<1x896xf32>
        %get3A_554 = arith.index_cast %while3A_538 : i32 to index
        %get3A_555 = arith.constant 0 : index
        %get3A_556 = vector.load %arg11[%get3A_554, %get3A_555] : memref<100x896xf32, #tpu.memory_space<vmem>>, vector<1x896xf32>
        %max3A_557 = arith.maximumf %get3A_556, %broadcast_in_dim3A_553 : vector<1x896xf32>
        %swap3A_558 = arith.index_cast %while3A_538 : i32 to index
        %swap3A_559 = arith.constant 0 : index
        %swap3A_560 = vector.load %arg11[%swap3A_558, %swap3A_559] : memref<100x896xf32, #tpu.memory_space<vmem>>, vector<1x896xf32>
        tpu.vector_store %arg11[%swap3A_558, %swap3A_559], %max3A_557 {strides = array<i32>} : memref<100x896xf32, #tpu.memory_space<vmem>>, vector<1x896xf32>,
        %while3A_561 = arith.constant 0 : i32
        scf.yield %while3A_561 : i32
      }
    }
    %scan3A_412 = arith.constant 16 : i32
    %get3A_413 = arith.constant 14336 : index
    %get3A_414 = arith.constant 0 : index
    %get3A_415 = vector.load %arg1[%get3A_413, %get3A_414] : memref<16384x16xf32, #tpu.memory_space<vmem>>, vector<2048x16xf32>
    %slice3A_416 = vector.extract_strided_slice %get3A_415 {offsets = [0, 0], sizes = [2048, 3], strides = [1, 1]} : vector<2048x16xf32> to vector<2048x3xf32>
    %slice3A_417 = vector.extract_strided_slice %get3A_415 {offsets = [0, 3], sizes = [2048, 1], strides = [1, 1]} : vector<2048x16xf32> to vector<2048x1xf32>
    %convert_element_type3A_418 = arith.fptosi %slice3A_417 : vector<2048x1xf32> to vector<2048x1xi32>
    %iota3A_419 = tpu.iota {dimensions = array<i32: 1>} : vector<2048x100xi32>
    %eq3A_420 = vector.broadcast %convert_element_type3A_418 : vector<2048x1xi32> to vector<2048x100xi32>
    %eq3A_421 = arith.cmpi eq, %iota3A_419, %eq3A_420 : vector<2048x100xi32>
    %convert_element_type3A_422 = arith.extui %eq3A_421 : vector<2048x100xi1> to vector<2048x100xi32>
    %convert_element_type3A_423 = arith.sitofp %convert_element_type3A_422 : vector<2048x100xi32> to vector<2048x100xf32>
    %get3A_424 = arith.constant 0 : index
    %get3A_425 = arith.constant 0 : index
    %get3A_426 = arith.constant 0 : index
    %get3A_427 = vector.load %arg2[%get3A_424, %get3A_425, %get3A_426] : memref<1x100x3xf32, #tpu.memory_space<vmem>>, vector<1x100x3xf32>
    %get3A_428 = vector.shape_cast %get3A_427 : vector<1x100x3xf32> to vector<100x3xf32>
    %dot_general3A_429 = arith.constant dense<0.000000e+00> : vector<2048x3xf32>
    %dot_general3A_430 = tpu.matmul %convert_element_type3A_423, %get3A_428, %dot_general3A_429 {dimension_numbers = #tpu.dot_dimension_numbers<[1], [0], [0], [1], [0, 0, 1, 1], [], []>, transpose_lhs_hint = false} : vector<2048x100xf32>, vector<100x3xf32>, vector<2048x3xf32> -> vector<2048x3xf32>
    %sub3A_431 = arith.subf %slice3A_416, %dot_general3A_430 : vector<2048x3xf32>
    %concatenate3A_432 = tpu.concatenate %slice3A_416, %sub3A_431 in 1 : vector<2048x3xf32>, vector<2048x3xf32> -> vector<2048x6xf32>
    %get3A_433 = arith.constant 0 : index
    %get3A_434 = arith.constant 0 : index
    %get3A_435 = vector.load %arg5[%get3A_433, %get3A_434] : memref<6x32xf32, #tpu.memory_space<vmem>>, vector<6x32xf32>
    %dot_general3A_436 = arith.constant dense<0.000000e+00> : vector<2048x32xf32>
    %dot_general3A_437 = tpu.matmul %concatenate3A_432, %get3A_435, %dot_general3A_436 {dimension_numbers = #tpu.dot_dimension_numbers<[1], [0], [0], [1], [0, 0, 1, 1], [], []>, transpose_lhs_hint = false} : vector<2048x6xf32>, vector<6x32xf32>, vector<2048x32xf32> -> vector<2048x32xf32>
    %max3A_438 = arith.constant 0.000000e+00 : f32
    %max3A_439 = vector.broadcast %max3A_438 : f32 to vector<2048x32xf32>
    %max3A_440 = arith.maximumf %dot_general3A_437, %max3A_439 : vector<2048x32xf32>
    %get3A_441 = arith.constant 0 : index
    %get3A_442 = arith.constant 0 : index
    %get3A_443 = vector.load %arg6[%get3A_441, %get3A_442] : memref<32x64xf32, #tpu.memory_space<vmem>>, vector<32x64xf32>
    %dot_general3A_444 = arith.constant dense<0.000000e+00> : vector<2048x64xf32>
    %dot_general3A_445 = tpu.matmul %max3A_440, %get3A_443, %dot_general3A_444 {dimension_numbers = #tpu.dot_dimension_numbers<[1], [0], [0], [1], [0, 0, 1, 1], [], []>, transpose_lhs_hint = false} : vector<2048x32xf32>, vector<32x64xf32>, vector<2048x64xf32> -> vector<2048x64xf32>
    %max3A_446 = arith.constant 0.000000e+00 : f32
    %max3A_447 = vector.broadcast %max3A_446 : f32 to vector<2048x64xf32>
    %max3A_448 = arith.maximumf %dot_general3A_445, %max3A_447 : vector<2048x64xf32>
    %get3A_449 = arith.constant 0 : index
    %get3A_450 = arith.constant 0 : index
    %get3A_451 = vector.load %arg7[%get3A_449, %get3A_450] : memref<64x128xf32, #tpu.memory_space<vmem>>, vector<64x128xf32>
    %dot_general3A_452 = arith.constant dense<0.000000e+00> : vector<2048x128xf32>
    %dot_general3A_453 = tpu.matmul %max3A_448, %get3A_451, %dot_general3A_452 {dimension_numbers = #tpu.dot_dimension_numbers<[1], [0], [0], [1], [0, 0, 1, 1], [], []>, transpose_lhs_hint = false} : vector<2048x64xf32>, vector<64x128xf32>, vector<2048x128xf32> -> vector<2048x128xf32>
    %max3A_454 = arith.constant 0.000000e+00 : f32
    %max3A_455 = vector.broadcast %max3A_454 : f32 to vector<2048x128xf32>
    %max3A_456 = arith.maximumf %dot_general3A_453, %max3A_455 : vector<2048x128xf32>
    %convert_element_type3A_457 = arith.truncf %max3A_456 : vector<2048x128xf32> to vector<2048x128xbf16>
    %get3A_458 = arith.constant 0 : index
    %get3A_459 = arith.constant 0 : index
    %get3A_460 = vector.load %arg8[%get3A_458, %get3A_459] : memref<128x768xf32, #tpu.memory_space<vmem>>, vector<128x768xf32>
    %convert_element_type3A_461 = arith.truncf %get3A_460 : vector<128x768xf32> to vector<128x768xbf16>
    %dot_general3A_462 = arith.constant dense<0.000000e+00> : vector<2048x768xf32>
    %dot_general3A_463 = tpu.matmul %convert_element_type3A_457, %convert_element_type3A_461, %dot_general3A_462 {dimension_numbers = #tpu.dot_dimension_numbers<[1], [0], [0], [1], [0, 0, 1, 1], [], []>, transpose_lhs_hint = false} : vector<2048x128xbf16>, vector<128x768xbf16>, vector<2048x768xf32> -> vector<2048x768xf32>
    %concatenate3A_464 = tpu.concatenate %max3A_456, %dot_general3A_463 in 1 : vector<2048x128xf32>, vector<2048x768xf32> -> vector<2048x896xf32>
    %swap3A_465 = arith.constant 0 : index
    %swap3A_466 = arith.constant 0 : index
    %swap3A_467 = vector.load %arg12[%swap3A_465, %swap3A_466] : memref<2048x896xf32, #tpu.memory_space<vmem>>, vector<2048x896xf32>
    tpu.vector_store %arg12[%swap3A_465, %swap3A_466], %concatenate3A_464 {strides = array<i32>} : memref<2048x896xf32, #tpu.memory_space<vmem>>, vector<2048x896xf32>,
    %scan3A_468 = arith.constant 0 : i32
    %scan3A_469 = arith.constant 16 : i32
    %scan3A_470 = arith.addi %scan3A_468, %scan3A_469 : i32
    %scan3A_471 = arith.constant 1 : i32
    scf.for %scan3A_506 = %scan3A_468 to %scan3A_470 step %scan3A_471  : i32 {
      %mul3A = arith.constant 128 : i32
      %mul3A_507 = arith.muli %scan3A_506, %mul3A : i32
      %add3A_508 = arith.constant 14336 : i32
      %add3A_509 = arith.addi %add3A_508, %mul3A_507 : i32
      %get3A_510 = arith.index_cast %add3A_509 : i32 to index
      %get3A_511 = arith.constant 3 : index
      %get3A_512 = vector.load %arg1[%get3A_510, %get3A_511] : memref<16384x16xf32, #tpu.memory_space<vmem>>, vector<128x1xf32>
      %convert_element_type3A_513 = arith.fptosi %get3A_512 : vector<128x1xf32> to vector<128x1xi32>
      %add3A_514 = arith.constant 112 : i32
      %add3A_515 = arith.addi %add3A_514, %scan3A_506 : i32
      %get3A_516 = arith.index_cast %arg0 : i32 to index
      %get3A_517 = arith.constant 0 : index
      %get3A_518 = arith.index_cast %add3A_515 : i32 to index
      %get3A_519 = memref.load %arg4[%get3A_516, %get3A_517, %get3A_518] : memref<8x2x128xi32, #tpu.memory_space<smem>>
      %add3A_520 = arith.constant 112 : i32
      %add3A_521 = arith.addi %add3A_520, %scan3A_506 : i32
      %get3A_522 = arith.index_cast %arg0 : i32 to index
      %get3A_523 = arith.constant 1 : index
      %get3A_524 = arith.index_cast %add3A_521 : i32 to index
      %get3A_525 = memref.load %arg4[%get3A_522, %get3A_523, %get3A_524] : memref<8x2x128xi32, #tpu.memory_space<smem>>
      %add3A_526 = arith.constant 1 : i32
      %add3A_527 = arith.addi %get3A_525, %add3A_526 : i32
      %while3A = arith.constant 0 : i32
      %while3A_528 = arith.subi %add3A_527, %get3A_519 : i32
      %while3A_529 = arith.addi %get3A_519, %while3A_528 : i32
      %while3A_530 = arith.constant 1 : i32
      %while3A_531 = arith.divsi %while3A_528, %while3A_530 : i32
      %while3A_532 = arith.muli %while3A_531, %while3A_530 : i32
      %while3A_533 = arith.addi %get3A_519, %while3A_532 : i32
      %while3A_534 = arith.constant 1 : i32
      %while3A_535 = scf.for %while3A_538 = %get3A_519 to %while3A_533 step %while3A_534 iter_args(%while3A_539 = %while3A) -> (i32)  : i32 {
        %eq3A_540 = vector.broadcast %while3A_538 : i32 to vector<128x1xi32>
        %eq3A_541 = arith.cmpi eq, %convert_element_type3A_513, %eq3A_540 : vector<128x1xi32>
        %mul3A_542 = arith.constant 128 : i32
        %mul3A_543 = arith.muli %scan3A_506, %mul3A_542 : i32
        %get3A_544 = arith.index_cast %mul3A_543 : i32 to index
        %get3A_545 = arith.constant 0 : index
        %get3A_546 = vector.load %arg12[%get3A_544, %get3A_545] : memref<2048x896xf32, #tpu.memory_space<vmem>>, vector<128x896xf32>
        %jit3A_547 = arith.constant -1.000000e+30 : f32
        %broadcast_in_dim3A_548 = vector.shape_cast %eq3A_541 : vector<128x1xi1> to vector<128x1xi1>
        %broadcast_in_dim3A_549 = vector.broadcast %broadcast_in_dim3A_548 : vector<128x1xi1> to vector<128x896xi1>
        %broadcast_in_dim3A_550 = vector.broadcast %jit3A_547 : f32 to vector<128x896xf32>
        %select_n3A_551 = arith.select %broadcast_in_dim3A_549, %get3A_546, %broadcast_in_dim3A_550 : vector<128x896xi1>, vector<128x896xf32>
        %reduce_max3A = arith.constant dense<0xFF800000> : vector<896xf32>
        %reduce_max3A_552 = vector.multi_reduction <maximumf>, %select_n3A_551, %reduce_max3A [0] : vector<128x896xf32> to vector<896xf32>
        %broadcast_in_dim3A_553 = vector.shape_cast %reduce_max3A_552 : vector<896xf32> to vector<1x896xf32>
        %get3A_554 = arith.index_cast %while3A_538 : i32 to index
        %get3A_555 = arith.constant 0 : index
        %get3A_556 = vector.load %arg11[%get3A_554, %get3A_555] : memref<100x896xf32, #tpu.memory_space<vmem>>, vector<1x896xf32>
        %max3A_557 = arith.maximumf %get3A_556, %broadcast_in_dim3A_553 : vector<1x896xf32>
        %swap3A_558 = arith.index_cast %while3A_538 : i32 to index
        %swap3A_559 = arith.constant 0 : index
        %swap3A_560 = vector.load %arg11[%swap3A_558, %swap3A_559] : memref<100x896xf32, #tpu.memory_space<vmem>>, vector<1x896xf32>
        tpu.vector_store %arg11[%swap3A_558, %swap3A_559], %max3A_557 {strides = array<i32>} : memref<100x896xf32, #tpu.memory_space<vmem>>, vector<1x896xf32>,
        %while3A_561 = arith.constant 0 : i32
        scf.yield %while3A_561 : i32
      }
      %while3A_536 = arith.constant 1 : i32
      %while3A_537 = scf.for %while3A_538 = %while3A_533 to %while3A_529 step %while3A_536 iter_args(%while3A_539 = %while3A_535) -> (i32)  : i32 {
        %eq3A_540 = vector.broadcast %while3A_538 : i32 to vector<128x1xi32>
        %eq3A_541 = arith.cmpi eq, %convert_element_type3A_513, %eq3A_540 : vector<128x1xi32>
        %mul3A_542 = arith.constant 128 : i32
        %mul3A_543 = arith.muli %scan3A_506, %mul3A_542 : i32
        %get3A_544 = arith.index_cast %mul3A_543 : i32 to index
        %get3A_545 = arith.constant 0 : index
        %get3A_546 = vector.load %arg12[%get3A_544, %get3A_545] : memref<2048x896xf32, #tpu.memory_space<vmem>>, vector<128x896xf32>
        %jit3A_547 = arith.constant -1.000000e+30 : f32
        %broadcast_in_dim3A_548 = vector.shape_cast %eq3A_541 : vector<128x1xi1> to vector<128x1xi1>
        %broadcast_in_dim3A_549 = vector.broadcast %broadcast_in_dim3A_548 : vector<128x1xi1> to vector<128x896xi1>
        %broadcast_in_dim3A_550 = vector.broadcast %jit3A_547 : f32 to vector<128x896xf32>
        %select_n3A_551 = arith.select %broadcast_in_dim3A_549, %get3A_546, %broadcast_in_dim3A_550 : vector<128x896xi1>, vector<128x896xf32>
        %reduce_max3A = arith.constant dense<0xFF800000> : vector<896xf32>
        %reduce_max3A_552 = vector.multi_reduction <maximumf>, %select_n3A_551, %reduce_max3A [0] : vector<128x896xf32> to vector<896xf32>
        %broadcast_in_dim3A_553 = vector.shape_cast %reduce_max3A_552 : vector<896xf32> to vector<1x896xf32>
        %get3A_554 = arith.index_cast %while3A_538 : i32 to index
        %get3A_555 = arith.constant 0 : index
        %get3A_556 = vector.load %arg11[%get3A_554, %get3A_555] : memref<100x896xf32, #tpu.memory_space<vmem>>, vector<1x896xf32>
        %max3A_557 = arith.maximumf %get3A_556, %broadcast_in_dim3A_553 : vector<1x896xf32>
        %swap3A_558 = arith.index_cast %while3A_538 : i32 to index
        %swap3A_559 = arith.constant 0 : index
        %swap3A_560 = vector.load %arg11[%swap3A_558, %swap3A_559] : memref<100x896xf32, #tpu.memory_space<vmem>>, vector<1x896xf32>
        tpu.vector_store %arg11[%swap3A_558, %swap3A_559], %max3A_557 {strides = array<i32>} : memref<100x896xf32, #tpu.memory_space<vmem>>, vector<1x896xf32>,
        %while3A_561 = arith.constant 0 : i32
        scf.yield %while3A_561 : i32
      }
    }
    %scan3A_472 = arith.constant 16 : i32
    %get3A_473 = arith.constant 0 : index
    %get3A_474 = arith.constant 0 : index
    %get3A_475 = vector.load %arg11[%get3A_473, %get3A_474] : memref<100x896xf32, #tpu.memory_space<vmem>>, vector<100x128xf32>
    %max3A_476 = arith.constant 0.000000e+00 : f32
    %max3A_477 = vector.broadcast %max3A_476 : f32 to vector<100x128xf32>
    %max3A_478 = arith.maximumf %get3A_475, %max3A_477 : vector<100x128xf32>
    %get3A_479 = arith.constant 0 : index
    %get3A_480 = arith.constant 128 : index
    %get3A_481 = vector.load %arg11[%get3A_479, %get3A_480] : memref<100x896xf32, #tpu.memory_space<vmem>>, vector<100x768xf32>
    %get3A_482 = arith.constant 0 : index
    %get3A_483 = arith.constant 0 : index
    %get3A_484 = vector.load %arg9[%get3A_482, %get3A_483] : memref<128x768xf32, #tpu.memory_space<vmem>>, vector<128x768xf32>
    %dot_general3A_485 = arith.constant dense<0.000000e+00> : vector<100x768xf32>
    %dot_general3A_486 = tpu.matmul %max3A_478, %get3A_484, %dot_general3A_485 {dimension_numbers = #tpu.dot_dimension_numbers<[1], [0], [0], [1], [0, 0, 1, 1], [], []>, transpose_lhs_hint = false} : vector<100x128xf32>, vector<128x768xf32>, vector<100x768xf32> -> vector<100x768xf32>
    %add3A = arith.addf %get3A_481, %dot_general3A_486 : vector<100x768xf32>
    %max3A_487 = arith.constant 0.000000e+00 : f32
    %max3A_488 = vector.broadcast %max3A_487 : f32 to vector<100x768xf32>
    %max3A_489 = arith.maximumf %add3A, %max3A_488 : vector<100x768xf32>
    %get3A_490 = arith.constant 0 : index
    %get3A_491 = arith.constant 0 : index
    %get3A_492 = arith.constant 0 : index
    %get3A_493 = vector.load %arg3[%get3A_490, %get3A_491, %get3A_492] : memref<1x100x1xf32, #tpu.memory_space<vmem>>, vector<1x100x1xf32>
    %get3A_494 = vector.shape_cast %get3A_493 : vector<1x100x1xf32> to vector<100x1xf32>
    %gt3A = arith.constant 0.000000e+00 : f32
    %gt3A_495 = vector.broadcast %gt3A : f32 to vector<100x1xf32>
    %gt3A_496 = arith.cmpf ogt, %get3A_494, %gt3A_495 : vector<100x1xf32>
    %jit3A = arith.constant 0.000000e+00 : f32
    %broadcast_in_dim3A_497 = vector.shape_cast %gt3A_496 : vector<100x1xi1> to vector<100x1xi1>
    %broadcast_in_dim3A_498 = vector.broadcast %broadcast_in_dim3A_497 : vector<100x1xi1> to vector<100x768xi1>
    %broadcast_in_dim3A_499 = vector.broadcast %jit3A : f32 to vector<100x768xf32>
    %select_n3A = arith.select %broadcast_in_dim3A_498, %max3A_489, %broadcast_in_dim3A_499 : vector<100x768xi1>, vector<100x768xf32>
    %swap3A_500 = arith.constant 0 : index
    %swap3A_501 = arith.constant 0 : index
    %swap3A_502 = arith.constant 0 : index
    %swap3A_503 = vector.load %arg10[%swap3A_500, %swap3A_501, %swap3A_502] : memref<1x100x768xf32, #tpu.memory_space<vmem>>, vector<1x100x768xf32>
    %swap3A_504 = vector.shape_cast %swap3A_503 : vector<1x100x768xf32> to vector<100x768xf32>
    %swap3A_505 = vector.shape_cast %select_n3A : vector<100x768xf32> to vector<1x100x768xf32>
    tpu.vector_store %arg10[%swap3A_500, %swap3A_501, %swap3A_502], %swap3A_505 {strides = array<i32>} : memref<1x100x768xf32, #tpu.memory_space<vmem>>, vector<1x100x768xf32>,
    return
  }
  func.func @transform_0(%arg0: i32) -> (i32, i32) {
    %c0_i32 = arith.constant 0 : i32
    %c0_i32_0 = arith.constant 0 : i32
    return %arg0, %c0_i32 : i32, i32
  }
  func.func @transform_1(%arg0: i32) -> (i32, i32, i32) {
    %c0_i32 = arith.constant 0 : i32
    %c0_i32_0 = arith.constant 0 : i32
    %c0_i32_1 = arith.constant 0 : i32
    return %arg0, %c0_i32, %c0_i32_0 : i32, i32, i32
  }
  func.func @transform_2(%arg0: i32) -> (i32, i32, i32) {
    %c0_i32 = arith.constant 0 : i32
    %c0_i32_0 = arith.constant 0 : i32
    %c0_i32_1 = arith.constant 0 : i32
    return %arg0, %c0_i32, %c0_i32_0 : i32, i32, i32
  }
  func.func @transform_3(%arg0: i32) -> (i32, i32, i32) {
    %c0_i32 = arith.constant 0 : i32
    %c0_i32_0 = arith.constant 0 : i32
    %c0_i32_1 = arith.constant 0 : i32
    %c0_i32_2 = arith.constant 0 : i32
    return %c0_i32, %c0_i32_0, %c0_i32_1 : i32, i32, i32
  }
  func.func @transform_4(%arg0: i32) -> (i32, i32) {
    %c0_i32 = arith.constant 0 : i32
    %c0_i32_0 = arith.constant 0 : i32
    %c0_i32_1 = arith.constant 0 : i32
    return %c0_i32, %c0_i32_0 : i32, i32
  }
  func.func @transform_5(%arg0: i32) -> (i32, i32) {
    %c0_i32 = arith.constant 0 : i32
    %c0_i32_0 = arith.constant 0 : i32
    %c0_i32_1 = arith.constant 0 : i32
    return %c0_i32, %c0_i32_0 : i32, i32
  }
  func.func @transform_6(%arg0: i32) -> (i32, i32) {
    %c0_i32 = arith.constant 0 : i32
    %c0_i32_0 = arith.constant 0 : i32
    %c0_i32_1 = arith.constant 0 : i32
    return %c0_i32, %c0_i32_0 : i32, i32
  }
  func.func @transform_7(%arg0: i32) -> (i32, i32) {
    %c0_i32 = arith.constant 0 : i32
    %c0_i32_0 = arith.constant 0 : i32
    %c0_i32_1 = arith.constant 0 : i32
    return %c0_i32, %c0_i32_0 : i32, i32
  }
  func.func @transform_8(%arg0: i32) -> (i32, i32) {
    %c0_i32 = arith.constant 0 : i32
    %c0_i32_0 = arith.constant 0 : i32
    %c0_i32_1 = arith.constant 0 : i32
    return %c0_i32, %c0_i32_0 : i32, i32
  }
  func.func @transform_9(%arg0: i32) -> (i32, i32, i32) {
    %c0_i32 = arith.constant 0 : i32
    %c0_i32_0 = arith.constant 0 : i32
    %c0_i32_1 = arith.constant 0 : i32
    return %arg0, %c0_i32, %c0_i32_0 : i32, i32, i32
  }
}

module attributes {stable_mosaic.version = 14 : i64} {
  func.func @_bn_body(%arg0: memref<8x100x768xf32, #tpu.memory_space<vmem>>, %arg1: memref<100x1xf32, #tpu.memory_space<vmem>>, %arg2: memref<100x1xf32, #tpu.memory_space<vmem>>, %arg3: memref<8x100x768xf32, #tpu.memory_space<vmem>>) attributes {dimension_semantics = [], scalar_prefetch = 0 : i64, scratch_operands = 0 : i64, tpu.core_type = #tpu.core_type<tc>} {
    %broadcast_in_dim3A = arith.constant 0.000000e+00 : f32
    %broadcast_in_dim3A_0 = vector.broadcast %broadcast_in_dim3A : f32 to vector<100x1xf32>
    %broadcast_in_dim3A_1 = arith.constant 0.000000e+00 : f32
    %broadcast_in_dim3A_2 = vector.broadcast %broadcast_in_dim3A_1 : f32 to vector<100x1xf32>
    %get3A = arith.constant 0 : index
    %get3A_3 = arith.constant 0 : index
    %get3A_4 = arith.constant 0 : index
    %get3A_5 = vector.load %arg0[%get3A, %get3A_3, %get3A_4] : memref<8x100x768xf32, #tpu.memory_space<vmem>>, vector<1x100x768xf32>
    %get3A_6 = vector.shape_cast %get3A_5 : vector<1x100x768xf32> to vector<100x768xf32>
    %reduce_sum3A = arith.constant dense<0.000000e+00> : vector<100xf32>
    %reduce_sum3A_7 = vector.multi_reduction <add>, %get3A_6, %reduce_sum3A [1] : vector<100x768xf32> to vector<100xf32>
    %broadcast_in_dim3A_8 = vector.shape_cast %reduce_sum3A_7 : vector<100xf32> to vector<100x1xf32>
    %add3A = arith.addf %broadcast_in_dim3A_0, %broadcast_in_dim3A_8 : vector<100x1xf32>
    %mul3A = arith.mulf %get3A_6, %get3A_6 : vector<100x768xf32>
    %reduce_sum3A_9 = arith.constant dense<0.000000e+00> : vector<100xf32>
    %reduce_sum3A_10 = vector.multi_reduction <add>, %mul3A, %reduce_sum3A_9 [1] : vector<100x768xf32> to vector<100xf32>
    %broadcast_in_dim3A_11 = vector.shape_cast %reduce_sum3A_10 : vector<100xf32> to vector<100x1xf32>
    %add3A_12 = arith.addf %broadcast_in_dim3A_2, %broadcast_in_dim3A_11 : vector<100x1xf32>
    %get3A_13 = arith.constant 1 : index
    %get3A_14 = arith.constant 0 : index
    %get3A_15 = arith.constant 0 : index
    %get3A_16 = vector.load %arg0[%get3A_13, %get3A_14, %get3A_15] : memref<8x100x768xf32, #tpu.memory_space<vmem>>, vector<1x100x768xf32>
    %get3A_17 = vector.shape_cast %get3A_16 : vector<1x100x768xf32> to vector<100x768xf32>
    %reduce_sum3A_18 = arith.constant dense<0.000000e+00> : vector<100xf32>
    %reduce_sum3A_19 = vector.multi_reduction <add>, %get3A_17, %reduce_sum3A_18 [1] : vector<100x768xf32> to vector<100xf32>
    %broadcast_in_dim3A_20 = vector.shape_cast %reduce_sum3A_19 : vector<100xf32> to vector<100x1xf32>
    %add3A_21 = arith.addf %add3A, %broadcast_in_dim3A_20 : vector<100x1xf32>
    %mul3A_22 = arith.mulf %get3A_17, %get3A_17 : vector<100x768xf32>
    %reduce_sum3A_23 = arith.constant dense<0.000000e+00> : vector<100xf32>
    %reduce_sum3A_24 = vector.multi_reduction <add>, %mul3A_22, %reduce_sum3A_23 [1] : vector<100x768xf32> to vector<100xf32>
    %broadcast_in_dim3A_25 = vector.shape_cast %reduce_sum3A_24 : vector<100xf32> to vector<100x1xf32>
    %add3A_26 = arith.addf %add3A_12, %broadcast_in_dim3A_25 : vector<100x1xf32>
    %get3A_27 = arith.constant 2 : index
    %get3A_28 = arith.constant 0 : index
    %get3A_29 = arith.constant 0 : index
    %get3A_30 = vector.load %arg0[%get3A_27, %get3A_28, %get3A_29] : memref<8x100x768xf32, #tpu.memory_space<vmem>>, vector<1x100x768xf32>
    %get3A_31 = vector.shape_cast %get3A_30 : vector<1x100x768xf32> to vector<100x768xf32>
    %reduce_sum3A_32 = arith.constant dense<0.000000e+00> : vector<100xf32>
    %reduce_sum3A_33 = vector.multi_reduction <add>, %get3A_31, %reduce_sum3A_32 [1] : vector<100x768xf32> to vector<100xf32>
    %broadcast_in_dim3A_34 = vector.shape_cast %reduce_sum3A_33 : vector<100xf32> to vector<100x1xf32>
    %add3A_35 = arith.addf %add3A_21, %broadcast_in_dim3A_34 : vector<100x1xf32>
    %mul3A_36 = arith.mulf %get3A_31, %get3A_31 : vector<100x768xf32>
    %reduce_sum3A_37 = arith.constant dense<0.000000e+00> : vector<100xf32>
    %reduce_sum3A_38 = vector.multi_reduction <add>, %mul3A_36, %reduce_sum3A_37 [1] : vector<100x768xf32> to vector<100xf32>
    %broadcast_in_dim3A_39 = vector.shape_cast %reduce_sum3A_38 : vector<100xf32> to vector<100x1xf32>
    %add3A_40 = arith.addf %add3A_26, %broadcast_in_dim3A_39 : vector<100x1xf32>
    %get3A_41 = arith.constant 3 : index
    %get3A_42 = arith.constant 0 : index
    %get3A_43 = arith.constant 0 : index
    %get3A_44 = vector.load %arg0[%get3A_41, %get3A_42, %get3A_43] : memref<8x100x768xf32, #tpu.memory_space<vmem>>, vector<1x100x768xf32>
    %get3A_45 = vector.shape_cast %get3A_44 : vector<1x100x768xf32> to vector<100x768xf32>
    %reduce_sum3A_46 = arith.constant dense<0.000000e+00> : vector<100xf32>
    %reduce_sum3A_47 = vector.multi_reduction <add>, %get3A_45, %reduce_sum3A_46 [1] : vector<100x768xf32> to vector<100xf32>
    %broadcast_in_dim3A_48 = vector.shape_cast %reduce_sum3A_47 : vector<100xf32> to vector<100x1xf32>
    %add3A_49 = arith.addf %add3A_35, %broadcast_in_dim3A_48 : vector<100x1xf32>
    %mul3A_50 = arith.mulf %get3A_45, %get3A_45 : vector<100x768xf32>
    %reduce_sum3A_51 = arith.constant dense<0.000000e+00> : vector<100xf32>
    %reduce_sum3A_52 = vector.multi_reduction <add>, %mul3A_50, %reduce_sum3A_51 [1] : vector<100x768xf32> to vector<100xf32>
    %broadcast_in_dim3A_53 = vector.shape_cast %reduce_sum3A_52 : vector<100xf32> to vector<100x1xf32>
    %add3A_54 = arith.addf %add3A_40, %broadcast_in_dim3A_53 : vector<100x1xf32>
    %get3A_55 = arith.constant 4 : index
    %get3A_56 = arith.constant 0 : index
    %get3A_57 = arith.constant 0 : index
    %get3A_58 = vector.load %arg0[%get3A_55, %get3A_56, %get3A_57] : memref<8x100x768xf32, #tpu.memory_space<vmem>>, vector<1x100x768xf32>
    %get3A_59 = vector.shape_cast %get3A_58 : vector<1x100x768xf32> to vector<100x768xf32>
    %reduce_sum3A_60 = arith.constant dense<0.000000e+00> : vector<100xf32>
    %reduce_sum3A_61 = vector.multi_reduction <add>, %get3A_59, %reduce_sum3A_60 [1] : vector<100x768xf32> to vector<100xf32>
    %broadcast_in_dim3A_62 = vector.shape_cast %reduce_sum3A_61 : vector<100xf32> to vector<100x1xf32>
    %add3A_63 = arith.addf %add3A_49, %broadcast_in_dim3A_62 : vector<100x1xf32>
    %mul3A_64 = arith.mulf %get3A_59, %get3A_59 : vector<100x768xf32>
    %reduce_sum3A_65 = arith.constant dense<0.000000e+00> : vector<100xf32>
    %reduce_sum3A_66 = vector.multi_reduction <add>, %mul3A_64, %reduce_sum3A_65 [1] : vector<100x768xf32> to vector<100xf32>
    %broadcast_in_dim3A_67 = vector.shape_cast %reduce_sum3A_66 : vector<100xf32> to vector<100x1xf32>
    %add3A_68 = arith.addf %add3A_54, %broadcast_in_dim3A_67 : vector<100x1xf32>
    %get3A_69 = arith.constant 5 : index
    %get3A_70 = arith.constant 0 : index
    %get3A_71 = arith.constant 0 : index
    %get3A_72 = vector.load %arg0[%get3A_69, %get3A_70, %get3A_71] : memref<8x100x768xf32, #tpu.memory_space<vmem>>, vector<1x100x768xf32>
    %get3A_73 = vector.shape_cast %get3A_72 : vector<1x100x768xf32> to vector<100x768xf32>
    %reduce_sum3A_74 = arith.constant dense<0.000000e+00> : vector<100xf32>
    %reduce_sum3A_75 = vector.multi_reduction <add>, %get3A_73, %reduce_sum3A_74 [1] : vector<100x768xf32> to vector<100xf32>
    %broadcast_in_dim3A_76 = vector.shape_cast %reduce_sum3A_75 : vector<100xf32> to vector<100x1xf32>
    %add3A_77 = arith.addf %add3A_63, %broadcast_in_dim3A_76 : vector<100x1xf32>
    %mul3A_78 = arith.mulf %get3A_73, %get3A_73 : vector<100x768xf32>
    %reduce_sum3A_79 = arith.constant dense<0.000000e+00> : vector<100xf32>
    %reduce_sum3A_80 = vector.multi_reduction <add>, %mul3A_78, %reduce_sum3A_79 [1] : vector<100x768xf32> to vector<100xf32>
    %broadcast_in_dim3A_81 = vector.shape_cast %reduce_sum3A_80 : vector<100xf32> to vector<100x1xf32>
    %add3A_82 = arith.addf %add3A_68, %broadcast_in_dim3A_81 : vector<100x1xf32>
    %get3A_83 = arith.constant 6 : index
    %get3A_84 = arith.constant 0 : index
    %get3A_85 = arith.constant 0 : index
    %get3A_86 = vector.load %arg0[%get3A_83, %get3A_84, %get3A_85] : memref<8x100x768xf32, #tpu.memory_space<vmem>>, vector<1x100x768xf32>
    %get3A_87 = vector.shape_cast %get3A_86 : vector<1x100x768xf32> to vector<100x768xf32>
    %reduce_sum3A_88 = arith.constant dense<0.000000e+00> : vector<100xf32>
    %reduce_sum3A_89 = vector.multi_reduction <add>, %get3A_87, %reduce_sum3A_88 [1] : vector<100x768xf32> to vector<100xf32>
    %broadcast_in_dim3A_90 = vector.shape_cast %reduce_sum3A_89 : vector<100xf32> to vector<100x1xf32>
    %add3A_91 = arith.addf %add3A_77, %broadcast_in_dim3A_90 : vector<100x1xf32>
    %mul3A_92 = arith.mulf %get3A_87, %get3A_87 : vector<100x768xf32>
    %reduce_sum3A_93 = arith.constant dense<0.000000e+00> : vector<100xf32>
    %reduce_sum3A_94 = vector.multi_reduction <add>, %mul3A_92, %reduce_sum3A_93 [1] : vector<100x768xf32> to vector<100xf32>
    %broadcast_in_dim3A_95 = vector.shape_cast %reduce_sum3A_94 : vector<100xf32> to vector<100x1xf32>
    %add3A_96 = arith.addf %add3A_82, %broadcast_in_dim3A_95 : vector<100x1xf32>
    %get3A_97 = arith.constant 7 : index
    %get3A_98 = arith.constant 0 : index
    %get3A_99 = arith.constant 0 : index
    %get3A_100 = vector.load %arg0[%get3A_97, %get3A_98, %get3A_99] : memref<8x100x768xf32, #tpu.memory_space<vmem>>, vector<1x100x768xf32>
    %get3A_101 = vector.shape_cast %get3A_100 : vector<1x100x768xf32> to vector<100x768xf32>
    %reduce_sum3A_102 = arith.constant dense<0.000000e+00> : vector<100xf32>
    %reduce_sum3A_103 = vector.multi_reduction <add>, %get3A_101, %reduce_sum3A_102 [1] : vector<100x768xf32> to vector<100xf32>
    %broadcast_in_dim3A_104 = vector.shape_cast %reduce_sum3A_103 : vector<100xf32> to vector<100x1xf32>
    %add3A_105 = arith.addf %add3A_91, %broadcast_in_dim3A_104 : vector<100x1xf32>
    %mul3A_106 = arith.mulf %get3A_101, %get3A_101 : vector<100x768xf32>
    %reduce_sum3A_107 = arith.constant dense<0.000000e+00> : vector<100xf32>
    %reduce_sum3A_108 = vector.multi_reduction <add>, %mul3A_106, %reduce_sum3A_107 [1] : vector<100x768xf32> to vector<100xf32>
    %broadcast_in_dim3A_109 = vector.shape_cast %reduce_sum3A_108 : vector<100xf32> to vector<100x1xf32>
    %add3A_110 = arith.addf %add3A_96, %broadcast_in_dim3A_109 : vector<100x1xf32>
    %div3A = arith.constant 6.144000e+03 : f32
    %div3A_111 = vector.broadcast %div3A : f32 to vector<100x1xf32>
    %div3A_112 = arith.divf %add3A_105, %div3A_111 : vector<100x1xf32>
    %div3A_113 = arith.constant 6.144000e+03 : f32
    %div3A_114 = vector.broadcast %div3A_113 : f32 to vector<100x1xf32>
    %div3A_115 = arith.divf %add3A_110, %div3A_114 : vector<100x1xf32>
    %mul3A_116 = arith.mulf %div3A_112, %div3A_112 : vector<100x1xf32>
    %sub3A = arith.subf %div3A_115, %mul3A_116 : vector<100x1xf32>
    %get3A_117 = arith.constant 0 : index
    %get3A_118 = arith.constant 0 : index
    %get3A_119 = vector.load %arg1[%get3A_117, %get3A_118] : memref<100x1xf32, #tpu.memory_space<vmem>>, vector<100x1xf32>
    %add3A_120 = arith.constant 9.99999974E-6 : f32
    %add3A_121 = vector.broadcast %add3A_120 : f32 to vector<100x1xf32>
    %add3A_122 = arith.addf %sub3A, %add3A_121 : vector<100x1xf32>
    %rsqrt3A = math.rsqrt %add3A_122 : vector<100x1xf32>
    %mul3A_123 = arith.mulf %get3A_119, %rsqrt3A : vector<100x1xf32>
    %get3A_124 = arith.constant 0 : index
    %get3A_125 = arith.constant 0 : index
    %get3A_126 = vector.load %arg2[%get3A_124, %get3A_125] : memref<100x1xf32, #tpu.memory_space<vmem>>, vector<100x1xf32>
    %mul3A_127 = arith.mulf %div3A_112, %mul3A_123 : vector<100x1xf32>
    %sub3A_128 = arith.subf %get3A_126, %mul3A_127 : vector<100x1xf32>
    %get3A_129 = arith.constant 0 : index
    %get3A_130 = arith.constant 0 : index
    %get3A_131 = arith.constant 0 : index
    %get3A_132 = vector.load %arg0[%get3A_129, %get3A_130, %get3A_131] : memref<8x100x768xf32, #tpu.memory_space<vmem>>, vector<1x100x768xf32>
    %get3A_133 = vector.shape_cast %get3A_132 : vector<1x100x768xf32> to vector<100x768xf32>
    %mul3A_134 = vector.broadcast %mul3A_123 : vector<100x1xf32> to vector<100x768xf32>
    %mul3A_135 = arith.mulf %get3A_133, %mul3A_134 : vector<100x768xf32>
    %add3A_136 = vector.broadcast %sub3A_128 : vector<100x1xf32> to vector<100x768xf32>
    %add3A_137 = arith.addf %mul3A_135, %add3A_136 : vector<100x768xf32>
    %swap3A = arith.constant 0 : index
    %swap3A_138 = arith.constant 0 : index
    %swap3A_139 = arith.constant 0 : index
    %swap3A_140 = vector.load %arg3[%swap3A, %swap3A_138, %swap3A_139] : memref<8x100x768xf32, #tpu.memory_space<vmem>>, vector<1x100x768xf32>
    %swap3A_141 = vector.shape_cast %swap3A_140 : vector<1x100x768xf32> to vector<100x768xf32>
    %swap3A_142 = vector.shape_cast %add3A_137 : vector<100x768xf32> to vector<1x100x768xf32>
    tpu.vector_store %arg3[%swap3A, %swap3A_138, %swap3A_139], %swap3A_142 {strides = array<i32>} : memref<8x100x768xf32, #tpu.memory_space<vmem>>, vector<1x100x768xf32>,
    %get3A_143 = arith.constant 1 : index
    %get3A_144 = arith.constant 0 : index
    %get3A_145 = arith.constant 0 : index
    %get3A_146 = vector.load %arg0[%get3A_143, %get3A_144, %get3A_145] : memref<8x100x768xf32, #tpu.memory_space<vmem>>, vector<1x100x768xf32>
    %get3A_147 = vector.shape_cast %get3A_146 : vector<1x100x768xf32> to vector<100x768xf32>
    %mul3A_148 = vector.broadcast %mul3A_123 : vector<100x1xf32> to vector<100x768xf32>
    %mul3A_149 = arith.mulf %get3A_147, %mul3A_148 : vector<100x768xf32>
    %add3A_150 = vector.broadcast %sub3A_128 : vector<100x1xf32> to vector<100x768xf32>
    %add3A_151 = arith.addf %mul3A_149, %add3A_150 : vector<100x768xf32>
    %swap3A_152 = arith.constant 1 : index
    %swap3A_153 = arith.constant 0 : index
    %swap3A_154 = arith.constant 0 : index
    %swap3A_155 = vector.load %arg3[%swap3A_152, %swap3A_153, %swap3A_154] : memref<8x100x768xf32, #tpu.memory_space<vmem>>, vector<1x100x768xf32>
    %swap3A_156 = vector.shape_cast %swap3A_155 : vector<1x100x768xf32> to vector<100x768xf32>
    %swap3A_157 = vector.shape_cast %add3A_151 : vector<100x768xf32> to vector<1x100x768xf32>
    tpu.vector_store %arg3[%swap3A_152, %swap3A_153, %swap3A_154], %swap3A_157 {strides = array<i32>} : memref<8x100x768xf32, #tpu.memory_space<vmem>>, vector<1x100x768xf32>,
    %get3A_158 = arith.constant 2 : index
    %get3A_159 = arith.constant 0 : index
    %get3A_160 = arith.constant 0 : index
    %get3A_161 = vector.load %arg0[%get3A_158, %get3A_159, %get3A_160] : memref<8x100x768xf32, #tpu.memory_space<vmem>>, vector<1x100x768xf32>
    %get3A_162 = vector.shape_cast %get3A_161 : vector<1x100x768xf32> to vector<100x768xf32>
    %mul3A_163 = vector.broadcast %mul3A_123 : vector<100x1xf32> to vector<100x768xf32>
    %mul3A_164 = arith.mulf %get3A_162, %mul3A_163 : vector<100x768xf32>
    %add3A_165 = vector.broadcast %sub3A_128 : vector<100x1xf32> to vector<100x768xf32>
    %add3A_166 = arith.addf %mul3A_164, %add3A_165 : vector<100x768xf32>
    %swap3A_167 = arith.constant 2 : index
    %swap3A_168 = arith.constant 0 : index
    %swap3A_169 = arith.constant 0 : index
    %swap3A_170 = vector.load %arg3[%swap3A_167, %swap3A_168, %swap3A_169] : memref<8x100x768xf32, #tpu.memory_space<vmem>>, vector<1x100x768xf32>
    %swap3A_171 = vector.shape_cast %swap3A_170 : vector<1x100x768xf32> to vector<100x768xf32>
    %swap3A_172 = vector.shape_cast %add3A_166 : vector<100x768xf32> to vector<1x100x768xf32>
    tpu.vector_store %arg3[%swap3A_167, %swap3A_168, %swap3A_169], %swap3A_172 {strides = array<i32>} : memref<8x100x768xf32, #tpu.memory_space<vmem>>, vector<1x100x768xf32>,
    %get3A_173 = arith.constant 3 : index
    %get3A_174 = arith.constant 0 : index
    %get3A_175 = arith.constant 0 : index
    %get3A_176 = vector.load %arg0[%get3A_173, %get3A_174, %get3A_175] : memref<8x100x768xf32, #tpu.memory_space<vmem>>, vector<1x100x768xf32>
    %get3A_177 = vector.shape_cast %get3A_176 : vector<1x100x768xf32> to vector<100x768xf32>
    %mul3A_178 = vector.broadcast %mul3A_123 : vector<100x1xf32> to vector<100x768xf32>
    %mul3A_179 = arith.mulf %get3A_177, %mul3A_178 : vector<100x768xf32>
    %add3A_180 = vector.broadcast %sub3A_128 : vector<100x1xf32> to vector<100x768xf32>
    %add3A_181 = arith.addf %mul3A_179, %add3A_180 : vector<100x768xf32>
    %swap3A_182 = arith.constant 3 : index
    %swap3A_183 = arith.constant 0 : index
    %swap3A_184 = arith.constant 0 : index
    %swap3A_185 = vector.load %arg3[%swap3A_182, %swap3A_183, %swap3A_184] : memref<8x100x768xf32, #tpu.memory_space<vmem>>, vector<1x100x768xf32>
    %swap3A_186 = vector.shape_cast %swap3A_185 : vector<1x100x768xf32> to vector<100x768xf32>
    %swap3A_187 = vector.shape_cast %add3A_181 : vector<100x768xf32> to vector<1x100x768xf32>
    tpu.vector_store %arg3[%swap3A_182, %swap3A_183, %swap3A_184], %swap3A_187 {strides = array<i32>} : memref<8x100x768xf32, #tpu.memory_space<vmem>>, vector<1x100x768xf32>,
    %get3A_188 = arith.constant 4 : index
    %get3A_189 = arith.constant 0 : index
    %get3A_190 = arith.constant 0 : index
    %get3A_191 = vector.load %arg0[%get3A_188, %get3A_189, %get3A_190] : memref<8x100x768xf32, #tpu.memory_space<vmem>>, vector<1x100x768xf32>
    %get3A_192 = vector.shape_cast %get3A_191 : vector<1x100x768xf32> to vector<100x768xf32>
    %mul3A_193 = vector.broadcast %mul3A_123 : vector<100x1xf32> to vector<100x768xf32>
    %mul3A_194 = arith.mulf %get3A_192, %mul3A_193 : vector<100x768xf32>
    %add3A_195 = vector.broadcast %sub3A_128 : vector<100x1xf32> to vector<100x768xf32>
    %add3A_196 = arith.addf %mul3A_194, %add3A_195 : vector<100x768xf32>
    %swap3A_197 = arith.constant 4 : index
    %swap3A_198 = arith.constant 0 : index
    %swap3A_199 = arith.constant 0 : index
    %swap3A_200 = vector.load %arg3[%swap3A_197, %swap3A_198, %swap3A_199] : memref<8x100x768xf32, #tpu.memory_space<vmem>>, vector<1x100x768xf32>
    %swap3A_201 = vector.shape_cast %swap3A_200 : vector<1x100x768xf32> to vector<100x768xf32>
    %swap3A_202 = vector.shape_cast %add3A_196 : vector<100x768xf32> to vector<1x100x768xf32>
    tpu.vector_store %arg3[%swap3A_197, %swap3A_198, %swap3A_199], %swap3A_202 {strides = array<i32>} : memref<8x100x768xf32, #tpu.memory_space<vmem>>, vector<1x100x768xf32>,
    %get3A_203 = arith.constant 5 : index
    %get3A_204 = arith.constant 0 : index
    %get3A_205 = arith.constant 0 : index
    %get3A_206 = vector.load %arg0[%get3A_203, %get3A_204, %get3A_205] : memref<8x100x768xf32, #tpu.memory_space<vmem>>, vector<1x100x768xf32>
    %get3A_207 = vector.shape_cast %get3A_206 : vector<1x100x768xf32> to vector<100x768xf32>
    %mul3A_208 = vector.broadcast %mul3A_123 : vector<100x1xf32> to vector<100x768xf32>
    %mul3A_209 = arith.mulf %get3A_207, %mul3A_208 : vector<100x768xf32>
    %add3A_210 = vector.broadcast %sub3A_128 : vector<100x1xf32> to vector<100x768xf32>
    %add3A_211 = arith.addf %mul3A_209, %add3A_210 : vector<100x768xf32>
    %swap3A_212 = arith.constant 5 : index
    %swap3A_213 = arith.constant 0 : index
    %swap3A_214 = arith.constant 0 : index
    %swap3A_215 = vector.load %arg3[%swap3A_212, %swap3A_213, %swap3A_214] : memref<8x100x768xf32, #tpu.memory_space<vmem>>, vector<1x100x768xf32>
    %swap3A_216 = vector.shape_cast %swap3A_215 : vector<1x100x768xf32> to vector<100x768xf32>
    %swap3A_217 = vector.shape_cast %add3A_211 : vector<100x768xf32> to vector<1x100x768xf32>
    tpu.vector_store %arg3[%swap3A_212, %swap3A_213, %swap3A_214], %swap3A_217 {strides = array<i32>} : memref<8x100x768xf32, #tpu.memory_space<vmem>>, vector<1x100x768xf32>,
    %get3A_218 = arith.constant 6 : index
    %get3A_219 = arith.constant 0 : index
    %get3A_220 = arith.constant 0 : index
    %get3A_221 = vector.load %arg0[%get3A_218, %get3A_219, %get3A_220] : memref<8x100x768xf32, #tpu.memory_space<vmem>>, vector<1x100x768xf32>
    %get3A_222 = vector.shape_cast %get3A_221 : vector<1x100x768xf32> to vector<100x768xf32>
    %mul3A_223 = vector.broadcast %mul3A_123 : vector<100x1xf32> to vector<100x768xf32>
    %mul3A_224 = arith.mulf %get3A_222, %mul3A_223 : vector<100x768xf32>
    %add3A_225 = vector.broadcast %sub3A_128 : vector<100x1xf32> to vector<100x768xf32>
    %add3A_226 = arith.addf %mul3A_224, %add3A_225 : vector<100x768xf32>
    %swap3A_227 = arith.constant 6 : index
    %swap3A_228 = arith.constant 0 : index
    %swap3A_229 = arith.constant 0 : index
    %swap3A_230 = vector.load %arg3[%swap3A_227, %swap3A_228, %swap3A_229] : memref<8x100x768xf32, #tpu.memory_space<vmem>>, vector<1x100x768xf32>
    %swap3A_231 = vector.shape_cast %swap3A_230 : vector<1x100x768xf32> to vector<100x768xf32>
    %swap3A_232 = vector.shape_cast %add3A_226 : vector<100x768xf32> to vector<1x100x768xf32>
    tpu.vector_store %arg3[%swap3A_227, %swap3A_228, %swap3A_229], %swap3A_232 {strides = array<i32>} : memref<8x100x768xf32, #tpu.memory_space<vmem>>, vector<1x100x768xf32>,
    %get3A_233 = arith.constant 7 : index
    %get3A_234 = arith.constant 0 : index
    %get3A_235 = arith.constant 0 : index
    %get3A_236 = vector.load %arg0[%get3A_233, %get3A_234, %get3A_235] : memref<8x100x768xf32, #tpu.memory_space<vmem>>, vector<1x100x768xf32>
    %get3A_237 = vector.shape_cast %get3A_236 : vector<1x100x768xf32> to vector<100x768xf32>
    %mul3A_238 = vector.broadcast %mul3A_123 : vector<100x1xf32> to vector<100x768xf32>
    %mul3A_239 = arith.mulf %get3A_237, %mul3A_238 : vector<100x768xf32>
    %add3A_240 = vector.broadcast %sub3A_128 : vector<100x1xf32> to vector<100x768xf32>
    %add3A_241 = arith.addf %mul3A_239, %add3A_240 : vector<100x768xf32>
    %swap3A_242 = arith.constant 7 : index
    %swap3A_243 = arith.constant 0 : index
    %swap3A_244 = arith.constant 0 : index
    %swap3A_245 = vector.load %arg3[%swap3A_242, %swap3A_243, %swap3A_244] : memref<8x100x768xf32, #tpu.memory_space<vmem>>, vector<1x100x768xf32>
    %swap3A_246 = vector.shape_cast %swap3A_245 : vector<1x100x768xf32> to vector<100x768xf32>
    %swap3A_247 = vector.shape_cast %add3A_241 : vector<100x768xf32> to vector<1x100x768xf32>
    tpu.vector_store %arg3[%swap3A_242, %swap3A_243, %swap3A_244], %swap3A_247 {strides = array<i32>} : memref<8x100x768xf32, #tpu.memory_space<vmem>>, vector<1x100x768xf32>,
    return
  }
}

</mosaic_0001>

<sc_bundles>
// kernel: kernel.7.cloned.1.call-start
scs
__scs_entry_jumppad:
0x0: {  	(pc) =	sbr.rel $0x88, $3  }
0x1: {  	(tag) =	ssettag $0x0;
	lr =	simm.s32 $0x1  }
0x2: {  	[smem:$0x3F9A] =	sst lr;
	_ =	strace $0xD0000000  }
0x3: {  	_ = 	snop  }
0x4: {  	_ = 	snop  }
0x5: {  	_ = 	snop  }
0x6: {  	_ = 	snop  }
0x7: {  	_ = 	snop  }
__scs_overlays_trampoline_lowered:
0x8: {  	[smem:$0x3FA9] =	sst s0  }
0x9: {  	[smem:$0x3FAA] =	sst s1  }
0xa: {  	[smem:$0x3FAB] =	sst s2  }
0xb: {  	[smem:$0x3FAC] =	sst s3  }
0xc: {  	[smem:$0x3FAD] =	sst s4  }
0xd: {  	[smem:$0x3FAE] =	sst s5  }
0xe: {  	[smem:$0x3FAF] =	sst s6  }
0xf: {  	[smem:$0x3FB0] =	sst s7  }
0x10: {  	[smem:$0x3FB1] =	sst s8  }
0x11: {  	[smem:$0x3FB2] =	sst s9;
	s0 =	simm.s32 @!p0 $0x0  }
0x12: {  	s1 =	sld [smem:$0x3F98];
	s0 =	simm.s32 @p0 $0x1  }
0x13: {  	[smem:$0x3FB3] =	sst s0;
	s0 =	simm.s32 @!p1 $0x0  }
0x14: {  	s2 =	sld [smem:$0x3F97];
	s0 =	simm.s32 @p1 $0x1  }
0x15: {  	[smem:$0x3FB4] =	sst s0;
	s0 =	simm.s32 @!p2 $0x0  }
0x16: {  	s3 =	sld [smem:$0x3FDB];
	s0 =	simm.s32 @p2 $0x1  }
0x17: {  	s4 =	simm.s32 $0x1BF5;
	[smem:$0x3FB6] =	sst s0  }
0x18: {  	s0 =	sld [smem:$0x3F99];
	_ =	swait.ge [sflag:s4], $0x0  }
0x19: {  	s7 =	sld [smem:$0x3F9A]  }
0x1a: {  	s8 =	sadd.s32 $0xFFFFE003, lr  }
0x1b: {  	s9 =	sadd.s32 $0xFFFFFEF7, lr;
	s5 =	simm.s32 $0xFFFFFFFF;
	p2 =	slt.u32 s8, $0xFFFFF086  }
0x1c: {  	p1 =	slt.u32 s9, $0xF7A;
	s5 =	simm.s32 @!p2 $0x0  }
0x1d: {  	s5 =	simm.s32 @p1 $0x1;
	p0 =	seq.s32 s7, s2  }
0x1e: {  	s7 =	smul.u32 @!p0 $0xF7A, s2;
	p2 =	seq.s32 @!p0 s5, $0x0  }
0x1f: {  	s9 =	smul.u32 $0xF7A, s1;
	s8 =	simm.s32 @!p0 $0x1BF5;
	p2 =	por !p2, p0  }
0x20: {  	[sflag:s8] =	ssyncset.s32 @!p0 $0xFFFFF086;
	s6 =	sadd.s32 @!p0 s3, s7;
	s7 =	simm.s32 @!p0 $0x108  }
0x21: {  	s3 =	sadd.s32 s3, s9;
	s6 =	sadd.s32 @!p0 $0x88, s6;
	s7 =	simm.s32 @p2 $0x1082  }
0x22: {  	[simem:s7], [sflag:s8] =	dma.local @!p0 [hbm:s6], $0xF7A  }
0x23: {  	s9 =	sor.u32 $0xD0000000, s2;
	s6 =	simm.s32 $0x108;
	_ =	swait.ge @!p0 [sflag:s8], $0x0  }
0x24: {  	s3 =	sadd.s32 $0x88, s3;
	s6 =	simm.s32 @!p1 $0x1082;
	[sflag:s4] =	ssyncset.s32 $0xFFFFF086  }
0x25: {  	[simem:s6], [sflag:s4] =	dma.local [hbm:s3], $0xF7A  }
0x26: {  	[smem:$0x3F9A] =	sst s1;
	(tag) =	ssettag s2;
	_ =	strace s9  }
0x27: {  	s1 =	sld [smem:$0x3FAA]  }
0x28: {  	s2 =	sld [smem:$0x3FAB]  }
0x29: {  	s4 =	sld [smem:$0x3FAD]  }
0x2a: {  	p0 =	seq.s32 s5, $0x0;
	s5 =	sld [smem:$0x3FAE]  }
0x2b: {  	s6 =	sld [smem:$0x3FAF]  }
0x2c: {  	s7 =	sld [smem:$0x3FB0]  }
0x2d: {  	s3 =	simm.s32 $0x108;
	s8 =	sld [smem:$0x3FB1]  }
0x2e: {  	s3 =	simm.s32 @!p0 $0x1082;
	s9 =	sld [smem:$0x3FB2]  }
0x2f: {  	lr =	sadd.s32 s0, s3;
	s0 =	sld [smem:$0x3FA9]  }
0x30: {  	s3 =	sld [smem:$0x3FAC]  }
0x31: {  	[smem:$0x3FB5] =	sst s10  }
0x32: {  	s10 =	sld [smem:$0x3FB3];
	_ =	sdelay $0x3  }
0x33: {  	p0 =	seq.s32 s10, $0x1;
	s10 =	sld [smem:$0x3FB5];
	_ =	sdelay $0x3  }
0x34: {  	[smem:$0x3FB5] =	sst s10  }
0x35: {  	s10 =	sld [smem:$0x3FB4];
	_ =	sdelay $0x3  }
0x36: {  	p1 =	seq.s32 s10, $0x1;
	s10 =	sld [smem:$0x3FB5];
	_ =	sdelay $0x3  }
0x37: {  	[smem:$0x3FB5] =	sst s10  }
0x38: {  	s10 =	sld [smem:$0x3FB6]  }
0x39: {  	_ = 	snop;
	(pc) =	sbr.ind lr, $3  }
0x3a: {  	_ = 	snop  }
0x3b: {  	_ = 	snop  }
0x3c: {  	p2 =	seq.s32 s10, $0x1;
	s10 =	sld [smem:$0x3FB5]  }
0x3d: {  	_ =	shalt  }
0x3e: {  	_ =	shalt  }
0x3f: {  	_ =	shalt  }
0x40: {  	_ =	shalt  }
0x41: {  	_ =	shalt  }
0x42: {  	_ =	shalt  }
0x43: {  	_ =	shalt  }
0x44: {  	_ =	shalt  }
0x45: {  	_ =	shalt  }
0x46: {  	_ =	shalt  }
0x47: {  	_ =	shalt  }
0x48: {  	_ =	shalt  }
0x49: {  	_ =	shalt  }
0x4a: {  	_ =	shalt  }
0x4b: {  	_ =	shalt  }
0x4c: {  	_ =	shalt  }
0x4d: {  	_ =	shalt  }
0x4e: {  	_ =	shalt  }
0x4f: {  	_ =	shalt  }
0x50: {  	_ =	shalt  }
0x51: {  	_ =	shalt  }
0x52: {  	_ =	shalt  }
0x53: {  	_ =	shalt  }
0x54: {  	_ =	shalt  }
0x55: {  	_ =	shalt  }
0x56: {  	_ =	shalt  }
0x57: {  	_ =	shalt  }
0x58: {  	_ =	shalt  }
0x59: {  	_ =	shalt  }
0x5a: {  	_ =	shalt  }
0x5b: {  	_ =	shalt  }
0x5c: {  	_ =	shalt  }
0x5d: {  	_ =	shalt  }
0x5e: {  	_ =	shalt  }
0x5f: {  	_ =	shalt  }
0x60: {  	_ =	shalt  }
0x61: {  	_ =	shalt  }
0x62: {  	_ =	shalt  }
0x63: {  	_ =	shalt  }
0x64: {  	_ =	shalt  }
0x65: {  	_ =	shalt  }
0x66: {  	_ =	shalt  }
0x67: {  	_ =	shalt  }
0x68: {  	_ =	shalt  }
0x69: {  	_ =	shalt  }
0x6a: {  	_ =	shalt  }
0x6b: {  	_ =	shalt  }
0x6c: {  	_ =	shalt  }
0x6d: {  	_ =	shalt  }
0x6e: {  	_ =	shalt  }
0x6f: {  	_ =	shalt  }
0x70: {  	_ =	shalt  }
0x71: {  	_ =	shalt  }
0x72: {  	_ =	shalt  }
0x73: {  	_ =	shalt  }
0x74: {  	_ =	shalt  }
0x75: {  	_ =	shalt  }
0x76: {  	_ =	shalt  }
0x77: {  	_ =	shalt  }
0x78: {  	_ =	shalt  }
0x79: {  	_ =	shalt  }
0x7a: {  	_ =	shalt  }
0x7b: {  	_ =	shalt  }
0x7c: {  	_ =	shalt  }
0x7d: {  	_ =	shalt  }
0x7e: {  	_ =	shalt  }
0x7f: {  	_ =	shalt  }
0x80: {  	_ =	shalt  }
0x81: {  	_ =	shalt  }
0x82: {  	_ =	shalt  }
0x83: {  	_ =	shalt  }
0x84: {  	_ =	shalt  }
0x85: {  	_ =	shalt  }
0x86: {  	_ =	shalt  }
0x87: {  	_ =	shalt  }
.Lfunc_end0:
.L_simem_size_0:
called_computation_lowered:
.L_overlay_start_0:
0x88: {  	s2 =	sld [smem:$0x3FD9]  }
0x89: {  	s3 =	sld [smem:$0x3FFE];
	_ =	sdelay $0x1  }
0x8a: {  	s1 =	srdreg.scid  }
0x8b: {  	s0 =	sand.u32 $0x1, s1  }
0x8c: {  	s17 =	sshll.u32 s0, $0xA;
	s2 =	sadd.s32 s3, s2  }
0x8d: {  	s2 =	sadd.s32 s2, s17  }
0x8e: {  	[smem:$0x3FC1] =	sst s2  }
0x8f: {  	_ = 	snop  }
0x90: {  	s2 =	sld [smem:$0x3FD0];
	(tm) =	ssettm $0x1  }
0x91: {  	s18 =	sld [smem:$0x3FFB];
	_ =	sdelay $0x3  }
0x92: {  	_ =	strace s18  }
0x93: {  	s3 =	sld [smem:$0x3FFC];
	_ =	sdelay $0x3  }
0x94: {  	_ =	strace s3  }
0x95: {  	s3 =	sld [smem:$0x3FFD];
	_ =	sdelay $0x3  }
0x96: {  	_ =	strace s3  }
0x97: {  	_ =	strace $0x8FFFFFFF  }
0x98: {  	s19 =	sld [smem:$0x3FDB];
	_ =	sdelay $0x1  }
0x99: {  	s4 =	simm.s32 $_scs_section_size  }
0x9a: {  	s5 =	simm.s32 $_size__tile_overlayer_lowered;
	s6 =	simm.s32 $_tile_overlayer_lowered  }
0x9b: {  	s22 =	simm.s32 $0x1BFF;
	s21 =	sshll.u32 s6, $0x1;
	s3 =	sadd.s32 s4, s19  }
0x9c: {  	s7 =	simm.s32 $0x0;
	s20 =	sshll.u32 s5, $0x1;
	s5 =	sadd.s32 s21, s3  }
0x9d: {  	[timem:s7], [sflag:s22] =	dma.local [hbm:s5], s20  }
0x9e: {  	_ =	swait.ge [sflag:s22], s20  }
0x9f: {  	s4 =	ssub.s32 $0x0, s20;
	[sflag:s22] =	ssyncset.done $0x0  }
0xa0: {  	[sflag:s22] =	ssyncadd.s32 s4;
	_ =	sdelay $0x1  }
0xa1: {  	s23 =	simm.s32 $0x1B8B  }
0xa2: {  	_ =	swait.ge [sflag:s23], $0x1  }
0xa3: {  	[sflag:s23] =	ssyncset.done $0x0  }
0xa4: {  	s25 =	simm.s32 $0x1B8E;
	s24 =	sld [smem:$0x3FFE];
	[sflag:s23] =	ssyncadd.s32 $0xFFFFFFFF  }
0xa5: {  	s26 =	simm.s32 $execute0_lowered;
	[smem:$0x3FD2] =	sst s25  }
0xa6: {  	s5 =	sshll.u32 s26, $0x1;
	_ =	strace $0x80000046;
	[dreg:$0x1] =	wrdreg $0xFFFFFFFF  }
0xa7: {  	s28 =	simm.s32 $_size_execute0_lowered;
	s3 =	sadd.s32 s3, s5;
	[dreg:$0x0] =	wrdreg $0x0  }
0xa8: {  	s5 =	sshll.u32 s28, $0x1;
	[dreg:$0x2] =	wrdreg s3  }
0xa9: {  	[dreg:$0x3] =	wrdreg s5  }
0xaa: {  	[dreg:$0x4] =	wrdreg $0xC0  }
0xab: {  	_ =	task [dreg:s7], $0x5FFFF  }
0xac: {  	[dreg:$0x1] =	wrdreg $0xFFFFFFFF  }
0xad: {  	[dreg:$0x0] =	wrdreg $0x60  }
0xae: {  	[dreg:$0x2] =	wrdreg s24  }
0xaf: {  	[dreg:$0x3] =	wrdreg s2  }
0xb0: {  	[dreg:$0x4] =	wrdreg $0x9  }
0xb1: {  	_ =	task.clear_ibuf [dreg:s7], $0x5FFFF;
	_ =	strace $0x90000046  }
0xb2: {  	s29 =	simm.s32 $0x9;
	_ =	strace $0x80000048  }
0xb3: {  	_ =	swait.ge [sflag:s29], $0x1  }
0xb4: {  	[sflag:s29] =	ssyncadd.s32 $0xFFFFFFFF  }
0xb5: {  	_ =	strace $0x90000048  }
0xb6: {  	_ =	sfence  }
0xb7: {  	s30 =	sld [smem:$0x0];
	_ =	sdelay $0x2  }
0xb8: {  	s31 =	sshll.u32 s1, $0xD;
	s1 =	sshrl.u32 s1, $0x2  }
0xb9: {  	s3 =	sand.u32 $0x4000, s31;
	s1 =	sadd.s32 s1, s30  }
0xba: {  	s0 =	sor.u32 s3, s0;
	s1 =	sshll.u32 s1, $0x11  }
0xbb: {  	s0 =	sor.u32 s1, s0  }
0xbc: {  	s0 =	sadd.s32 $0x8F2B, s0  }
0xbd: {  	[sflag:s0] =	ssyncadd.remote.s32 $0x1  }
0xbe: {  	_ =	sfence.sel $0xFFFF  }
0xbf: {  	[dreg:$0x0] =	wrdreg $0xFFFFFFFF;
	(pc) =	sbr.abs _section_cstart, $3  }
0xc0: {  	[dreg:$0x1] =	wrdreg $0xFFFFFFFF  }
0xc1: {  	_ =	task.clear_ibuf [dreg:s7], $0x2FFFF;
	_ =	strace $0x9FFFFFFF  }
0xc2: {  	(tm) =	ssettm $0x7FFFFFFF  }
0xc3: {  	_ =	shalt  }
tec
execute0_lowered:
.L_overlay_start_1:
0x0: {  	(tag) =	ssettag $0x1  }
0x1: {  	s1 =	rddreg [dreg:$0x0]  }
0x2: {  	s0 =	srdreg.scid;
	s3 =	rddreg [dreg:$0x1];
	s4 =	simm.s32 $0x0  }
0x3: {  	s2 =	stileid.u32;
	s11 =	simm.s32 $0x800;
	[smem:$0x7FF] =	sst s4  }
0x4: {  	s12 =	simm.s32 $0x1000;
	_ =	strace $0x80000047;
	[dreg:$0x7] =	wrdreg s11  }
0x5: {  	s14 =	simm.s32 $0x1800;
	s15 =	simm.s32 $0x2000;
	[dreg:$0x8] =	wrdreg s12  }
0x6: {  	s16 =	simm.s32 $0x2800;
	s17 =	simm.s32 $0x3000;
	[dreg:$0x9] =	wrdreg s14  }
0x7: {  	s18 =	simm.s32 $0x3800;
	s19 =	simm.s32 $0x4000;
	[dreg:$0xa] =	wrdreg s15  }
0x8: {  	s20 =	simm.s32 $0x4800;
	s21 =	simm.s32 $0x5000;
	[dreg:$0xb] =	wrdreg s16  }
0x9: {  	s22 =	simm.s32 $0x5800;
	s9 =	simm.s32 $0x10200;
	[dreg:$0xc] =	wrdreg s17  }
0xa: {  	s23 =	simm.s32 $0x6000;
	s8 =	simm.s32 $0x10280;
	[dreg:$0xd] =	wrdreg s18  }
0xb: {  	s24 =	simm.s32 $0x6800;
	s7 =	simm.s32 $0x10300;
	[dreg:$0xe] =	wrdreg s19  }
0xc: {  	s25 =	simm.s32 $0x7000;
	s6 =	simm.s32 $0x10380;
	[dreg:$0xf] =	wrdreg s20  }
0xd: {  	s26 =	simm.s32 $0x7800;
	s30 =	simm.s32 $0x8000;
	[dreg:$0x10] =	wrdreg s21  }
0xe: {  	s29 =	simm.s32 $0x8800;
	s28 =	simm.s32 $0x9000;
	[dreg:$0x11] =	wrdreg s22  }
0xf: {  	s0 =	sand.u32 $0x1, s0;
	s2 =	sshll.u32 s2, $0x1;
	[dreg:$0x12] =	wrdreg s23  }
0x10: {  	p0 =	por $0x0, $0x0;
	s2 =	sor.u32 s0, s2;
	[dreg:$0x13] =	wrdreg s24  }
0x11: {  	s0 =	ssub.s32 $0x2, s0;
	s12 =	simm.s32 $0x10100;
	[dreg:$0x14] =	wrdreg s25  }
0x12: {  	s11 =	simm.s32 $0x10180;
	[dreg:$0x15] =	wrdreg s26;
	s26 =	simm.s32 $0x9800  }
0x13: {  	s25 =	simm.s32 $0xA000;
	s24 =	simm.s32 $0xA800;
	s23 =	simm.s32 $0xB000  }
0x14: {  	s22 =	simm.s32 $0xB800;
	s21 =	simm.s32 $0xC000;
	s19 =	simm.s32 $0xC800  }
0x15: {  	s20 =	simm.s32 $0xD000;
	s18 =	simm.s32 $0xD800;
	s17 =	simm.s32 $0xE000  }
0x16: {  	s16 =	simm.s32 $0xE800;
	s15 =	simm.s32 $0xF000;
	s13 =	sshrl.u32 s0, $0x1  }
0x17: {  	s14 =	simm.s32 $0xF800;
	s5 =	sshll.u32 s2, $0xD;
	s0 =	ssub.s32 s0, s13  }
0x18: {  	s2 =	sshll.u32 s2, $0x9;
	s5 =	sadd.s32 s5, s1;
	s0 =	smax.u32 s0, $0x1  }
0x19: {  	s31 =	sadd.s32 s3, s2;
	s5 =	sadd.s32 $0x1600, s5;
	p1 =	sne.s32 s0, $0x1  }
.Ltmp0:
0x1a: {  	s2 =	sadd.s32 $0x80, s31;
	[dreg:$0x3] =	wrdreg s5;
	(pc) =	sbr.rel @!p1 .LBB2_3-.Ltmp0, $4  }
0x1b: {  	s13 =	simm.s32 $0x10080;
	s10 =	sadd.s32 $0x100, s31;
	[dreg:$0x4] =	wrdreg s2  }
0x1c: {  	s3 =	sadd.s32 $0x180, s31;
	[dreg:$0x5] =	wrdreg s10;
	s2 =	sadd.s32 $0x41600, s1  }
0x1d: {  	[dreg:$0x6] =	wrdreg s3;
	s3 =	simm.s32 $0x1;
	s10 =	simm.s32 $0x10000  }
0x1e: {  	s5 =	simm.s32 $0x80;
	s1 =	sadd.s32 $0xFFFFFFFF, s0;
	s0 =	rddreg [dreg:$0x3]  }
0x1f: {  	[tilespmem:s4], [sflag:$0x1] =	stream.linear.gather [hbm4b:s0+s4], $0x10000, $0x38;
	[tilespmem:$0x10400] =	vst v63  }
0x20: {  	_ =	swait.ge [sflag:s3], $0x10000  }
0x21: {  	[sflag:s3] =	ssyncset.done $0x0  }
0x22: {  	[sflag:s3] =	ssyncadd.s32 $0xFFFF0000  }
0x23: {  	[tilespmem:s10], [sflag:$0x1] =	stream.linear.gather [hbm4b:s31+s4], $0x400, $0x38;
	[tilespmem:$0x10400] =	vst v63  }
0x24: {  	_ =	swait.ge [sflag:s3], $0x400  }
0x25: {  	[sflag:s3] =	ssyncset.done $0x0  }
0x26: {  	[sflag:s3] =	ssyncadd.s32 $0xFFFFFC00  }
0x27: {  	[hbm4b:s2+s5] =	stream.indirect.scatter [tilespmem:s4], [sflag:$0x1], $0x10, s10, s5, $0xb8;
	[tilespmem:$0x10400] =	vst v63  }
0x28: {  	_ =	swait.ge [sflag:s3], $0x800  }
0x29: {  	[sflag:s3] =	ssyncset.done $0x0  }
0x2a: {  	s0 =	rddreg [dreg:$0x7];
	[sflag:s3] =	ssyncadd.s32 $0xFFFFF800  }
0x2b: {  	[hbm4b:s2+s5] =	stream.indirect.scatter [tilespmem:s0], [sflag:$0x1], $0x10, s13, s5, $0xb8;
	[tilespmem:$0x10400] =	vst v63  }
0x2c: {  	_ =	swait.ge [sflag:s3], $0x800  }
0x2d: {  	[sflag:s3] =	ssyncset.done $0x0  }
0x2e: {  	s0 =	rddreg [dreg:$0x8];
	[sflag:s3] =	ssyncadd.s32 $0xFFFFF800  }
0x2f: {  	[hbm4b:s2+s5] =	stream.indirect.scatter [tilespmem:s0], [sflag:$0x1], $0x10, s12, s5, $0xb8;
	[tilespmem:$0x10400] =	vst v63  }
0x30: {  	_ =	swait.ge [sflag:s3], $0x800  }
0x31: {  	[sflag:s3] =	ssyncset.done $0x0  }
0x32: {  	s0 =	rddreg [dreg:$0x9];
	[sflag:s3] =	ssyncadd.s32 $0xFFFFF800  }
0x33: {  	[hbm4b:s2+s5] =	stream.indirect.scatter [tilespmem:s0], [sflag:$0x1], $0x10, s11, s5, $0xb8;
	[tilespmem:$0x10400] =	vst v63  }
0x34: {  	_ =	swait.ge [sflag:s3], $0x800  }
0x35: {  	[sflag:s3] =	ssyncset.done $0x0  }
0x36: {  	s0 =	rddreg [dreg:$0xa];
	[sflag:s3] =	ssyncadd.s32 $0xFFFFF800  }
0x37: {  	[hbm4b:s2+s5] =	stream.indirect.scatter [tilespmem:s0], [sflag:$0x1], $0x10, s9, s5, $0xb8;
	[tilespmem:$0x10400] =	vst v63  }
0x38: {  	_ =	swait.ge [sflag:s3], $0x800  }
0x39: {  	[sflag:s3] =	ssyncset.done $0x0  }
0x3a: {  	s0 =	rddreg [dreg:$0xb];
	[sflag:s3] =	ssyncadd.s32 $0xFFFFF800  }
0x3b: {  	[hbm4b:s2+s5] =	stream.indirect.scatter [tilespmem:s0], [sflag:$0x1], $0x10, s8, s5, $0xb8;
	[tilespmem:$0x10400] =	vst v63  }
0x3c: {  	_ =	swait.ge [sflag:s3], $0x800  }
0x3d: {  	[sflag:s3] =	ssyncset.done $0x0  }
0x3e: {  	s0 =	rddreg [dreg:$0xc];
	[sflag:s3] =	ssyncadd.s32 $0xFFFFF800  }
0x3f: {  	[hbm4b:s2+s5] =	stream.indirect.scatter [tilespmem:s0], [sflag:$0x1], $0x10, s7, s5, $0xb8;
	[tilespmem:$0x10400] =	vst v63  }
0x40: {  	_ =	swait.ge [sflag:s3], $0x800  }
0x41: {  	[sflag:s3] =	ssyncset.done $0x0  }
0x42: {  	s0 =	rddreg [dreg:$0xd];
	[sflag:s3] =	ssyncadd.s32 $0xFFFFF800  }
0x43: {  	[hbm4b:s2+s5] =	stream.indirect.scatter [tilespmem:s0], [sflag:$0x1], $0x10, s6, s5, $0xb8;
	[tilespmem:$0x10400] =	vst v63  }
0x44: {  	_ =	swait.ge [sflag:s3], $0x800  }
0x45: {  	[sflag:s3] =	ssyncset.done $0x0  }
0x46: {  	s0 =	rddreg [dreg:$0x4];
	[sflag:s3] =	ssyncadd.s32 $0xFFFFF800  }
0x47: {  	[tilespmem:s10], [sflag:$0x1] =	stream.linear.gather [hbm4b:s0+s4], $0x400, $0x38;
	[tilespmem:$0x10400] =	vst v63  }
0x48: {  	_ =	swait.ge [sflag:s3], $0x400  }
0x49: {  	[sflag:s3] =	ssyncset.done $0x0  }
0x4a: {  	s0 =	rddreg [dreg:$0xe];
	[sflag:s3] =	ssyncadd.s32 $0xFFFFFC00  }
0x4b: {  	[hbm4b:s2+s5] =	stream.indirect.scatter [tilespmem:s0], [sflag:$0x1], $0x10, s10, s5, $0xb8;
	[tilespmem:$0x10400] =	vst v63  }
0x4c: {  	_ =	swait.ge [sflag:s3], $0x800  }
0x4d: {  	[sflag:s3] =	ssyncset.done $0x0  }
0x4e: {  	s0 =	rddreg [dreg:$0xf];
	[sflag:s3] =	ssyncadd.s32 $0xFFFFF800  }
0x4f: {  	[hbm4b:s2+s5] =	stream.indirect.scatter [tilespmem:s0], [sflag:$0x1], $0x10, s13, s5, $0xb8;
	[tilespmem:$0x10400] =	vst v63  }
0x50: {  	_ =	swait.ge [sflag:s3], $0x800  }
0x51: {  	[sflag:s3] =	ssyncset.done $0x0  }
0x52: {  	s0 =	rddreg [dreg:$0x10];
	[sflag:s3] =	ssyncadd.s32 $0xFFFFF800  }
0x53: {  	[hbm4b:s2+s5] =	stream.indirect.scatter [tilespmem:s0], [sflag:$0x1], $0x10, s12, s5, $0xb8;
	[tilespmem:$0x10400] =	vst v63  }
0x54: {  	_ =	swait.ge [sflag:s3], $0x800  }
0x55: {  	[sflag:s3] =	ssyncset.done $0x0  }
0x56: {  	s0 =	rddreg [dreg:$0x11];
	[sflag:s3] =	ssyncadd.s32 $0xFFFFF800  }
0x57: {  	[hbm4b:s2+s5] =	stream.indirect.scatter [tilespmem:s0], [sflag:$0x1], $0x10, s11, s5, $0xb8;
	[tilespmem:$0x10400] =	vst v63  }
0x58: {  	_ =	swait.ge [sflag:s3], $0x800  }
0x59: {  	[sflag:s3] =	ssyncset.done $0x0  }
0x5a: {  	s0 =	rddreg [dreg:$0x12];
	[sflag:s3] =	ssyncadd.s32 $0xFFFFF800  }
0x5b: {  	[hbm4b:s2+s5] =	stream.indirect.scatter [tilespmem:s0], [sflag:$0x1], $0x10, s9, s5, $0xb8;
	[tilespmem:$0x10400] =	vst v63  }
0x5c: {  	_ =	swait.ge [sflag:s3], $0x800  }
0x5d: {  	[sflag:s3] =	ssyncset.done $0x0  }
0x5e: {  	s0 =	rddreg [dreg:$0x13];
	[sflag:s3] =	ssyncadd.s32 $0xFFFFF800  }
0x5f: {  	[hbm4b:s2+s5] =	stream.indirect.scatter [tilespmem:s0], [sflag:$0x1], $0x10, s8, s5, $0xb8;
	[tilespmem:$0x10400] =	vst v63  }
0x60: {  	_ =	swait.ge [sflag:s3], $0x800  }
0x61: {  	[sflag:s3] =	ssyncset.done $0x0  }
0x62: {  	s0 =	rddreg [dreg:$0x14];
	[sflag:s3] =	ssyncadd.s32 $0xFFFFF800  }
0x63: {  	[hbm4b:s2+s5] =	stream.indirect.scatter [tilespmem:s0], [sflag:$0x1], $0x10, s7, s5, $0xb8;
	[tilespmem:$0x10400] =	vst v63  }
0x64: {  	_ =	swait.ge [sflag:s3], $0x800  }
0x65: {  	[sflag:s3] =	ssyncset.done $0x0  }
0x66: {  	s0 =	rddreg [dreg:$0x15];
	[sflag:s3] =	ssyncadd.s32 $0xFFFFF800  }
0x67: {  	[hbm4b:s2+s5] =	stream.indirect.scatter [tilespmem:s0], [sflag:$0x1], $0x10, s6, s5, $0xb8;
	[tilespmem:$0x10400] =	vst v63  }
0x68: {  	_ =	swait.ge [sflag:s3], $0x800  }
0x69: {  	[sflag:s3] =	ssyncset.done $0x0  }
0x6a: {  	s0 =	rddreg [dreg:$0x5];
	[sflag:s3] =	ssyncadd.s32 $0xFFFFF800  }
0x6b: {  	[tilespmem:s10], [sflag:$0x1] =	stream.linear.gather [hbm4b:s0+s4], $0x400, $0x38;
	[tilespmem:$0x10400] =	vst v63  }
0x6c: {  	_ =	swait.ge [sflag:s3], $0x400  }
0x6d: {  	[sflag:s3] =	ssyncset.done $0x0  }
0x6e: {  	[sflag:s3] =	ssyncadd.s32 $0xFFFFFC00  }
0x6f: {  	[hbm4b:s2+s5] =	stream.indirect.scatter [tilespmem:s30], [sflag:$0x1], $0x10, s10, s5, $0xb8;
	[tilespmem:$0x10400] =	vst v63  }
0x70: {  	_ =	swait.ge [sflag:s3], $0x800  }
0x71: {  	[sflag:s3] =	ssyncset.done $0x0  }
0x72: {  	[sflag:s3] =	ssyncadd.s32 $0xFFFFF800  }
0x73: {  	[hbm4b:s2+s5] =	stream.indirect.scatter [tilespmem:s29], [sflag:$0x1], $0x10, s13, s5, $0xb8;
	[tilespmem:$0x10400] =	vst v63  }
0x74: {  	_ =	swait.ge [sflag:s3], $0x800  }
0x75: {  	[sflag:s3] =	ssyncset.done $0x0  }
0x76: {  	[sflag:s3] =	ssyncadd.s32 $0xFFFFF800  }
0x77: {  	[hbm4b:s2+s5] =	stream.indirect.scatter [tilespmem:s28], [sflag:$0x1], $0x10, s12, s5, $0xb8;
	[tilespmem:$0x10400] =	vst v63  }
0x78: {  	_ =	swait.ge [sflag:s3], $0x800  }
0x79: {  	[sflag:s3] =	ssyncset.done $0x0  }
0x7a: {  	[sflag:s3] =	ssyncadd.s32 $0xFFFFF800  }
0x7b: {  	[hbm4b:s2+s5] =	stream.indirect.scatter [tilespmem:s26], [sflag:$0x1], $0x10, s11, s5, $0xb8;
	[tilespmem:$0x10400] =	vst v63  }
0x7c: {  	_ =	swait.ge [sflag:s3], $0x800  }
0x7d: {  	[sflag:s3] =	ssyncset.done $0x0  }
0x7e: {  	[sflag:s3] =	ssyncadd.s32 $0xFFFFF800  }
0x7f: {  	[hbm4b:s2+s5] =	stream.indirect.scatter [tilespmem:s25], [sflag:$0x1], $0x10, s9, s5, $0xb8;
	[tilespmem:$0x10400] =	vst v63  }
0x80: {  	_ =	swait.ge [sflag:s3], $0x800  }
0x81: {  	[sflag:s3] =	ssyncset.done $0x0  }
0x82: {  	[sflag:s3] =	ssyncadd.s32 $0xFFFFF800  }
0x83: {  	[hbm4b:s2+s5] =	stream.indirect.scatter [tilespmem:s24], [sflag:$0x1], $0x10, s8, s5, $0xb8;
	[tilespmem:$0x10400] =	vst v63  }
0x84: {  	_ =	swait.ge [sflag:s3], $0x800  }
0x85: {  	[sflag:s3] =	ssyncset.done $0x0  }
0x86: {  	[sflag:s3] =	ssyncadd.s32 $0xFFFFF800  }
0x87: {  	[hbm4b:s2+s5] =	stream.indirect.scatter [tilespmem:s23], [sflag:$0x1], $0x10, s7, s5, $0xb8;
	[tilespmem:$0x10400] =	vst v63  }
0x88: {  	_ =	swait.ge [sflag:s3], $0x800  }
0x89: {  	[sflag:s3] =	ssyncset.done $0x0  }
0x8a: {  	[sflag:s3] =	ssyncadd.s32 $0xFFFFF800  }
0x8b: {  	[hbm4b:s2+s5] =	stream.indirect.scatter [tilespmem:s22], [sflag:$0x1], $0x10, s6, s5, $0xb8;
	[tilespmem:$0x10400] =	vst v63  }
0x8c: {  	_ =	swait.ge [sflag:s3], $0x800  }
0x8d: {  	[sflag:s3] =	ssyncset.done $0x0  }
0x8e: {  	s0 =	rddreg [dreg:$0x6];
	[sflag:s3] =	ssyncadd.s32 $0xFFFFF800  }
0x8f: {  	[tilespmem:s10], [sflag:$0x1] =	stream.linear.gather [hbm4b:s0+s4], $0x400, $0x38;
	[tilespmem:$0x10400] =	vst v63  }
0x90: {  	_ =	swait.ge [sflag:s3], $0x400  }
0x91: {  	[sflag:s3] =	ssyncset.done $0x0  }
0x92: {  	[sflag:s3] =	ssyncadd.s32 $0xFFFFFC00  }
0x93: {  	[hbm4b:s2+s5] =	stream.indirect.scatter [tilespmem:s21], [sflag:$0x1], $0x10, s10, s5, $0xb8;
	[tilespmem:$0x10400] =	vst v63  }
0x94: {  	_ =	swait.ge [sflag:s3], $0x800  }
0x95: {  	[sflag:s3] =	ssyncset.done $0x0  }
0x96: {  	[sflag:s3] =	ssyncadd.s32 $0xFFFFF800  }
0x97: {  	[hbm4b:s2+s5] =	stream.indirect.scatter [tilespmem:s19], [sflag:$0x1], $0x10, s13, s5, $0xb8;
	[tilespmem:$0x10400] =	vst v63  }
0x98: {  	_ =	swait.ge [sflag:s3], $0x800  }
0x99: {  	[sflag:s3] =	ssyncset.done $0x0  }
0x9a: {  	[sflag:s3] =	ssyncadd.s32 $0xFFFFF800  }
0x9b: {  	[hbm4b:s2+s5] =	stream.indirect.scatter [tilespmem:s20], [sflag:$0x1], $0x10, s12, s5, $0xb8;
	[tilespmem:$0x10400] =	vst v63  }
0x9c: {  	_ =	swait.ge [sflag:s3], $0x800  }
0x9d: {  	[sflag:s3] =	ssyncset.done $0x0  }
0x9e: {  	[sflag:s3] =	ssyncadd.s32 $0xFFFFF800  }
0x9f: {  	[hbm4b:s2+s5] =	stream.indirect.scatter [tilespmem:s18], [sflag:$0x1], $0x10, s11, s5, $0xb8;
	[tilespmem:$0x10400] =	vst v63  }
0xa0: {  	_ =	swait.ge [sflag:s3], $0x800  }
0xa1: {  	[sflag:s3] =	ssyncset.done $0x0  }
0xa2: {  	[sflag:s3] =	ssyncadd.s32 $0xFFFFF800  }
0xa3: {  	[hbm4b:s2+s5] =	stream.indirect.scatter [tilespmem:s17], [sflag:$0x1], $0x10, s9, s5, $0xb8;
	[tilespmem:$0x10400] =	vst v63  }
0xa4: {  	_ =	swait.ge [sflag:s3], $0x800  }
0xa5: {  	[sflag:s3] =	ssyncset.done $0x0  }
0xa6: {  	[sflag:s3] =	ssyncadd.s32 $0xFFFFF800  }
0xa7: {  	[hbm4b:s2+s5] =	stream.indirect.scatter [tilespmem:s16], [sflag:$0x1], $0x10, s8, s5, $0xb8;
	[tilespmem:$0x10400] =	vst v63  }
0xa8: {  	_ =	swait.ge [sflag:s3], $0x800  }
0xa9: {  	[sflag:s3] =	ssyncset.done $0x0  }
0xaa: {  	[sflag:s3] =	ssyncadd.s32 $0xFFFFF800  }
0xab: {  	[hbm4b:s2+s5] =	stream.indirect.scatter [tilespmem:s15], [sflag:$0x1], $0x10, s7, s5, $0xb8;
	[tilespmem:$0x10400] =	vst v63  }
0xac: {  	p1 =	sne.s32 s1, $0x1;
	_ =	swait.ge [sflag:s3], $0x800  }
.Ltmp1:
0xad: {  	[sflag:s3] =	ssyncset.done $0x0;
	(pc) =	sbr.rel @!p1 .LBB2_3-.Ltmp1, $4  }
0xae: {  	[sflag:s3] =	ssyncadd.s32 $0xFFFFF800  }
0xaf: {  	[hbm4b:s2+s5] =	stream.indirect.scatter [tilespmem:s14], [sflag:$0x1], $0x10, s6, s5, $0xb8;
	[tilespmem:$0x10400] =	vst v63  }
0xb0: {  	s1 =	sadd.s32 $0xFFFFFFFF, s1;
	_ =	swait.ge [sflag:s3], $0x800  }
0xb1: {  	p0 =	por $0x1, $0x1;
	s0 =	rddreg [dreg:$0x3];
	[sflag:s3] =	ssyncset.done $0x0  }
.LBB2_2:
0xb2: {  	[sflag:s3] =	ssyncadd.s32 $0xFFFFF800  }
0xb3: {  	[tilespmem:s4], [sflag:$0x1] =	stream.linear.gather [hbm4b:s0+s4], $0x10000, $0x38;
	[tilespmem:$0x10400] =	vst v63  }
0xb4: {  	_ =	swait.ge [sflag:s3], $0x10000  }
0xb5: {  	[sflag:s3] =	ssyncset.done $0x0  }
0xb6: {  	[sflag:s3] =	ssyncadd.s32 $0xFFFF0000  }
0xb7: {  	[tilespmem:s10], [sflag:$0x1] =	stream.linear.gather [hbm4b:s31+s4], $0x400, $0x38;
	[tilespmem:$0x10400] =	vst v63  }
0xb8: {  	_ =	swait.ge [sflag:s3], $0x400  }
0xb9: {  	[sflag:s3] =	ssyncset.done $0x0  }
0xba: {  	[sflag:s3] =	ssyncadd.s32 $0xFFFFFC00  }
0xbb: {  	[hbm4b:s2+s5] =	stream.indirect.scatter [tilespmem:s4], [sflag:$0x1], $0x10, s10, s5, $0xb8;
	[tilespmem:$0x10400] =	vst v63  }
0xbc: {  	_ =	swait.ge [sflag:s3], $0x800  }
0xbd: {  	[sflag:s3] =	ssyncset.done $0x0  }
0xbe: {  	s0 =	rddreg [dreg:$0x7];
	[sflag:s3] =	ssyncadd.s32 $0xFFFFF800  }
0xbf: {  	[hbm4b:s2+s5] =	stream.indirect.scatter [tilespmem:s0], [sflag:$0x1], $0x10, s13, s5, $0xb8;
	[tilespmem:$0x10400] =	vst v63  }
0xc0: {  	_ =	swait.ge [sflag:s3], $0x800  }
0xc1: {  	[sflag:s3] =	ssyncset.done $0x0  }
0xc2: {  	s0 =	rddreg [dreg:$0x8];
	[sflag:s3] =	ssyncadd.s32 $0xFFFFF800  }
0xc3: {  	[hbm4b:s2+s5] =	stream.indirect.scatter [tilespmem:s0], [sflag:$0x1], $0x10, s12, s5, $0xb8;
	[tilespmem:$0x10400] =	vst v63  }
0xc4: {  	_ =	swait.ge [sflag:s3], $0x800  }
0xc5: {  	[sflag:s3] =	ssyncset.done $0x0  }
0xc6: {  	s0 =	rddreg [dreg:$0x9];
	[sflag:s3] =	ssyncadd.s32 $0xFFFFF800  }
0xc7: {  	[hbm4b:s2+s5] =	stream.indirect.scatter [tilespmem:s0], [sflag:$0x1], $0x10, s11, s5, $0xb8;
	[tilespmem:$0x10400] =	vst v63  }
0xc8: {  	_ =	swait.ge [sflag:s3], $0x800  }
0xc9: {  	[sflag:s3] =	ssyncset.done $0x0  }
0xca: {  	s0 =	rddreg [dreg:$0xa];
	[sflag:s3] =	ssyncadd.s32 $0xFFFFF800  }
0xcb: {  	[hbm4b:s2+s5] =	stream.indirect.scatter [tilespmem:s0], [sflag:$0x1], $0x10, s9, s5, $0xb8;
	[tilespmem:$0x10400] =	vst v63  }
0xcc: {  	_ =	swait.ge [sflag:s3], $0x800  }
0xcd: {  	[sflag:s3] =	ssyncset.done $0x0  }
0xce: {  	s0 =	rddreg [dreg:$0xb];
	[sflag:s3] =	ssyncadd.s32 $0xFFFFF800  }
0xcf: {  	[hbm4b:s2+s5] =	stream.indirect.scatter [tilespmem:s0], [sflag:$0x1], $0x10, s8, s5, $0xb8;
	[tilespmem:$0x10400] =	vst v63  }
0xd0: {  	_ =	swait.ge [sflag:s3], $0x800  }
0xd1: {  	[sflag:s3] =	ssyncset.done $0x0  }
0xd2: {  	s0 =	rddreg [dreg:$0xc];
	[sflag:s3] =	ssyncadd.s32 $0xFFFFF800  }
0xd3: {  	[hbm4b:s2+s5] =	stream.indirect.scatter [tilespmem:s0], [sflag:$0x1], $0x10, s7, s5, $0xb8;
	[tilespmem:$0x10400] =	vst v63  }
0xd4: {  	_ =	swait.ge [sflag:s3], $0x800  }
0xd5: {  	[sflag:s3] =	ssyncset.done $0x0  }
0xd6: {  	s0 =	rddreg [dreg:$0xd];
	[sflag:s3] =	ssyncadd.s32 $0xFFFFF800  }
0xd7: {  	[hbm4b:s2+s5] =	stream.indirect.scatter [tilespmem:s0], [sflag:$0x1], $0x10, s6, s5, $0xb8;
	[tilespmem:$0x10400] =	vst v63  }
0xd8: {  	_ =	swait.ge [sflag:s3], $0x800  }
0xd9: {  	[sflag:s3] =	ssyncset.done $0x0  }
0xda: {  	s0 =	rddreg [dreg:$0x4];
	[sflag:s3] =	ssyncadd.s32 $0xFFFFF800  }
0xdb: {  	[tilespmem:s10], [sflag:$0x1] =	stream.linear.gather [hbm4b:s0+s4], $0x400, $0x38;
	[tilespmem:$0x10400] =	vst v63  }
0xdc: {  	_ =	swait.ge [sflag:s3], $0x400  }
0xdd: {  	[sflag:s3] =	ssyncset.done $0x0  }
0xde: {  	s0 =	rddreg [dreg:$0xe];
	[sflag:s3] =	ssyncadd.s32 $0xFFFFFC00  }
0xdf: {  	[hbm4b:s2+s5] =	stream.indirect.scatter [tilespmem:s0], [sflag:$0x1], $0x10, s10, s5, $0xb8;
	[tilespmem:$0x10400] =	vst v63  }
0xe0: {  	_ =	swait.ge [sflag:s3], $0x800  }
0xe1: {  	[sflag:s3] =	ssyncset.done $0x0  }
0xe2: {  	s0 =	rddreg [dreg:$0xf];
	[sflag:s3] =	ssyncadd.s32 $0xFFFFF800  }
0xe3: {  	[hbm4b:s2+s5] =	stream.indirect.scatter [tilespmem:s0], [sflag:$0x1], $0x10, s13, s5, $0xb8;
	[tilespmem:$0x10400] =	vst v63  }
0xe4: {  	_ =	swait.ge [sflag:s3], $0x800  }
0xe5: {  	[sflag:s3] =	ssyncset.done $0x0  }
0xe6: {  	s0 =	rddreg [dreg:$0x10];
	[sflag:s3] =	ssyncadd.s32 $0xFFFFF800  }
0xe7: {  	[hbm4b:s2+s5] =	stream.indirect.scatter [tilespmem:s0], [sflag:$0x1], $0x10, s12, s5, $0xb8;
	[tilespmem:$0x10400] =	vst v63  }
0xe8: {  	_ =	swait.ge [sflag:s3], $0x800  }
0xe9: {  	[sflag:s3] =	ssyncset.done $0x0  }
0xea: {  	s0 =	rddreg [dreg:$0x11];
	[sflag:s3] =	ssyncadd.s32 $0xFFFFF800  }
0xeb: {  	[hbm4b:s2+s5] =	stream.indirect.scatter [tilespmem:s0], [sflag:$0x1], $0x10, s11, s5, $0xb8;
	[tilespmem:$0x10400] =	vst v63  }
0xec: {  	_ =	swait.ge [sflag:s3], $0x800  }
0xed: {  	[sflag:s3] =	ssyncset.done $0x0  }
0xee: {  	s0 =	rddreg [dreg:$0x12];
	[sflag:s3] =	ssyncadd.s32 $0xFFFFF800  }
0xef: {  	[hbm4b:s2+s5] =	stream.indirect.scatter [tilespmem:s0], [sflag:$0x1], $0x10, s9, s5, $0xb8;
	[tilespmem:$0x10400] =	vst v63  }
0xf0: {  	_ =	swait.ge [sflag:s3], $0x800  }
0xf1: {  	[sflag:s3] =	ssyncset.done $0x0  }
0xf2: {  	s0 =	rddreg [dreg:$0x13];
	[sflag:s3] =	ssyncadd.s32 $0xFFFFF800  }
0xf3: {  	[hbm4b:s2+s5] =	stream.indirect.scatter [tilespmem:s0], [sflag:$0x1], $0x10, s8, s5, $0xb8;
	[tilespmem:$0x10400] =	vst v63  }
0xf4: {  	_ =	swait.ge [sflag:s3], $0x800  }
0xf5: {  	[sflag:s3] =	ssyncset.done $0x0  }
0xf6: {  	s0 =	rddreg [dreg:$0x14];
	[sflag:s3] =	ssyncadd.s32 $0xFFFFF800  }
0xf7: {  	[hbm4b:s2+s5] =	stream.indirect.scatter [tilespmem:s0], [sflag:$0x1], $0x10, s7, s5, $0xb8;
	[tilespmem:$0x10400] =	vst v63  }
0xf8: {  	_ =	swait.ge [sflag:s3], $0x800  }
0xf9: {  	[sflag:s3] =	ssyncset.done $0x0  }
0xfa: {  	s0 =	rddreg [dreg:$0x15];
	[sflag:s3] =	ssyncadd.s32 $0xFFFFF800  }
0xfb: {  	[hbm4b:s2+s5] =	stream.indirect.scatter [tilespmem:s0], [sflag:$0x1], $0x10, s6, s5, $0xb8;
	[tilespmem:$0x10400] =	vst v63  }
0xfc: {  	_ =	swait.ge [sflag:s3], $0x800  }
0xfd: {  	[sflag:s3] =	ssyncset.done $0x0  }
0xfe: {  	s0 =	rddreg [dreg:$0x5];
	[sflag:s3] =	ssyncadd.s32 $0xFFFFF800  }
0xff: {  	[tilespmem:s10], [sflag:$0x1] =	stream.linear.gather [hbm4b:s0+s4], $0x400, $0x38;
	[tilespmem:$0x10400] =	vst v63  }
0x100: {  	_ =	swait.ge [sflag:s3], $0x400  }
0x101: {  	[sflag:s3] =	ssyncset.done $0x0  }
0x102: {  	[sflag:s3] =	ssyncadd.s32 $0xFFFFFC00  }
0x103: {  	[hbm4b:s2+s5] =	stream.indirect.scatter [tilespmem:s30], [sflag:$0x1], $0x10, s10, s5, $0xb8;
	[tilespmem:$0x10400] =	vst v63  }
0x104: {  	_ =	swait.ge [sflag:s3], $0x800  }
0x105: {  	[sflag:s3] =	ssyncset.done $0x0  }
0x106: {  	[sflag:s3] =	ssyncadd.s32 $0xFFFFF800  }
0x107: {  	[hbm4b:s2+s5] =	stream.indirect.scatter [tilespmem:s29], [sflag:$0x1], $0x10, s13, s5, $0xb8;
	[tilespmem:$0x10400] =	vst v63  }
0x108: {  	_ =	swait.ge [sflag:s3], $0x800  }
0x109: {  	[sflag:s3] =	ssyncset.done $0x0  }
0x10a: {  	[sflag:s3] =	ssyncadd.s32 $0xFFFFF800  }
0x10b: {  	[hbm4b:s2+s5] =	stream.indirect.scatter [tilespmem:s28], [sflag:$0x1], $0x10, s12, s5, $0xb8;
	[tilespmem:$0x10400] =	vst v63  }
0x10c: {  	_ =	swait.ge [sflag:s3], $0x800  }
0x10d: {  	[sflag:s3] =	ssyncset.done $0x0  }
0x10e: {  	[sflag:s3] =	ssyncadd.s32 $0xFFFFF800  }
0x10f: {  	[hbm4b:s2+s5] =	stream.indirect.scatter [tilespmem:s26], [sflag:$0x1], $0x10, s11, s5, $0xb8;
	[tilespmem:$0x10400] =	vst v63  }
0x110: {  	_ =	swait.ge [sflag:s3], $0x800  }
0x111: {  	[sflag:s3] =	ssyncset.done $0x0  }
0x112: {  	[sflag:s3] =	ssyncadd.s32 $0xFFFFF800  }
0x113: {  	[hbm4b:s2+s5] =	stream.indirect.scatter [tilespmem:s25], [sflag:$0x1], $0x10, s9, s5, $0xb8;
	[tilespmem:$0x10400] =	vst v63  }
0x114: {  	_ =	swait.ge [sflag:s3], $0x800  }
0x115: {  	[sflag:s3] =	ssyncset.done $0x0  }
0x116: {  	[sflag:s3] =	ssyncadd.s32 $0xFFFFF800  }
0x117: {  	[hbm4b:s2+s5] =	stream.indirect.scatter [tilespmem:s24], [sflag:$0x1], $0x10, s8, s5, $0xb8;
	[tilespmem:$0x10400] =	vst v63  }
0x118: {  	_ =	swait.ge [sflag:s3], $0x800  }
0x119: {  	[sflag:s3] =	ssyncset.done $0x0  }
0x11a: {  	[sflag:s3] =	ssyncadd.s32 $0xFFFFF800  }
0x11b: {  	[hbm4b:s2+s5] =	stream.indirect.scatter [tilespmem:s23], [sflag:$0x1], $0x10, s7, s5, $0xb8;
	[tilespmem:$0x10400] =	vst v63  }
0x11c: {  	_ =	swait.ge [sflag:s3], $0x800  }
0x11d: {  	[sflag:s3] =	ssyncset.done $0x0  }
0x11e: {  	[sflag:s3] =	ssyncadd.s32 $0xFFFFF800  }
0x11f: {  	[hbm4b:s2+s5] =	stream.indirect.scatter [tilespmem:s22], [sflag:$0x1], $0x10, s6, s5, $0xb8;
	[tilespmem:$0x10400] =	vst v63  }
0x120: {  	_ =	swait.ge [sflag:s3], $0x800  }
0x121: {  	[sflag:s3] =	ssyncset.done $0x0  }
0x122: {  	s0 =	rddreg [dreg:$0x6];
	[sflag:s3] =	ssyncadd.s32 $0xFFFFF800  }
0x123: {  	[tilespmem:s10], [sflag:$0x1] =	stream.linear.gather [hbm4b:s0+s4], $0x400, $0x38;
	[tilespmem:$0x10400] =	vst v63  }
0x124: {  	_ =	swait.ge [sflag:s3], $0x400  }
0x125: {  	[sflag:s3] =	ssyncset.done $0x0  }
0x126: {  	[sflag:s3] =	ssyncadd.s32 $0xFFFFFC00  }
0x127: {  	[hbm4b:s2+s5] =	stream.indirect.scatter [tilespmem:s21], [sflag:$0x1], $0x10, s10, s5, $0xb8;
	[tilespmem:$0x10400] =	vst v63  }
0x128: {  	_ =	swait.ge [sflag:s3], $0x800  }
0x129: {  	[sflag:s3] =	ssyncset.done $0x0  }
0x12a: {  	[sflag:s3] =	ssyncadd.s32 $0xFFFFF800  }
0x12b: {  	[hbm4b:s2+s5] =	stream.indirect.scatter [tilespmem:s19], [sflag:$0x1], $0x10, s13, s5, $0xb8;
	[tilespmem:$0x10400] =	vst v63  }
0x12c: {  	_ =	swait.ge [sflag:s3], $0x800  }
0x12d: {  	[sflag:s3] =	ssyncset.done $0x0  }
0x12e: {  	[sflag:s3] =	ssyncadd.s32 $0xFFFFF800  }
0x12f: {  	[hbm4b:s2+s5] =	stream.indirect.scatter [tilespmem:s20], [sflag:$0x1], $0x10, s12, s5, $0xb8;
	[tilespmem:$0x10400] =	vst v63  }
0x130: {  	_ =	swait.ge [sflag:s3], $0x800  }
0x131: {  	[sflag:s3] =	ssyncset.done $0x0  }
0x132: {  	[sflag:s3] =	ssyncadd.s32 $0xFFFFF800  }
0x133: {  	[hbm4b:s2+s5] =	stream.indirect.scatter [tilespmem:s18], [sflag:$0x1], $0x10, s11, s5, $0xb8;
	[tilespmem:$0x10400] =	vst v63  }
0x134: {  	_ =	swait.ge [sflag:s3], $0x800  }
0x135: {  	[sflag:s3] =	ssyncset.done $0x0  }
0x136: {  	[sflag:s3] =	ssyncadd.s32 $0xFFFFF800  }
0x137: {  	[hbm4b:s2+s5] =	stream.indirect.scatter [tilespmem:s17], [sflag:$0x1], $0x10, s9, s5, $0xb8;
	[tilespmem:$0x10400] =	vst v63  }
0x138: {  	_ =	swait.ge [sflag:s3], $0x800  }
0x139: {  	[sflag:s3] =	ssyncset.done $0x0  }
0x13a: {  	[sflag:s3] =	ssyncadd.s32 $0xFFFFF800  }
0x13b: {  	[hbm4b:s2+s5] =	stream.indirect.scatter [tilespmem:s16], [sflag:$0x1], $0x10, s8, s5, $0xb8;
	[tilespmem:$0x10400] =	vst v63  }
0x13c: {  	_ =	swait.ge [sflag:s3], $0x800  }
0x13d: {  	[sflag:s3] =	ssyncset.done $0x0  }
0x13e: {  	[sflag:s3] =	ssyncadd.s32 $0xFFFFF800  }
0x13f: {  	[hbm4b:s2+s5] =	stream.indirect.scatter [tilespmem:s15], [sflag:$0x1], $0x10, s7, s5, $0xb8;
	[tilespmem:$0x10400] =	vst v63  }
0x140: {  	p1 =	sne.s32 s1, $0x1;
	_ =	swait.ge [sflag:s3], $0x800  }
.Ltmp2:
0x141: {  	[sflag:s3] =	ssyncset.done $0x0;
	(pc) =	sbr.rel @p1 .LBB2_2-.Ltmp2, $4  }
0x142: {  	[sflag:s3] =	ssyncadd.s32 $0xFFFFF800  }
0x143: {  	[hbm4b:s2+s5] =	stream.indirect.scatter [tilespmem:s14], [sflag:$0x1], $0x10, s6, s5, $0xb8;
	[tilespmem:$0x10400] =	vst v63  }
0x144: {  	_ =	swait.ge [sflag:s3], $0x800  }
0x145: {  	s1 =	sadd.s32 $0xFFFFFFFF, s1;
	s0 =	rddreg [dreg:$0x3];
	[sflag:s3] =	ssyncset.done $0x0  }
.LBB2_3:
0x146: {  	[sflag:s3] =	ssyncadd.s32 @p0 $0xFFFFF800  }
0x147: {  	[tilespmem:s4], [sflag:$0x1] =	stream.linear.gather [hbm4b:s0+s4], $0x10000, $0x38;
	[tilespmem:$0x10400] =	vst v63  }
0x148: {  	_ =	swait.ge [sflag:s3], $0x10000  }
0x149: {  	[sflag:s3] =	ssyncset.done $0x0  }
0x14a: {  	[sflag:s3] =	ssyncadd.s32 $0xFFFF0000  }
0x14b: {  	[tilespmem:s10], [sflag:$0x1] =	stream.linear.gather [hbm4b:s31+s4], $0x400, $0x38;
	[tilespmem:$0x10400] =	vst v63  }
0x14c: {  	_ =	swait.ge [sflag:s3], $0x400  }
0x14d: {  	[sflag:s3] =	ssyncset.done $0x0  }
0x14e: {  	[sflag:s3] =	ssyncadd.s32 $0xFFFFFC00  }
0x14f: {  	[hbm4b:s2+s5] =	stream.indirect.scatter [tilespmem:s4], [sflag:$0x1], $0x10, s10, s5, $0xb8;
	[tilespmem:$0x10400] =	vst v63  }
0x150: {  	_ =	swait.ge [sflag:s3], $0x800  }
0x151: {  	[sflag:s3] =	ssyncset.done $0x0  }
0x152: {  	s1 =	rddreg [dreg:$0x7];
	[sflag:s3] =	ssyncadd.s32 $0xFFFFF800  }
0x153: {  	[hbm4b:s2+s5] =	stream.indirect.scatter [tilespmem:s1], [sflag:$0x1], $0x10, s13, s5, $0xb8;
	[tilespmem:$0x10400] =	vst v63  }
0x154: {  	_ =	swait.ge [sflag:s3], $0x800  }
0x155: {  	[sflag:s3] =	ssyncset.done $0x0  }
0x156: {  	s31 =	rddreg [dreg:$0x8];
	[sflag:s3] =	ssyncadd.s32 $0xFFFFF800  }
0x157: {  	[hbm4b:s2+s5] =	stream.indirect.scatter [tilespmem:s31], [sflag:$0x1], $0x10, s12, s5, $0xb8;
	[tilespmem:$0x10400] =	vst v63  }
0x158: {  	_ =	swait.ge [sflag:s3], $0x800  }
0x159: {  	[sflag:s3] =	ssyncset.done $0x0  }
0x15a: {  	s1 =	rddreg [dreg:$0x9];
	[sflag:s3] =	ssyncadd.s32 $0xFFFFF800  }
0x15b: {  	[hbm4b:s2+s5] =	stream.indirect.scatter [tilespmem:s1], [sflag:$0x1], $0x10, s11, s5, $0xb8;
	[tilespmem:$0x10400] =	vst v63  }
0x15c: {  	_ =	swait.ge [sflag:s3], $0x800  }
0x15d: {  	[sflag:s3] =	ssyncset.done $0x0  }
0x15e: {  	s31 =	rddreg [dreg:$0xa];
	[sflag:s3] =	ssyncadd.s32 $0xFFFFF800  }
0x15f: {  	[hbm4b:s2+s5] =	stream.indirect.scatter [tilespmem:s31], [sflag:$0x1], $0x10, s9, s5, $0xb8;
	[tilespmem:$0x10400] =	vst v63  }
0x160: {  	_ =	swait.ge [sflag:s3], $0x800  }
0x161: {  	[sflag:s3] =	ssyncset.done $0x0  }
0x162: {  	s1 =	rddreg [dreg:$0xb];
	[sflag:s3] =	ssyncadd.s32 $0xFFFFF800  }
0x163: {  	[hbm4b:s2+s5] =	stream.indirect.scatter [tilespmem:s1], [sflag:$0x1], $0x10, s8, s5, $0xb8;
	[tilespmem:$0x10400] =	vst v63  }
0x164: {  	_ =	swait.ge [sflag:s3], $0x800  }
0x165: {  	[sflag:s3] =	ssyncset.done $0x0  }
0x166: {  	s31 =	rddreg [dreg:$0xc];
	[sflag:s3] =	ssyncadd.s32 $0xFFFFF800  }
0x167: {  	[hbm4b:s2+s5] =	stream.indirect.scatter [tilespmem:s31], [sflag:$0x1], $0x10, s7, s5, $0xb8;
	[tilespmem:$0x10400] =	vst v63  }
0x168: {  	_ =	swait.ge [sflag:s3], $0x800  }
0x169: {  	[sflag:s3] =	ssyncset.done $0x0  }
0x16a: {  	s1 =	rddreg [dreg:$0xd];
	[sflag:s3] =	ssyncadd.s32 $0xFFFFF800  }
0x16b: {  	[hbm4b:s2+s5] =	stream.indirect.scatter [tilespmem:s1], [sflag:$0x1], $0x10, s6, s5, $0xb8;
	[tilespmem:$0x10400] =	vst v63  }
0x16c: {  	_ =	swait.ge [sflag:s3], $0x800  }
0x16d: {  	[sflag:s3] =	ssyncset.done $0x0  }
0x16e: {  	s31 =	rddreg [dreg:$0x4];
	[sflag:s3] =	ssyncadd.s32 $0xFFFFF800  }
0x16f: {  	[tilespmem:s10], [sflag:$0x1] =	stream.linear.gather [hbm4b:s31+s4], $0x400, $0x38;
	[tilespmem:$0x10400] =	vst v63  }
0x170: {  	_ =	swait.ge [sflag:s3], $0x400  }
0x171: {  	[sflag:s3] =	ssyncset.done $0x0  }
0x172: {  	s1 =	rddreg [dreg:$0xe];
	[sflag:s3] =	ssyncadd.s32 $0xFFFFFC00  }
0x173: {  	[hbm4b:s2+s5] =	stream.indirect.scatter [tilespmem:s1], [sflag:$0x1], $0x10, s10, s5, $0xb8;
	[tilespmem:$0x10400] =	vst v63  }
0x174: {  	_ =	swait.ge [sflag:s3], $0x800  }
0x175: {  	[sflag:s3] =	ssyncset.done $0x0  }
0x176: {  	s31 =	rddreg [dreg:$0xf];
	[sflag:s3] =	ssyncadd.s32 $0xFFFFF800  }
0x177: {  	[hbm4b:s2+s5] =	stream.indirect.scatter [tilespmem:s31], [sflag:$0x1], $0x10, s13, s5, $0xb8;
	[tilespmem:$0x10400] =	vst v63  }
0x178: {  	_ =	swait.ge [sflag:s3], $0x800  }
0x179: {  	[sflag:s3] =	ssyncset.done $0x0  }
0x17a: {  	s1 =	rddreg [dreg:$0x10];
	[sflag:s3] =	ssyncadd.s32 $0xFFFFF800  }
0x17b: {  	[hbm4b:s2+s5] =	stream.indirect.scatter [tilespmem:s1], [sflag:$0x1], $0x10, s12, s5, $0xb8;
	[tilespmem:$0x10400] =	vst v63  }
0x17c: {  	_ =	swait.ge [sflag:s3], $0x800  }
0x17d: {  	[sflag:s3] =	ssyncset.done $0x0  }
0x17e: {  	s31 =	rddreg [dreg:$0x11];
	[sflag:s3] =	ssyncadd.s32 $0xFFFFF800  }
0x17f: {  	[hbm4b:s2+s5] =	stream.indirect.scatter [tilespmem:s31], [sflag:$0x1], $0x10, s11, s5, $0xb8;
	[tilespmem:$0x10400] =	vst v63  }
0x180: {  	_ =	swait.ge [sflag:s3], $0x800  }
0x181: {  	[sflag:s3] =	ssyncset.done $0x0  }
0x182: {  	s1 =	rddreg [dreg:$0x12];
	[sflag:s3] =	ssyncadd.s32 $0xFFFFF800  }
0x183: {  	[hbm4b:s2+s5] =	stream.indirect.scatter [tilespmem:s1], [sflag:$0x1], $0x10, s9, s5, $0xb8;
	[tilespmem:$0x10400] =	vst v63  }
0x184: {  	_ =	swait.ge [sflag:s3], $0x800  }
0x185: {  	[sflag:s3] =	ssyncset.done $0x0  }
0x186: {  	s31 =	rddreg [dreg:$0x13];
	[sflag:s3] =	ssyncadd.s32 $0xFFFFF800  }
0x187: {  	[hbm4b:s2+s5] =	stream.indirect.scatter [tilespmem:s31], [sflag:$0x1], $0x10, s8, s5, $0xb8;
	[tilespmem:$0x10400] =	vst v63  }
0x188: {  	_ =	swait.ge [sflag:s3], $0x800  }
0x189: {  	[sflag:s3] =	ssyncset.done $0x0  }
0x18a: {  	s1 =	rddreg [dreg:$0x14];
	[sflag:s3] =	ssyncadd.s32 $0xFFFFF800  }
0x18b: {  	[hbm4b:s2+s5] =	stream.indirect.scatter [tilespmem:s1], [sflag:$0x1], $0x10, s7, s5, $0xb8;
	[tilespmem:$0x10400] =	vst v63  }
0x18c: {  	_ =	swait.ge [sflag:s3], $0x800  }
0x18d: {  	[sflag:s3] =	ssyncset.done $0x0  }
0x18e: {  	s31 =	rddreg [dreg:$0x15];
	[sflag:s3] =	ssyncadd.s32 $0xFFFFF800  }
0x18f: {  	[hbm4b:s2+s5] =	stream.indirect.scatter [tilespmem:s31], [sflag:$0x1], $0x10, s6, s5, $0xb8;
	[tilespmem:$0x10400] =	vst v63  }
0x190: {  	_ =	swait.ge [sflag:s3], $0x800  }
0x191: {  	[sflag:s3] =	ssyncset.done $0x0  }
0x192: {  	s1 =	rddreg [dreg:$0x5];
	[sflag:s3] =	ssyncadd.s32 $0xFFFFF800  }
0x193: {  	[tilespmem:s10], [sflag:$0x1] =	stream.linear.gather [hbm4b:s1+s4], $0x400, $0x38;
	[tilespmem:$0x10400] =	vst v63  }
0x194: {  	_ =	swait.ge [sflag:s3], $0x400  }
0x195: {  	[sflag:s3] =	ssyncset.done $0x0  }
0x196: {  	[sflag:s3] =	ssyncadd.s32 $0xFFFFFC00  }
0x197: {  	[hbm4b:s2+s5] =	stream.indirect.scatter [tilespmem:s30], [sflag:$0x1], $0x10, s10, s5, $0xb8;
	[tilespmem:$0x10400] =	vst v63  }
0x198: {  	_ =	swait.ge [sflag:s3], $0x800  }
0x199: {  	[sflag:s3] =	ssyncset.done $0x0  }
0x19a: {  	[sflag:s3] =	ssyncadd.s32 $0xFFFFF800  }
0x19b: {  	[hbm4b:s2+s5] =	stream.indirect.scatter [tilespmem:s29], [sflag:$0x1], $0x10, s13, s5, $0xb8;
	[tilespmem:$0x10400] =	vst v63  }
0x19c: {  	_ =	swait.ge [sflag:s3], $0x800  }
0x19d: {  	[sflag:s3] =	ssyncset.done $0x0  }
0x19e: {  	[sflag:s3] =	ssyncadd.s32 $0xFFFFF800  }
0x19f: {  	[hbm4b:s2+s5] =	stream.indirect.scatter [tilespmem:s28], [sflag:$0x1], $0x10, s12, s5, $0xb8;
	[tilespmem:$0x10400] =	vst v63  }
0x1a0: {  	_ =	swait.ge [sflag:s3], $0x800  }
0x1a1: {  	[sflag:s3] =	ssyncset.done $0x0  }
0x1a2: {  	[sflag:s3] =	ssyncadd.s32 $0xFFFFF800  }
0x1a3: {  	[hbm4b:s2+s5] =	stream.indirect.scatter [tilespmem:s26], [sflag:$0x1], $0x10, s11, s5, $0xb8;
	[tilespmem:$0x10400] =	vst v63  }
0x1a4: {  	_ =	swait.ge [sflag:s3], $0x800  }
0x1a5: {  	[sflag:s3] =	ssyncset.done $0x0  }
0x1a6: {  	[sflag:s3] =	ssyncadd.s32 $0xFFFFF800  }
0x1a7: {  	[hbm4b:s2+s5] =	stream.indirect.scatter [tilespmem:s25], [sflag:$0x1], $0x10, s9, s5, $0xb8;
	[tilespmem:$0x10400] =	vst v63  }
0x1a8: {  	_ =	swait.ge [sflag:s3], $0x800  }
0x1a9: {  	[sflag:s3] =	ssyncset.done $0x0  }
0x1aa: {  	[sflag:s3] =	ssyncadd.s32 $0xFFFFF800  }
0x1ab: {  	[hbm4b:s2+s5] =	stream.indirect.scatter [tilespmem:s24], [sflag:$0x1], $0x10, s8, s5, $0xb8;
	[tilespmem:$0x10400] =	vst v63  }
0x1ac: {  	_ =	swait.ge [sflag:s3], $0x800  }
0x1ad: {  	[sflag:s3] =	ssyncset.done $0x0  }
0x1ae: {  	[sflag:s3] =	ssyncadd.s32 $0xFFFFF800  }
0x1af: {  	[hbm4b:s2+s5] =	stream.indirect.scatter [tilespmem:s23], [sflag:$0x1], $0x10, s7, s5, $0xb8;
	[tilespmem:$0x10400] =	vst v63  }
0x1b0: {  	_ =	swait.ge [sflag:s3], $0x800  }
0x1b1: {  	[sflag:s3] =	ssyncset.done $0x0  }
0x1b2: {  	[sflag:s3] =	ssyncadd.s32 $0xFFFFF800  }
0x1b3: {  	[hbm4b:s2+s5] =	stream.indirect.scatter [tilespmem:s22], [sflag:$0x1], $0x10, s6, s5, $0xb8;
	[tilespmem:$0x10400] =	vst v63  }
0x1b4: {  	_ =	swait.ge [sflag:s3], $0x800  }
0x1b5: {  	[sflag:s3] =	ssyncset.done $0x0  }
0x1b6: {  	s30 =	rddreg [dreg:$0x6];
	[sflag:s3] =	ssyncadd.s32 $0xFFFFF800  }
0x1b7: {  	[tilespmem:s10], [sflag:$0x1] =	stream.linear.gather [hbm4b:s30+s4], $0x400, $0x38;
	[tilespmem:$0x10400] =	vst v63  }
0x1b8: {  	_ =	swait.ge [sflag:s3], $0x400  }
0x1b9: {  	[sflag:s3] =	ssyncset.done $0x0  }
0x1ba: {  	[sflag:s3] =	ssyncadd.s32 $0xFFFFFC00  }
0x1bb: {  	[hbm4b:s2+s5] =	stream.indirect.scatter [tilespmem:s21], [sflag:$0x1], $0x10, s10, s5, $0xb8;
	[tilespmem:$0x10400] =	vst v63  }
0x1bc: {  	_ =	swait.ge [sflag:s3], $0x800  }
0x1bd: {  	[sflag:s3] =	ssyncset.done $0x0  }
0x1be: {  	[sflag:s3] =	ssyncadd.s32 $0xFFFFF800  }
0x1bf: {  	[hbm4b:s2+s5] =	stream.indirect.scatter [tilespmem:s19], [sflag:$0x1], $0x10, s13, s5, $0xb8;
	[tilespmem:$0x10400] =	vst v63  }
0x1c0: {  	_ =	swait.ge [sflag:s3], $0x800  }
0x1c1: {  	[sflag:s3] =	ssyncset.done $0x0  }
0x1c2: {  	[sflag:s3] =	ssyncadd.s32 $0xFFFFF800  }
0x1c3: {  	[hbm4b:s2+s5] =	stream.indirect.scatter [tilespmem:s20], [sflag:$0x1], $0x10, s12, s5, $0xb8;
	[tilespmem:$0x10400] =	vst v63  }
0x1c4: {  	_ =	swait.ge [sflag:s3], $0x800  }
0x1c5: {  	[sflag:s3] =	ssyncset.done $0x0  }
0x1c6: {  	[sflag:s3] =	ssyncadd.s32 $0xFFFFF800  }
0x1c7: {  	[hbm4b:s2+s5] =	stream.indirect.scatter [tilespmem:s18], [sflag:$0x1], $0x10, s11, s5, $0xb8;
	[tilespmem:$0x10400] =	vst v63  }
0x1c8: {  	_ =	swait.ge [sflag:s3], $0x800  }
0x1c9: {  	[sflag:s3] =	ssyncset.done $0x0  }
0x1ca: {  	[sflag:s3] =	ssyncadd.s32 $0xFFFFF800  }
0x1cb: {  	[hbm4b:s2+s5] =	stream.indirect.scatter [tilespmem:s17], [sflag:$0x1], $0x10, s9, s5, $0xb8;
	[tilespmem:$0x10400] =	vst v63  }
0x1cc: {  	_ =	swait.ge [sflag:s3], $0x800  }
0x1cd: {  	[sflag:s3] =	ssyncset.done $0x0  }
0x1ce: {  	[sflag:s3] =	ssyncadd.s32 $0xFFFFF800  }
0x1cf: {  	[hbm4b:s2+s5] =	stream.indirect.scatter [tilespmem:s16], [sflag:$0x1], $0x10, s8, s5, $0xb8;
	[tilespmem:$0x10400] =	vst v63  }
0x1d0: {  	_ =	swait.ge [sflag:s3], $0x800  }
0x1d1: {  	[sflag:s3] =	ssyncset.done $0x0  }
0x1d2: {  	[sflag:s3] =	ssyncadd.s32 $0xFFFFF800  }
0x1d3: {  	[hbm4b:s2+s5] =	stream.indirect.scatter [tilespmem:s15], [sflag:$0x1], $0x10, s7, s5, $0xb8;
	[tilespmem:$0x10400] =	vst v63  }
0x1d4: {  	_ =	swait.ge [sflag:s3], $0x800  }
0x1d5: {  	[sflag:s3] =	ssyncset.done $0x0  }
0x1d6: {  	[sflag:s3] =	ssyncadd.s32 $0xFFFFF800  }
0x1d7: {  	[hbm4b:s2+s5] =	stream.indirect.scatter [tilespmem:s14], [sflag:$0x1], $0x10, s6, s5, $0xb8;
	[tilespmem:$0x10400] =	vst v63  }
0x1d8: {  	_ =	swait.ge [sflag:s3], $0x800  }
0x1d9: {  	[sflag:s3] =	ssyncset.done $0x0  }
0x1da: {  	[sflag:s3] =	ssyncadd.s32 $0xFFFFF800  }
0x1db: {  	_ =	sfence.sel $0x180000  }
0x1dc: {  	[bflag:$0x0] =	sbarrier.arrive $0xFFFF  }
0x1dd: {  	_ =	strace $0x90000047  }
0x1de: {  	s31 =	stileid.u32;
	[bflag:$0x2] =	sbarrier.arrive $0xFFFF  }
0x1df: {  	p0 =	sne.s32 s31, $0x0;
	s0 =	rddreg [dreg:$0x2]  }
0x1e0: {  	s0 =	sadd.s32 @!p0 $0x100000, s0  }
0x1e1: {  	[sflag:s0] =	ssyncadd.tile.s32 @!p0 $0x1;
	_ =	shalt  }
.Lfunc_end2:
_tile_overlayer_lowered:
.L_overlay_start_2:
0x1e2: {  	(tag) =	ssettag $0x2  }
0x1e3: {  	s0 =	rddreg [dreg:$0x0];
	s2 =	stileid.u32  }
0x1e4: {  	s1 =	rddreg [dreg:$0x1];
	p0 =	sne.s32 s2, $0x0  }
0x1e5: {  	s3 =	rddreg [dreg:$0x2];
	[bflag:$0x3] =	sbarrier.arrive $0xFFFF;
	s2 =	simm.s32 @!p0 $0x1C01  }
0x1e6: {  	[timem:s3], [sflag:s2] =	dma.local @!p0 [hbm:s0], s1  }
0x1e7: {  	s0 =	simm.s32 @!p0 $0x1  }
0x1e8: {  	_ =	swait.ge @!p0 [sflag:s0], s1  }
0x1e9: {  	s1 =	ssub.s32 @!p0 $0x0, s1;
	[sflag:s0] =	ssyncset.done @!p0 $0x0  }
0x1ea: {  	[sflag:s0] =	ssyncadd.s32 @!p0 s1  }
0x1eb: {  	[bflag:$0x3] =	sbarrier.arrive $0xFFFF  }
0x1ec: {  	_ =	shalt  }

</sc_bundles>
